<compile_context>
chip_gen: v7x
topology: tpu7x:2x2x1
jax: 0.10.2.dev20260603
libtpu: 0.0.44.dev20260713+nightly
codegen_flags: <defaults>
</compile_context>

<pallas_src>
import jax
import jax.numpy as jnp
from jax import lax
from jax.experimental import pallas as pl
from jax.experimental.pallas import tpu as pltpu
from jax.experimental.pallas import tpu_sc as plsc

_B, _S, _D = 4, 2048, 1024
_N = _B * _S
_SCALE = 32.0

_NC, _NS, _L = 2, 16, 16
_NW = _NC * _NS
_TPW = _N // _NW
_WPR = _S // _TPW
_T = 16
_NCHUNK = _TPW // _T
_NSLOT = 2
_NGRP = _NCHUNK // _NSLOT


def _sc_body(ids_hbm, pids_hbm, wtab_hbm, ptab_hbm, out_hbm,
             idx_v, pidx_v, *bufs_and_sems):
    wbufs = bufs_and_sems[0:_NSLOT]
    pbufs = bufs_and_sems[_NSLOT:2 * _NSLOT]
    obufs = bufs_and_sems[2 * _NSLOT:3 * _NSLOT]
    sgs = bufs_and_sems[3 * _NSLOT:4 * _NSLOT]
    sws = bufs_and_sems[4 * _NSLOT:5 * _NSLOT]
    wid = lax.axis_index("s") * _NC + lax.axis_index("c")
    tok0 = wid * _TPW
    row = wid // _WPR
    col0 = (wid % _WPR) * _TPW

    pltpu.async_copy(ids_hbm.at[row, pl.ds(col0, _TPW)], idx_v, sgs[0])
    pltpu.async_copy(pids_hbm.at[row, pl.ds(col0, _TPW)], pidx_v, sgs[1])
    pltpu.make_async_copy(ids_hbm.at[row, pl.ds(col0, _TPW)], idx_v, sgs[0]).wait()
    pltpu.make_async_copy(pids_hbm.at[row, pl.ds(col0, _TPW)], pidx_v, sgs[1]).wait()

    def issue_gathers(c, b):
        off = c * _T
        pltpu.async_copy(wtab_hbm.at[idx_v.at[pl.ds(off, _T)]], wbufs[b], sgs[b])
        pltpu.async_copy(ptab_hbm.at[pidx_v.at[pl.ds(off, _T)]], pbufs[b], sgs[b])

    def wait_gathers(c, b):
        off = c * _T
        pltpu.make_async_copy(
            wtab_hbm.at[idx_v.at[pl.ds(off, _T)]], wbufs[b], sgs[b]).wait()
        pltpu.make_async_copy(
            ptab_hbm.at[pidx_v.at[pl.ds(off, _T)]], pbufs[b], sgs[b]).wait()

    def wait_wb(b):
        pltpu.make_async_copy(
            obufs[b], out_hbm.at[pl.ds(tok0, _T)], sws[b]).wait()

    for b in range(_NSLOT):
        issue_gathers(b, b)

    def group(g, carry):
        for b in range(_NSLOT):
            c = g * _NSLOT + b

            @pl.when(g > 0)
            def _():
                wait_wb(b)

            wait_gathers(c, b)

            def row_fn(r, rc):
                for j in range(_D // _L):
                    s = pl.ds(j * _L, _L)
                    obufs[b][r, s] = wbufs[b][r, s] * _SCALE + pbufs[b][r, s]
                return rc

            lax.fori_loop(0, _T, row_fn, 0)

            pltpu.async_copy(
                obufs[b], out_hbm.at[pl.ds(tok0 + c * _T, _T)], sws[b])

            @pl.when(g < _NGRP - 1)
            def _():
                issue_gathers(c + _NSLOT, b)
        return carry

    lax.fori_loop(0, _NGRP, group, 0)

    for b in range(_NSLOT):
        wait_wb(b)


def kernel(input_ids, position_ids, word_table, pos_table):
    ids = input_ids.astype(jnp.int32)
    pids = position_ids.astype(jnp.int32)
    mesh = plsc.VectorSubcoreMesh(
        core_axis_name="c", subcore_axis_name="s",
        num_cores=_NC, num_subcores=_NS)
    out = pl.kernel(
        _sc_body,
        out_type=jax.ShapeDtypeStruct((_N, _D), jnp.float32),
        mesh=mesh,
        scratch_types=(
            [pltpu.VMEM((_TPW,), jnp.int32)] * 2
            + [pltpu.VMEM((_T, _D), jnp.float32)] * (3 * _NSLOT)
            + [pltpu.SemaphoreType.DMA] * (2 * _NSLOT)
        ),
    )(ids, pids, word_table, pos_table)
    return out.reshape(_B, _S, _D)

# --- scband reference (transcript-rebuilt; emitter-appended) ---
"""Pipeline reference for scband-bloom-embeddings-10685878633226 (READ-ONLY COPY).

The authoritative reference and input builder live on the scoring server;
editing this copy changes nothing except your own understanding.
"""

import jax, jax.numpy as jnp
import numpy as np
import math

VOCAB = 250880
INPUT_DIM = 1024
EMBED_DIM = 1024
MAX_POS = 2048
PAD = 1
B, S = 4, 2048

def setup_inputs(seed: int = 0) -> dict:
    key = jax.random.key(seed)
    k1, k2, k3 = jax.random.split(key, 3)
    input_ids = jax.random.randint(k1, (B, S), 0, VOCAB, dtype=jnp.int64 if jax.config.jax_enable_x64 else jnp.int32)
    position_ids = jnp.arange(B * S, dtype=jnp.int32).reshape(B, S) % (MAX_POS + PAD + 1)
    word_table = jax.random.normal(k2, (VOCAB, INPUT_DIM), dtype=jnp.float32) * 0.02
    pos_table = jax.random.normal(k3, (MAX_POS + PAD + 1, EMBED_DIM), dtype=jnp.float32) * 0.02
    return {"input_ids": input_ids, "position_ids": position_ids,
            "word_table": word_table, "pos_table": pos_table}

def reference(input_ids, position_ids, word_table, pos_table):
    embed_scale = math.sqrt(EMBED_DIM)
    inputs_embeds = embed_scale * jnp.take(word_table, input_ids.astype(jnp.int32), axis=0)
    # decoder_input_dim == decoder_embed_dim -> no project_in_dim
    position_embeds = jnp.take(pos_table, position_ids.astype(jnp.int32), axis=0)
    return inputs_embeds + position_embeds

if __name__ == "__main__":
    import jax
    _d = setup_inputs()
    print(jax.jit(kernel)(*tuple(_d.values())))

</pallas_src>

<mosaic_0001>
#map = affine_map<(d0, d1) -> (0, 0)>
module attributes {stable_mosaic.version = 14 : i64} {
  func.func @_sc_body(%arg0: i32, %arg1: i32, %arg2: memref<4x2048xi32, #tpu.memory_space<hbm>>, %arg3: memref<4x2048xi32, #tpu.memory_space<hbm>>, %arg4: memref<250880x1024xf32, #tpu.memory_space<hbm>>, %arg5: memref<2050x1024xf32, #tpu.memory_space<hbm>>, %arg6: memref<8192x1024xf32, #tpu.memory_space<hbm>>, %arg7: memref<256xi32, #tpu.memory_space<vmem>>, %arg8: memref<256xi32, #tpu.memory_space<vmem>>, %arg9: memref<16x1024xf32, #tpu.memory_space<vmem>>, %arg10: memref<16x1024xf32, #tpu.memory_space<vmem>>, %arg11: memref<16x1024xf32, #tpu.memory_space<vmem>>, %arg12: memref<16x1024xf32, #tpu.memory_space<vmem>>, %arg13: memref<16x1024xf32, #tpu.memory_space<vmem>>, %arg14: memref<16x1024xf32, #tpu.memory_space<vmem>>, %arg15: memref<!tpu.dma_semaphore, #tpu.memory_space<semaphore_mem>>, %arg16: memref<!tpu.dma_semaphore, #tpu.memory_space<semaphore_mem>>, %arg17: memref<!tpu.dma_semaphore, #tpu.memory_space<semaphore_mem>>, %arg18: memref<!tpu.dma_semaphore, #tpu.memory_space<semaphore_mem>>) attributes {dimension_semantics = [#tpu.dimension_semantics<core_parallel>, #tpu.dimension_semantics<subcore_parallel>], iteration_bounds = array<i64: 2, 16>, scalar_prefetch = 0 : i64, scratch_operands = 12 : i64, tpu.core_type = #tpu.core_type<sc_vector_subcore>, window_params = [{transform_indices = #map}, {transform_indices = #map}, {transform_indices = #map}, {transform_indices = #map}, {transform_indices = #map}]} {
    %mul3A = arith.constant 2 : i32
    %mul3A_0 = arith.muli %arg1, %mul3A : i32
    %add3A = arith.addi %mul3A_0, %arg0 : i32
    %mul3A_1 = arith.constant 256 : i32
    %mul3A_2 = arith.muli %add3A, %mul3A_1 : i32
    %jit3A = arith.constant 8 : i32
    %div3A = arith.divsi %add3A, %jit3A : i32
    %sign3A = arith.constant 0 : i32
    %sign3A_3 = arith.cmpi sgt, %add3A, %sign3A : i32
    %sign3A_4 = arith.extui %sign3A_3 : i1 to i32
    %sign3A_5 = arith.constant 0 : i32
    %sign3A_6 = arith.cmpi slt, %add3A, %sign3A_5 : i32
    %sign3A_7 = arith.extui %sign3A_6 : i1 to i32
    %sign3A_8 = arith.subi %sign3A_4, %sign3A_7 : i32
    %sign3A_9 = arith.constant 0 : i32
    %sign3A_10 = arith.cmpi sgt, %jit3A, %sign3A_9 : i32
    %sign3A_11 = arith.extui %sign3A_10 : i1 to i32
    %sign3A_12 = arith.constant 0 : i32
    %sign3A_13 = arith.cmpi slt, %jit3A, %sign3A_12 : i32
    %sign3A_14 = arith.extui %sign3A_13 : i1 to i32
    %sign3A_15 = arith.subi %sign3A_11, %sign3A_14 : i32
    %ne3A = arith.cmpi ne, %sign3A_8, %sign3A_15 : i32
    %rem3A = arith.remsi %add3A, %jit3A : i32
    %ne3A_16 = arith.constant 0 : i32
    %ne3A_17 = arith.cmpi ne, %rem3A, %ne3A_16 : i32
    %and3A = arith.andi %ne3A, %ne3A_17 : i1
    %sub3A = arith.constant 1 : i32
    %sub3A_18 = arith.subi %div3A, %sub3A : i32
    %select_n3A = arith.select %and3A, %sub3A_18, %div3A : i32
    %jit3A_19 = arith.constant 8 : i32
    %eq3A = arith.constant 0 : i32
    %eq3A_20 = arith.cmpi eq, %jit3A_19, %eq3A : i32
    %jit3A_21 = arith.constant 1 : i32
    %select_n3A_22 = arith.select %eq3A_20, %jit3A_21, %jit3A_19 : i32
    %rem3A_23 = arith.remsi %add3A, %select_n3A_22 : i32
    %ne3A_24 = arith.constant 0 : i32
    %ne3A_25 = arith.cmpi ne, %rem3A_23, %ne3A_24 : i32
    %lt3A = arith.constant 0 : i32
    %lt3A_26 = arith.cmpi slt, %rem3A_23, %lt3A : i32
    %lt3A_27 = arith.constant 0 : i32
    %lt3A_28 = arith.cmpi slt, %select_n3A_22, %lt3A_27 : i32
    %ne3A_29 = arith.xori %lt3A_26, %lt3A_28 : i1
    %and3A_30 = arith.andi %ne3A_29, %ne3A_25 : i1
    %add3A_31 = arith.addi %rem3A_23, %select_n3A_22 : i32
    %select_n3A_32 = arith.select %and3A_30, %add3A_31, %rem3A_23 : i32
    %mul3A_33 = arith.constant 256 : i32
    %mul3A_34 = arith.muli %select_n3A_32, %mul3A_33 : i32
    %dma_start3A = tpu.memref_slice %arg2[%select_n3A, %mul3A_34] : memref<4x2048xi32, #tpu.memory_space<hbm>> -> memref<1x256xi32, #tpu.memory_space<hbm>>
    %dma_start3A_35 = tpu.memref_squeeze %dma_start3A : memref<1x256xi32, #tpu.memory_space<hbm>> -> memref<256xi32, #tpu.memory_space<hbm>>
    %dma_start3A_36 = tpu.memref_slice %arg2[%select_n3A, %mul3A_34] : memref<4x2048xi32, #tpu.memory_space<hbm>> -> memref<1x256xi32, #tpu.memory_space<hbm>>
    %dma_start3A_37 = tpu.memref_squeeze %dma_start3A_36 : memref<1x256xi32, #tpu.memory_space<hbm>> -> memref<256xi32, #tpu.memory_space<hbm>>
    tpu.enqueue_dma source(%dma_start3A_37 : memref<256xi32, #tpu.memory_space<hbm>>) target(%arg7 : memref<256xi32, #tpu.memory_space<vmem>>) target_semaphore(%arg15 : memref<!tpu.dma_semaphore, #tpu.memory_space<semaphore_mem>>)
    %dma_start3A_38 = tpu.memref_slice %arg3[%select_n3A, %mul3A_34] : memref<4x2048xi32, #tpu.memory_space<hbm>> -> memref<1x256xi32, #tpu.memory_space<hbm>>
    %dma_start3A_39 = tpu.memref_squeeze %dma_start3A_38 : memref<1x256xi32, #tpu.memory_space<hbm>> -> memref<256xi32, #tpu.memory_space<hbm>>
    %dma_start3A_40 = tpu.memref_slice %arg3[%select_n3A, %mul3A_34] : memref<4x2048xi32, #tpu.memory_space<hbm>> -> memref<1x256xi32, #tpu.memory_space<hbm>>
    %dma_start3A_41 = tpu.memref_squeeze %dma_start3A_40 : memref<1x256xi32, #tpu.memory_space<hbm>> -> memref<256xi32, #tpu.memory_space<hbm>>
    tpu.enqueue_dma source(%dma_start3A_41 : memref<256xi32, #tpu.memory_space<hbm>>) target(%arg8 : memref<256xi32, #tpu.memory_space<vmem>>) target_semaphore(%arg16 : memref<!tpu.dma_semaphore, #tpu.memory_space<semaphore_mem>>)
    %dma_wait3A = tpu.memref_slice %arg2[%select_n3A, %mul3A_34] : memref<4x2048xi32, #tpu.memory_space<hbm>> -> memref<1x256xi32, #tpu.memory_space<hbm>>
    %dma_wait3A_42 = tpu.memref_squeeze %dma_wait3A : memref<1x256xi32, #tpu.memory_space<hbm>> -> memref<256xi32, #tpu.memory_space<hbm>>
    %dma_wait3A_43 = tpu.memref_slice %arg2[%select_n3A, %mul3A_34] : memref<4x2048xi32, #tpu.memory_space<hbm>> -> memref<1x256xi32, #tpu.memory_space<hbm>>
    %dma_wait3A_44 = tpu.memref_squeeze %dma_wait3A_43 : memref<1x256xi32, #tpu.memory_space<hbm>> -> memref<256xi32, #tpu.memory_space<hbm>>
    tpu.wait_dma2 semaphore(%arg15 : memref<!tpu.dma_semaphore, #tpu.memory_space<semaphore_mem>>) src(%dma_wait3A_44 : memref<256xi32, #tpu.memory_space<hbm>>) dst(%arg7 : memref<256xi32, #tpu.memory_space<vmem>>)
    %dma_wait3A_45 = tpu.memref_slice %arg3[%select_n3A, %mul3A_34] : memref<4x2048xi32, #tpu.memory_space<hbm>> -> memref<1x256xi32, #tpu.memory_space<hbm>>
    %dma_wait3A_46 = tpu.memref_squeeze %dma_wait3A_45 : memref<1x256xi32, #tpu.memory_space<hbm>> -> memref<256xi32, #tpu.memory_space<hbm>>
    %dma_wait3A_47 = tpu.memref_slice %arg3[%select_n3A, %mul3A_34] : memref<4x2048xi32, #tpu.memory_space<hbm>> -> memref<1x256xi32, #tpu.memory_space<hbm>>
    %dma_wait3A_48 = tpu.memref_squeeze %dma_wait3A_47 : memref<1x256xi32, #tpu.memory_space<hbm>> -> memref<256xi32, #tpu.memory_space<hbm>>
    tpu.wait_dma2 semaphore(%arg16 : memref<!tpu.dma_semaphore, #tpu.memory_space<semaphore_mem>>) src(%dma_wait3A_48 : memref<256xi32, #tpu.memory_space<hbm>>) dst(%arg8 : memref<256xi32, #tpu.memory_space<vmem>>)
    %dma_start3A_49 = arith.constant 0 : i32
    %dma_start3A_50 = tpu.memref_slice %arg7[%dma_start3A_49] : memref<256xi32, #tpu.memory_space<vmem>> -> memref<16xi32, #tpu.memory_space<vmem>>
    %dma_start3A_51 = arith.constant 0 : i32
    %dma_start3A_52 = arith.constant 0 : i32
    %dma_start3A_53 = tpu.memref_slice %arg4[%dma_start3A_51, %dma_start3A_52] : memref<250880x1024xf32, #tpu.memory_space<hbm>> -> memref<250880x1024xf32, #tpu.memory_space<hbm>>
    tpu.enqueue_indirect_dma source(%dma_start3A_53 : memref<250880x1024xf32, #tpu.memory_space<hbm>>) target(%arg9 : memref<16x1024xf32, #tpu.memory_space<vmem>>) offsets(%dma_start3A_50 : memref<16xi32, #tpu.memory_space<vmem>>) semaphore(%arg15 : memref<!tpu.dma_semaphore, #tpu.memory_space<semaphore_mem>>)
    %dma_start3A_54 = arith.constant 0 : i32
    %dma_start3A_55 = tpu.memref_slice %arg8[%dma_start3A_54] : memref<256xi32, #tpu.memory_space<vmem>> -> memref<16xi32, #tpu.memory_space<vmem>>
    %dma_start3A_56 = arith.constant 0 : i32
    %dma_start3A_57 = arith.constant 0 : i32
    %dma_start3A_58 = tpu.memref_slice %arg5[%dma_start3A_56, %dma_start3A_57] : memref<2050x1024xf32, #tpu.memory_space<hbm>> -> memref<2050x1024xf32, #tpu.memory_space<hbm>>
    tpu.enqueue_indirect_dma source(%dma_start3A_58 : memref<2050x1024xf32, #tpu.memory_space<hbm>>) target(%arg11 : memref<16x1024xf32, #tpu.memory_space<vmem>>) offsets(%dma_start3A_55 : memref<16xi32, #tpu.memory_space<vmem>>) semaphore(%arg15 : memref<!tpu.dma_semaphore, #tpu.memory_space<semaphore_mem>>)
    %dma_start3A_59 = arith.constant 16 : i32
    %dma_start3A_60 = tpu.memref_slice %arg7[%dma_start3A_59] : memref<256xi32, #tpu.memory_space<vmem>> -> memref<16xi32, #tpu.memory_space<vmem>>
    %dma_start3A_61 = arith.constant 0 : i32
    %dma_start3A_62 = arith.constant 0 : i32
    %dma_start3A_63 = tpu.memref_slice %arg4[%dma_start3A_61, %dma_start3A_62] : memref<250880x1024xf32, #tpu.memory_space<hbm>> -> memref<250880x1024xf32, #tpu.memory_space<hbm>>
    tpu.enqueue_indirect_dma source(%dma_start3A_63 : memref<250880x1024xf32, #tpu.memory_space<hbm>>) target(%arg10 : memref<16x1024xf32, #tpu.memory_space<vmem>>) offsets(%dma_start3A_60 : memref<16xi32, #tpu.memory_space<vmem>>) semaphore(%arg16 : memref<!tpu.dma_semaphore, #tpu.memory_space<semaphore_mem>>)
    %dma_start3A_64 = arith.constant 16 : i32
    %dma_start3A_65 = tpu.memref_slice %arg8[%dma_start3A_64] : memref<256xi32, #tpu.memory_space<vmem>> -> memref<16xi32, #tpu.memory_space<vmem>>
    %dma_start3A_66 = arith.constant 0 : i32
    %dma_start3A_67 = arith.constant 0 : i32
    %dma_start3A_68 = tpu.memref_slice %arg5[%dma_start3A_66, %dma_start3A_67] : memref<2050x1024xf32, #tpu.memory_space<hbm>> -> memref<2050x1024xf32, #tpu.memory_space<hbm>>
    tpu.enqueue_indirect_dma source(%dma_start3A_68 : memref<2050x1024xf32, #tpu.memory_space<hbm>>) target(%arg12 : memref<16x1024xf32, #tpu.memory_space<vmem>>) offsets(%dma_start3A_65 : memref<16xi32, #tpu.memory_space<vmem>>) semaphore(%arg16 : memref<!tpu.dma_semaphore, #tpu.memory_space<semaphore_mem>>)
    %scan3A = arith.constant 0 : i32
    %scan3A_69 = arith.constant 0 : i32
    %scan3A_70 = arith.constant 8 : i32
    %scan3A_71 = arith.addi %scan3A_69, %scan3A_70 : i32
    %scan3A_72 = arith.constant 1 : i32
    scf.for %scan3A_82 = %scan3A_69 to %scan3A_71 step %scan3A_72  : i32 {
      %mul3A_83 = arith.constant 2 : i32
      %mul3A_84 = arith.muli %scan3A_82, %mul3A_83 : i32
      %add3A_85 = arith.constant 0 : i32
      %add3A_86 = arith.addi %mul3A_84, %add3A_85 : i32
      %gt3A = arith.constant 0 : i32
      %gt3A_87 = arith.cmpi sgt, %scan3A_82, %gt3A : i32
      %convert_element_type3A = arith.extui %gt3A_87 : i1 to i32
      %cond3A = arith.constant 0 : i32
      %cond3A_88 = arith.cmpi ne, %convert_element_type3A, %cond3A : i32
      scf.if %cond3A_88 {
        %dma_wait3A_154 = arith.constant 0 : i32
        %dma_wait3A_155 = tpu.memref_slice %arg6[%mul3A_2, %dma_wait3A_154] : memref<8192x1024xf32, #tpu.memory_space<hbm>> -> memref<16x1024xf32, #tpu.memory_space<hbm>>
        %dma_wait3A_156 = arith.constant 0 : i32
        %dma_wait3A_157 = tpu.memref_slice %arg6[%mul3A_2, %dma_wait3A_156] : memref<8192x1024xf32, #tpu.memory_space<hbm>> -> memref<16x1024xf32, #tpu.memory_space<hbm>>
        tpu.wait_dma2 semaphore(%arg17 : memref<!tpu.dma_semaphore, #tpu.memory_space<semaphore_mem>>) src(%arg13 : memref<16x1024xf32, #tpu.memory_space<vmem>>) dst(%dma_wait3A_157 : memref<16x1024xf32, #tpu.memory_space<hbm>>)
      } else {
      }
      %mul3A_89 = arith.constant 16 : i32
      %mul3A_90 = arith.muli %add3A_86, %mul3A_89 : i32
      %dma_wait3A_91 = tpu.memref_slice %arg7[%mul3A_90] : memref<256xi32, #tpu.memory_space<vmem>> -> memref<16xi32, #tpu.memory_space<vmem>>
      %dma_wait3A_92 = arith.constant 0 : i32
      %dma_wait3A_93 = arith.constant 0 : i32
      %dma_wait3A_94 = tpu.memref_slice %arg4[%dma_wait3A_92, %dma_wait3A_93] : memref<250880x1024xf32, #tpu.memory_space<hbm>> -> memref<250880x1024xf32, #tpu.memory_space<hbm>>
      tpu.wait_indirect_dma semaphore(%arg15 : memref<!tpu.dma_semaphore, #tpu.memory_space<semaphore_mem>>) src(%dma_wait3A_94 : memref<250880x1024xf32, #tpu.memory_space<hbm>>) dst(%arg9 : memref<16x1024xf32, #tpu.memory_space<vmem>>)
      %dma_wait3A_95 = tpu.memref_slice %arg8[%mul3A_90] : memref<256xi32, #tpu.memory_space<vmem>> -> memref<16xi32, #tpu.memory_space<vmem>>
      %dma_wait3A_96 = arith.constant 0 : i32
      %dma_wait3A_97 = arith.constant 0 : i32
      %dma_wait3A_98 = tpu.memref_slice %arg5[%dma_wait3A_96, %dma_wait3A_97] : memref<2050x1024xf32, #tpu.memory_space<hbm>> -> memref<2050x1024xf32, #tpu.memory_space<hbm>>
      tpu.wait_indirect_dma semaphore(%arg15 : memref<!tpu.dma_semaphore, #tpu.memory_space<semaphore_mem>>) src(%dma_wait3A_98 : memref<2050x1024xf32, #tpu.memory_space<hbm>>) dst(%arg11 : memref<16x1024xf32, #tpu.memory_space<vmem>>)
      %scan3A_99 = arith.constant 0 : i32
      %scan3A_100 = arith.constant 0 : i32
      %scan3A_101 = arith.constant 16 : i32
      %scan3A_102 = arith.addi %scan3A_100, %scan3A_101 : i32
      %scan3A_103 = arith.constant 1 : i32
      scf.for %scan3A_154 = %scan3A_100 to %scan3A_102 step %scan3A_103  : i32 {
        %get3A = arith.index_cast %scan3A_154 : i32 to index
        %get3A_155 = arith.constant 0 : index
        %get3A_156 = tpu.vector_load %arg9[%get3A, %get3A_155] {strides = array<i32>} : memref<16x1024xf32, #tpu.memory_space<vmem>>, vector<1x16xf32>,
        %get3A_157 = vector.shape_cast %get3A_156 : vector<1x16xf32> to vector<16xf32>
        %mul3A_158 = arith.constant 3.200000e+01 : f32
        %mul3A_159 = vector.broadcast %mul3A_158 : f32 to vector<16xf32>
        %mul3A_160 = arith.mulf %get3A_157, %mul3A_159 : vector<16xf32>
        %get3A_161 = arith.index_cast %scan3A_154 : i32 to index
        %get3A_162 = arith.constant 0 : index
        %get3A_163 = tpu.vector_load %arg11[%get3A_161, %get3A_162] {strides = array<i32>} : memref<16x1024xf32, #tpu.memory_space<vmem>>, vector<1x16xf32>,
        %get3A_164 = vector.shape_cast %get3A_163 : vector<1x16xf32> to vector<16xf32>
        %add3A_165 = arith.addf %mul3A_160, %get3A_164 : vector<16xf32>
        %swap3A = arith.index_cast %scan3A_154 : i32 to index
        %swap3A_166 = arith.constant 0 : index
        %swap3A_167 = tpu.vector_load %arg13[%swap3A, %swap3A_166] {strides = array<i32>} : memref<16x1024xf32, #tpu.memory_space<vmem>>, vector<1x16xf32>,
        %swap3A_168 = vector.shape_cast %swap3A_167 : vector<1x16xf32> to vector<16xf32>
        %swap3A_169 = vector.shape_cast %add3A_165 : vector<16xf32> to vector<1x16xf32>
        tpu.vector_store %arg13[%swap3A, %swap3A_166], %swap3A_169 {strides = array<i32>} : memref<16x1024xf32, #tpu.memory_space<vmem>>, vector<1x16xf32>,
        %get3A_170 = arith.index_cast %scan3A_154 : i32 to index
        %get3A_171 = arith.constant 16 : index
        %get3A_172 = tpu.vector_load %arg9[%get3A_170, %get3A_171] {strides = array<i32>} : memref<16x1024xf32, #tpu.memory_space<vmem>>, vector<1x16xf32>,
        %get3A_173 = vector.shape_cast %get3A_172 : vector<1x16xf32> to vector<16xf32>
        %mul3A_174 = arith.constant 3.200000e+01 : f32
        %mul3A_175 = vector.broadcast %mul3A_174 : f32 to vector<16xf32>
        %mul3A_176 = arith.mulf %get3A_173, %mul3A_175 : vector<16xf32>
        %get3A_177 = arith.index_cast %scan3A_154 : i32 to index
        %get3A_178 = arith.constant 16 : index
        %get3A_179 = tpu.vector_load %arg11[%get3A_177, %get3A_178] {strides = array<i32>} : memref<16x1024xf32, #tpu.memory_space<vmem>>, vector<1x16xf32>,
        %get3A_180 = vector.shape_cast %get3A_179 : vector<1x16xf32> to vector<16xf32>
        %add3A_181 = arith.addf %mul3A_176, %get3A_180 : vector<16xf32>
        %swap3A_182 = arith.index_cast %scan3A_154 : i32 to index
        %swap3A_183 = arith.constant 16 : index
        %swap3A_184 = tpu.vector_load %arg13[%swap3A_182, %swap3A_183] {strides = array<i32>} : memref<16x1024xf32, #tpu.memory_space<vmem>>, vector<1x16xf32>,
        %swap3A_185 = vector.shape_cast %swap3A_184 : vector<1x16xf32> to vector<16xf32>
        %swap3A_186 = vector.shape_cast %add3A_181 : vector<16xf32> to vector<1x16xf32>
        tpu.vector_store %arg13[%swap3A_182, %swap3A_183], %swap3A_186 {strides = array<i32>} : memref<16x1024xf32, #tpu.memory_space<vmem>>, vector<1x16xf32>,
        %get3A_187 = arith.index_cast %scan3A_154 : i32 to index
        %get3A_188 = arith.constant 32 : index
        %get3A_189 = tpu.vector_load %arg9[%get3A_187, %get3A_188] {strides = array<i32>} : memref<16x1024xf32, #tpu.memory_space<vmem>>, vector<1x16xf32>,
        %get3A_190 = vector.shape_cast %get3A_189 : vector<1x16xf32> to vector<16xf32>
        %mul3A_191 = arith.constant 3.200000e+01 : f32
        %mul3A_192 = vector.broadcast %mul3A_191 : f32 to vector<16xf32>
        %mul3A_193 = arith.mulf %get3A_190, %mul3A_192 : vector<16xf32>
        %get3A_194 = arith.index_cast %scan3A_154 : i32 to index
        %get3A_195 = arith.constant 32 : index
        %get3A_196 = tpu.vector_load %arg11[%get3A_194, %get3A_195] {strides = array<i32>} : memref<16x1024xf32, #tpu.memory_space<vmem>>, vector<1x16xf32>,
        %get3A_197 = vector.shape_cast %get3A_196 : vector<1x16xf32> to vector<16xf32>
        %add3A_198 = arith.addf %mul3A_193, %get3A_197 : vector<16xf32>
        %swap3A_199 = arith.index_cast %scan3A_154 : i32 to index
        %swap3A_200 = arith.constant 32 : index
        %swap3A_201 = tpu.vector_load %arg13[%swap3A_199, %swap3A_200] {strides = array<i32>} : memref<16x1024xf32, #tpu.memory_space<vmem>>, vector<1x16xf32>,
        %swap3A_202 = vector.shape_cast %swap3A_201 : vector<1x16xf32> to vector<16xf32>
        %swap3A_203 = vector.shape_cast %add3A_198 : vector<16xf32> to vector<1x16xf32>
        tpu.vector_store %arg13[%swap3A_199, %swap3A_200], %swap3A_203 {strides = array<i32>} : memref<16x1024xf32, #tpu.memory_space<vmem>>, vector<1x16xf32>,
        %get3A_204 = arith.index_cast %scan3A_154 : i32 to index
        %get3A_205 = arith.constant 48 : index
        %get3A_206 = tpu.vector_load %arg9[%get3A_204, %get3A_205] {strides = array<i32>} : memref<16x1024xf32, #tpu.memory_space<vmem>>, vector<1x16xf32>,
        %get3A_207 = vector.shape_cast %get3A_206 : vector<1x16xf32> to vector<16xf32>
        %mul3A_208 = arith.constant 3.200000e+01 : f32
        %mul3A_209 = vector.broadcast %mul3A_208 : f32 to vector<16xf32>
        %mul3A_210 = arith.mulf %get3A_207, %mul3A_209 : vector<16xf32>
        %get3A_211 = arith.index_cast %scan3A_154 : i32 to index
        %get3A_212 = arith.constant 48 : index
        %get3A_213 = tpu.vector_load %arg11[%get3A_211, %get3A_212] {strides = array<i32>} : memref<16x1024xf32, #tpu.memory_space<vmem>>, vector<1x16xf32>,
        %get3A_214 = vector.shape_cast %get3A_213 : vector<1x16xf32> to vector<16xf32>
        %add3A_215 = arith.addf %mul3A_210, %get3A_214 : vector<16xf32>
        %swap3A_216 = arith.index_cast %scan3A_154 : i32 to index
        %swap3A_217 = arith.constant 48 : index
        %swap3A_218 = tpu.vector_load %arg13[%swap3A_216, %swap3A_217] {strides = array<i32>} : memref<16x1024xf32, #tpu.memory_space<vmem>>, vector<1x16xf32>,
        %swap3A_219 = vector.shape_cast %swap3A_218 : vector<1x16xf32> to vector<16xf32>
        %swap3A_220 = vector.shape_cast %add3A_215 : vector<16xf32> to vector<1x16xf32>
        tpu.vector_store %arg13[%swap3A_216, %swap3A_217], %swap3A_220 {strides = array<i32>} : memref<16x1024xf32, #tpu.memory_space<vmem>>, vector<1x16xf32>,
        %get3A_221 = arith.index_cast %scan3A_154 : i32 to index
        %get3A_222 = arith.constant 64 : index
        %get3A_223 = tpu.vector_load %arg9[%get3A_221, %get3A_222] {strides = array<i32>} : memref<16x1024xf32, #tpu.memory_space<vmem>>, vector<1x16xf32>,
        %get3A_224 = vector.shape_cast %get3A_223 : vector<1x16xf32> to vector<16xf32>
        %mul3A_225 = arith.constant 3.200000e+01 : f32
        %mul3A_226 = vector.broadcast %mul3A_225 : f32 to vector<16xf32>
        %mul3A_227 = arith.mulf %get3A_224, %mul3A_226 : vector<16xf32>
        %get3A_228 = arith.index_cast %scan3A_154 : i32 to index
        %get3A_229 = arith.constant 64 : index
        %get3A_230 = tpu.vector_load %arg11[%get3A_228, %get3A_229] {strides = array<i32>} : memref<16x1024xf32, #tpu.memory_space<vmem>>, vector<1x16xf32>,
        %get3A_231 = vector.shape_cast %get3A_230 : vector<1x16xf32> to vector<16xf32>
        %add3A_232 = arith.addf %mul3A_227, %get3A_231 : vector<16xf32>
        %swap3A_233 = arith.index_cast %scan3A_154 : i32 to index
        %swap3A_234 = arith.constant 64 : index
        %swap3A_235 = tpu.vector_load %arg13[%swap3A_233, %swap3A_234] {strides = array<i32>} : memref<16x1024xf32, #tpu.memory_space<vmem>>, vector<1x16xf32>,
        %swap3A_236 = vector.shape_cast %swap3A_235 : vector<1x16xf32> to vector<16xf32>
        %swap3A_237 = vector.shape_cast %add3A_232 : vector<16xf32> to vector<1x16xf32>
        tpu.vector_store %arg13[%swap3A_233, %swap3A_234], %swap3A_237 {strides = array<i32>} : memref<16x1024xf32, #tpu.memory_space<vmem>>, vector<1x16xf32>,
        %get3A_238 = arith.index_cast %scan3A_154 : i32 to index
        %get3A_239 = arith.constant 80 : index
        %get3A_240 = tpu.vector_load %arg9[%get3A_238, %get3A_239] {strides = array<i32>} : memref<16x1024xf32, #tpu.memory_space<vmem>>, vector<1x16xf32>,
        %get3A_241 = vector.shape_cast %get3A_240 : vector<1x16xf32> to vector<16xf32>
        %mul3A_242 = arith.constant 3.200000e+01 : f32
        %mul3A_243 = vector.broadcast %mul3A_242 : f32 to vector<16xf32>
        %mul3A_244 = arith.mulf %get3A_241, %mul3A_243 : vector<16xf32>
        %get3A_245 = arith.index_cast %scan3A_154 : i32 to index
        %get3A_246 = arith.constant 80 : index
        %get3A_247 = tpu.vector_load %arg11[%get3A_245, %get3A_246] {strides = array<i32>} : memref<16x1024xf32, #tpu.memory_space<vmem>>, vector<1x16xf32>,
        %get3A_248 = vector.shape_cast %get3A_247 : vector<1x16xf32> to vector<16xf32>
        %add3A_249 = arith.addf %mul3A_244, %get3A_248 : vector<16xf32>
        %swap3A_250 = arith.index_cast %scan3A_154 : i32 to index
        %swap3A_251 = arith.constant 80 : index
        %swap3A_252 = tpu.vector_load %arg13[%swap3A_250, %swap3A_251] {strides = array<i32>} : memref<16x1024xf32, #tpu.memory_space<vmem>>, vector<1x16xf32>,
        %swap3A_253 = vector.shape_cast %swap3A_252 : vector<1x16xf32> to vector<16xf32>
        %swap3A_254 = vector.shape_cast %add3A_249 : vector<16xf32> to vector<1x16xf32>
        tpu.vector_store %arg13[%swap3A_250, %swap3A_251], %swap3A_254 {strides = array<i32>} : memref<16x1024xf32, #tpu.memory_space<vmem>>, vector<1x16xf32>,
        %get3A_255 = arith.index_cast %scan3A_154 : i32 to index
        %get3A_256 = arith.constant 96 : index
        %get3A_257 = tpu.vector_load %arg9[%get3A_255, %get3A_256] {strides = array<i32>} : memref<16x1024xf32, #tpu.memory_space<vmem>>, vector<1x16xf32>,
        %get3A_258 = vector.shape_cast %get3A_257 : vector<1x16xf32> to vector<16xf32>
        %mul3A_259 = arith.constant 3.200000e+01 : f32
        %mul3A_260 = vector.broadcast %mul3A_259 : f32 to vector<16xf32>
        %mul3A_261 = arith.mulf %get3A_258, %mul3A_260 : vector<16xf32>
        %get3A_262 = arith.index_cast %scan3A_154 : i32 to index
        %get3A_263 = arith.constant 96 : index
        %get3A_264 = tpu.vector_load %arg11[%get3A_262, %get3A_263] {strides = array<i32>} : memref<16x1024xf32, #tpu.memory_space<vmem>>, vector<1x16xf32>,
        %get3A_265 = vector.shape_cast %get3A_264 : vector<1x16xf32> to vector<16xf32>
        %add3A_266 = arith.addf %mul3A_261, %get3A_265 : vector<16xf32>
        %swap3A_267 = arith.index_cast %scan3A_154 : i32 to index
        %swap3A_268 = arith.constant 96 : index
        %swap3A_269 = tpu.vector_load %arg13[%swap3A_267, %swap3A_268] {strides = array<i32>} : memref<16x1024xf32, #tpu.memory_space<vmem>>, vector<1x16xf32>,
        %swap3A_270 = vector.shape_cast %swap3A_269 : vector<1x16xf32> to vector<16xf32>
        %swap3A_271 = vector.shape_cast %add3A_266 : vector<16xf32> to vector<1x16xf32>
        tpu.vector_store %arg13[%swap3A_267, %swap3A_268], %swap3A_271 {strides = array<i32>} : memref<16x1024xf32, #tpu.memory_space<vmem>>, vector<1x16xf32>,
        %get3A_272 = arith.index_cast %scan3A_154 : i32 to index
        %get3A_273 = arith.constant 112 : index
        %get3A_274 = tpu.vector_load %arg9[%get3A_272, %get3A_273] {strides = array<i32>} : memref<16x1024xf32, #tpu.memory_space<vmem>>, vector<1x16xf32>,
        %get3A_275 = vector.shape_cast %get3A_274 : vector<1x16xf32> to vector<16xf32>
        %mul3A_276 = arith.constant 3.200000e+01 : f32
        %mul3A_277 = vector.broadcast %mul3A_276 : f32 to vector<16xf32>
        %mul3A_278 = arith.mulf %get3A_275, %mul3A_277 : vector<16xf32>
        %get3A_279 = arith.index_cast %scan3A_154 : i32 to index
        %get3A_280 = arith.constant 112 : index
        %get3A_281 = tpu.vector_load %arg11[%get3A_279, %get3A_280] {strides = array<i32>} : memref<16x1024xf32, #tpu.memory_space<vmem>>, vector<1x16xf32>,
        %get3A_282 = vector.shape_cast %get3A_281 : vector<1x16xf32> to vector<16xf32>
        %add3A_283 = arith.addf %mul3A_278, %get3A_282 : vector<16xf32>
        %swap3A_284 = arith.index_cast %scan3A_154 : i32 to index
        %swap3A_285 = arith.constant 112 : index
        %swap3A_286 = tpu.vector_load %arg13[%swap3A_284, %swap3A_285] {strides = array<i32>} : memref<16x1024xf32, #tpu.memory_space<vmem>>, vector<1x16xf32>,
        %swap3A_287 = vector.shape_cast %swap3A_286 : vector<1x16xf32> to vector<16xf32>
        %swap3A_288 = vector.shape_cast %add3A_283 : vector<16xf32> to vector<1x16xf32>
        tpu.vector_store %arg13[%swap3A_284, %swap3A_285], %swap3A_288 {strides = array<i32>} : memref<16x1024xf32, #tpu.memory_space<vmem>>, vector<1x16xf32>,
        %get3A_289 = arith.index_cast %scan3A_154 : i32 to index
        %get3A_290 = arith.constant 128 : index
        %get3A_291 = tpu.vector_load %arg9[%get3A_289, %get3A_290] {strides = array<i32>} : memref<16x1024xf32, #tpu.memory_space<vmem>>, vector<1x16xf32>,
        %get3A_292 = vector.shape_cast %get3A_291 : vector<1x16xf32> to vector<16xf32>
        %mul3A_293 = arith.constant 3.200000e+01 : f32
        %mul3A_294 = vector.broadcast %mul3A_293 : f32 to vector<16xf32>
        %mul3A_295 = arith.mulf %get3A_292, %mul3A_294 : vector<16xf32>
        %get3A_296 = arith.index_cast %scan3A_154 : i32 to index
        %get3A_297 = arith.constant 128 : index
        %get3A_298 = tpu.vector_load %arg11[%get3A_296, %get3A_297] {strides = array<i32>} : memref<16x1024xf32, #tpu.memory_space<vmem>>, vector<1x16xf32>,
        %get3A_299 = vector.shape_cast %get3A_298 : vector<1x16xf32> to vector<16xf32>
        %add3A_300 = arith.addf %mul3A_295, %get3A_299 : vector<16xf32>
        %swap3A_301 = arith.index_cast %scan3A_154 : i32 to index
        %swap3A_302 = arith.constant 128 : index
        %swap3A_303 = tpu.vector_load %arg13[%swap3A_301, %swap3A_302] {strides = array<i32>} : memref<16x1024xf32, #tpu.memory_space<vmem>>, vector<1x16xf32>,
        %swap3A_304 = vector.shape_cast %swap3A_303 : vector<1x16xf32> to vector<16xf32>
        %swap3A_305 = vector.shape_cast %add3A_300 : vector<16xf32> to vector<1x16xf32>
        tpu.vector_store %arg13[%swap3A_301, %swap3A_302], %swap3A_305 {strides = array<i32>} : memref<16x1024xf32, #tpu.memory_space<vmem>>, vector<1x16xf32>,
        %get3A_306 = arith.index_cast %scan3A_154 : i32 to index
        %get3A_307 = arith.constant 144 : index
        %get3A_308 = tpu.vector_load %arg9[%get3A_306, %get3A_307] {strides = array<i32>} : memref<16x1024xf32, #tpu.memory_space<vmem>>, vector<1x16xf32>,
        %get3A_309 = vector.shape_cast %get3A_308 : vector<1x16xf32> to vector<16xf32>
        %mul3A_310 = arith.constant 3.200000e+01 : f32
        %mul3A_311 = vector.broadcast %mul3A_310 : f32 to vector<16xf32>
        %mul3A_312 = arith.mulf %get3A_309, %mul3A_311 : vector<16xf32>
        %get3A_313 = arith.index_cast %scan3A_154 : i32 to index
        %get3A_314 = arith.constant 144 : index
        %get3A_315 = tpu.vector_load %arg11[%get3A_313, %get3A_314] {strides = array<i32>} : memref<16x1024xf32, #tpu.memory_space<vmem>>, vector<1x16xf32>,
        %get3A_316 = vector.shape_cast %get3A_315 : vector<1x16xf32> to vector<16xf32>
        %add3A_317 = arith.addf %mul3A_312, %get3A_316 : vector<16xf32>
        %swap3A_318 = arith.index_cast %scan3A_154 : i32 to index
        %swap3A_319 = arith.constant 144 : index
        %swap3A_320 = tpu.vector_load %arg13[%swap3A_318, %swap3A_319] {strides = array<i32>} : memref<16x1024xf32, #tpu.memory_space<vmem>>, vector<1x16xf32>,
        %swap3A_321 = vector.shape_cast %swap3A_320 : vector<1x16xf32> to vector<16xf32>
        %swap3A_322 = vector.shape_cast %add3A_317 : vector<16xf32> to vector<1x16xf32>
        tpu.vector_store %arg13[%swap3A_318, %swap3A_319], %swap3A_322 {strides = array<i32>} : memref<16x1024xf32, #tpu.memory_space<vmem>>, vector<1x16xf32>,
        %get3A_323 = arith.index_cast %scan3A_154 : i32 to index
        %get3A_324 = arith.constant 160 : index
        %get3A_325 = tpu.vector_load %arg9[%get3A_323, %get3A_324] {strides = array<i32>} : memref<16x1024xf32, #tpu.memory_space<vmem>>, vector<1x16xf32>,
        %get3A_326 = vector.shape_cast %get3A_325 : vector<1x16xf32> to vector<16xf32>
        %mul3A_327 = arith.constant 3.200000e+01 : f32
        %mul3A_328 = vector.broadcast %mul3A_327 : f32 to vector<16xf32>
        %mul3A_329 = arith.mulf %get3A_326, %mul3A_328 : vector<16xf32>
        %get3A_330 = arith.index_cast %scan3A_154 : i32 to index
        %get3A_331 = arith.constant 160 : index
        %get3A_332 = tpu.vector_load %arg11[%get3A_330, %get3A_331] {strides = array<i32>} : memref<16x1024xf32, #tpu.memory_space<vmem>>, vector<1x16xf32>,
        %get3A_333 = vector.shape_cast %get3A_332 : vector<1x16xf32> to vector<16xf32>
        %add3A_334 = arith.addf %mul3A_329, %get3A_333 : vector<16xf32>
        %swap3A_335 = arith.index_cast %scan3A_154 : i32 to index
        %swap3A_336 = arith.constant 160 : index
        %swap3A_337 = tpu.vector_load %arg13[%swap3A_335, %swap3A_336] {strides = array<i32>} : memref<16x1024xf32, #tpu.memory_space<vmem>>, vector<1x16xf32>,
        %swap3A_338 = vector.shape_cast %swap3A_337 : vector<1x16xf32> to vector<16xf32>
        %swap3A_339 = vector.shape_cast %add3A_334 : vector<16xf32> to vector<1x16xf32>
        tpu.vector_store %arg13[%swap3A_335, %swap3A_336], %swap3A_339 {strides = array<i32>} : memref<16x1024xf32, #tpu.memory_space<vmem>>, vector<1x16xf32>,
        %get3A_340 = arith.index_cast %scan3A_154 : i32 to index
        %get3A_341 = arith.constant 176 : index
        %get3A_342 = tpu.vector_load %arg9[%get3A_340, %get3A_341] {strides = array<i32>} : memref<16x1024xf32, #tpu.memory_space<vmem>>, vector<1x16xf32>,
        %get3A_343 = vector.shape_cast %get3A_342 : vector<1x16xf32> to vector<16xf32>
        %mul3A_344 = arith.constant 3.200000e+01 : f32
        %mul3A_345 = vector.broadcast %mul3A_344 : f32 to vector<16xf32>
        %mul3A_346 = arith.mulf %get3A_343, %mul3A_345 : vector<16xf32>
        %get3A_347 = arith.index_cast %scan3A_154 : i32 to index
        %get3A_348 = arith.constant 176 : index
        %get3A_349 = tpu.vector_load %arg11[%get3A_347, %get3A_348] {strides = array<i32>} : memref<16x1024xf32, #tpu.memory_space<vmem>>, vector<1x16xf32>,
        %get3A_350 = vector.shape_cast %get3A_349 : vector<1x16xf32> to vector<16xf32>
        %add3A_351 = arith.addf %mul3A_346, %get3A_350 : vector<16xf32>
        %swap3A_352 = arith.index_cast %scan3A_154 : i32 to index
        %swap3A_353 = arith.constant 176 : index
        %swap3A_354 = tpu.vector_load %arg13[%swap3A_352, %swap3A_353] {strides = array<i32>} : memref<16x1024xf32, #tpu.memory_space<vmem>>, vector<1x16xf32>,
        %swap3A_355 = vector.shape_cast %swap3A_354 : vector<1x16xf32> to vector<16xf32>
        %swap3A_356 = vector.shape_cast %add3A_351 : vector<16xf32> to vector<1x16xf32>
        tpu.vector_store %arg13[%swap3A_352, %swap3A_353], %swap3A_356 {strides = array<i32>} : memref<16x1024xf32, #tpu.memory_space<vmem>>, vector<1x16xf32>,
        %get3A_357 = arith.index_cast %scan3A_154 : i32 to index
        %get3A_358 = arith.constant 192 : index
        %get3A_359 = tpu.vector_load %arg9[%get3A_357, %get3A_358] {strides = array<i32>} : memref<16x1024xf32, #tpu.memory_space<vmem>>, vector<1x16xf32>,
        %get3A_360 = vector.shape_cast %get3A_359 : vector<1x16xf32> to vector<16xf32>
        %mul3A_361 = arith.constant 3.200000e+01 : f32
        %mul3A_362 = vector.broadcast %mul3A_361 : f32 to vector<16xf32>
        %mul3A_363 = arith.mulf %get3A_360, %mul3A_362 : vector<16xf32>
        %get3A_364 = arith.index_cast %scan3A_154 : i32 to index
        %get3A_365 = arith.constant 192 : index
        %get3A_366 = tpu.vector_load %arg11[%get3A_364, %get3A_365] {strides = array<i32>} : memref<16x1024xf32, #tpu.memory_space<vmem>>, vector<1x16xf32>,
        %get3A_367 = vector.shape_cast %get3A_366 : vector<1x16xf32> to vector<16xf32>
        %add3A_368 = arith.addf %mul3A_363, %get3A_367 : vector<16xf32>
        %swap3A_369 = arith.index_cast %scan3A_154 : i32 to index
        %swap3A_370 = arith.constant 192 : index
        %swap3A_371 = tpu.vector_load %arg13[%swap3A_369, %swap3A_370] {strides = array<i32>} : memref<16x1024xf32, #tpu.memory_space<vmem>>, vector<1x16xf32>,
        %swap3A_372 = vector.shape_cast %swap3A_371 : vector<1x16xf32> to vector<16xf32>
        %swap3A_373 = vector.shape_cast %add3A_368 : vector<16xf32> to vector<1x16xf32>
        tpu.vector_store %arg13[%swap3A_369, %swap3A_370], %swap3A_373 {strides = array<i32>} : memref<16x1024xf32, #tpu.memory_space<vmem>>, vector<1x16xf32>,
        %get3A_374 = arith.index_cast %scan3A_154 : i32 to index
        %get3A_375 = arith.constant 208 : index
        %get3A_376 = tpu.vector_load %arg9[%get3A_374, %get3A_375] {strides = array<i32>} : memref<16x1024xf32, #tpu.memory_space<vmem>>, vector<1x16xf32>,
        %get3A_377 = vector.shape_cast %get3A_376 : vector<1x16xf32> to vector<16xf32>
        %mul3A_378 = arith.constant 3.200000e+01 : f32
        %mul3A_379 = vector.broadcast %mul3A_378 : f32 to vector<16xf32>
        %mul3A_380 = arith.mulf %get3A_377, %mul3A_379 : vector<16xf32>
        %get3A_381 = arith.index_cast %scan3A_154 : i32 to index
        %get3A_382 = arith.constant 208 : index
        %get3A_383 = tpu.vector_load %arg11[%get3A_381, %get3A_382] {strides = array<i32>} : memref<16x1024xf32, #tpu.memory_space<vmem>>, vector<1x16xf32>,
        %get3A_384 = vector.shape_cast %get3A_383 : vector<1x16xf32> to vector<16xf32>
        %add3A_385 = arith.addf %mul3A_380, %get3A_384 : vector<16xf32>
        %swap3A_386 = arith.index_cast %scan3A_154 : i32 to index
        %swap3A_387 = arith.constant 208 : index
        %swap3A_388 = tpu.vector_load %arg13[%swap3A_386, %swap3A_387] {strides = array<i32>} : memref<16x1024xf32, #tpu.memory_space<vmem>>, vector<1x16xf32>,
        %swap3A_389 = vector.shape_cast %swap3A_388 : vector<1x16xf32> to vector<16xf32>
        %swap3A_390 = vector.shape_cast %add3A_385 : vector<16xf32> to vector<1x16xf32>
        tpu.vector_store %arg13[%swap3A_386, %swap3A_387], %swap3A_390 {strides = array<i32>} : memref<16x1024xf32, #tpu.memory_space<vmem>>, vector<1x16xf32>,
        %get3A_391 = arith.index_cast %scan3A_154 : i32 to index
        %get3A_392 = arith.constant 224 : index
        %get3A_393 = tpu.vector_load %arg9[%get3A_391, %get3A_392] {strides = array<i32>} : memref<16x1024xf32, #tpu.memory_space<vmem>>, vector<1x16xf32>,
        %get3A_394 = vector.shape_cast %get3A_393 : vector<1x16xf32> to vector<16xf32>
        %mul3A_395 = arith.constant 3.200000e+01 : f32
        %mul3A_396 = vector.broadcast %mul3A_395 : f32 to vector<16xf32>
        %mul3A_397 = arith.mulf %get3A_394, %mul3A_396 : vector<16xf32>
        %get3A_398 = arith.index_cast %scan3A_154 : i32 to index
        %get3A_399 = arith.constant 224 : index
        %get3A_400 = tpu.vector_load %arg11[%get3A_398, %get3A_399] {strides = array<i32>} : memref<16x1024xf32, #tpu.memory_space<vmem>>, vector<1x16xf32>,
        %get3A_401 = vector.shape_cast %get3A_400 : vector<1x16xf32> to vector<16xf32>
        %add3A_402 = arith.addf %mul3A_397, %get3A_401 : vector<16xf32>
        %swap3A_403 = arith.index_cast %scan3A_154 : i32 to index
        %swap3A_404 = arith.constant 224 : index
        %swap3A_405 = tpu.vector_load %arg13[%swap3A_403, %swap3A_404] {strides = array<i32>} : memref<16x1024xf32, #tpu.memory_space<vmem>>, vector<1x16xf32>,
        %swap3A_406 = vector.shape_cast %swap3A_405 : vector<1x16xf32> to vector<16xf32>
        %swap3A_407 = vector.shape_cast %add3A_402 : vector<16xf32> to vector<1x16xf32>
        tpu.vector_store %arg13[%swap3A_403, %swap3A_404], %swap3A_407 {strides = array<i32>} : memref<16x1024xf32, #tpu.memory_space<vmem>>, vector<1x16xf32>,
        %get3A_408 = arith.index_cast %scan3A_154 : i32 to index
        %get3A_409 = arith.constant 240 : index
        %get3A_410 = tpu.vector_load %arg9[%get3A_408, %get3A_409] {strides = array<i32>} : memref<16x1024xf32, #tpu.memory_space<vmem>>, vector<1x16xf32>,
        %get3A_411 = vector.shape_cast %get3A_410 : vector<1x16xf32> to vector<16xf32>
        %mul3A_412 = arith.constant 3.200000e+01 : f32
        %mul3A_413 = vector.broadcast %mul3A_412 : f32 to vector<16xf32>
        %mul3A_414 = arith.mulf %get3A_411, %mul3A_413 : vector<16xf32>
        %get3A_415 = arith.index_cast %scan3A_154 : i32 to index
        %get3A_416 = arith.constant 240 : index
        %get3A_417 = tpu.vector_load %arg11[%get3A_415, %get3A_416] {strides = array<i32>} : memref<16x1024xf32, #tpu.memory_space<vmem>>, vector<1x16xf32>,
        %get3A_418 = vector.shape_cast %get3A_417 : vector<1x16xf32> to vector<16xf32>
        %add3A_419 = arith.addf %mul3A_414, %get3A_418 : vector<16xf32>
        %swap3A_420 = arith.index_cast %scan3A_154 : i32 to index
        %swap3A_421 = arith.constant 240 : index
        %swap3A_422 = tpu.vector_load %arg13[%swap3A_420, %swap3A_421] {strides = array<i32>} : memref<16x1024xf32, #tpu.memory_space<vmem>>, vector<1x16xf32>,
        %swap3A_423 = vector.shape_cast %swap3A_422 : vector<1x16xf32> to vector<16xf32>
        %swap3A_424 = vector.shape_cast %add3A_419 : vector<16xf32> to vector<1x16xf32>
        tpu.vector_store %arg13[%swap3A_420, %swap3A_421], %swap3A_424 {strides = array<i32>} : memref<16x1024xf32, #tpu.memory_space<vmem>>, vector<1x16xf32>,
        %get3A_425 = arith.index_cast %scan3A_154 : i32 to index
        %get3A_426 = arith.constant 256 : index
        %get3A_427 = tpu.vector_load %arg9[%get3A_425, %get3A_426] {strides = array<i32>} : memref<16x1024xf32, #tpu.memory_space<vmem>>, vector<1x16xf32>,
        %get3A_428 = vector.shape_cast %get3A_427 : vector<1x16xf32> to vector<16xf32>
        %mul3A_429 = arith.constant 3.200000e+01 : f32
        %mul3A_430 = vector.broadcast %mul3A_429 : f32 to vector<16xf32>
        %mul3A_431 = arith.mulf %get3A_428, %mul3A_430 : vector<16xf32>
        %get3A_432 = arith.index_cast %scan3A_154 : i32 to index
        %get3A_433 = arith.constant 256 : index
        %get3A_434 = tpu.vector_load %arg11[%get3A_432, %get3A_433] {strides = array<i32>} : memref<16x1024xf32, #tpu.memory_space<vmem>>, vector<1x16xf32>,
        %get3A_435 = vector.shape_cast %get3A_434 : vector<1x16xf32> to vector<16xf32>
        %add3A_436 = arith.addf %mul3A_431, %get3A_435 : vector<16xf32>
        %swap3A_437 = arith.index_cast %scan3A_154 : i32 to index
        %swap3A_438 = arith.constant 256 : index
        %swap3A_439 = tpu.vector_load %arg13[%swap3A_437, %swap3A_438] {strides = array<i32>} : memref<16x1024xf32, #tpu.memory_space<vmem>>, vector<1x16xf32>,
        %swap3A_440 = vector.shape_cast %swap3A_439 : vector<1x16xf32> to vector<16xf32>
        %swap3A_441 = vector.shape_cast %add3A_436 : vector<16xf32> to vector<1x16xf32>
        tpu.vector_store %arg13[%swap3A_437, %swap3A_438], %swap3A_441 {strides = array<i32>} : memref<16x1024xf32, #tpu.memory_space<vmem>>, vector<1x16xf32>,
        %get3A_442 = arith.index_cast %scan3A_154 : i32 to index
        %get3A_443 = arith.constant 272 : index
        %get3A_444 = tpu.vector_load %arg9[%get3A_442, %get3A_443] {strides = array<i32>} : memref<16x1024xf32, #tpu.memory_space<vmem>>, vector<1x16xf32>,
        %get3A_445 = vector.shape_cast %get3A_444 : vector<1x16xf32> to vector<16xf32>
        %mul3A_446 = arith.constant 3.200000e+01 : f32
        %mul3A_447 = vector.broadcast %mul3A_446 : f32 to vector<16xf32>
        %mul3A_448 = arith.mulf %get3A_445, %mul3A_447 : vector<16xf32>
        %get3A_449 = arith.index_cast %scan3A_154 : i32 to index
        %get3A_450 = arith.constant 272 : index
        %get3A_451 = tpu.vector_load %arg11[%get3A_449, %get3A_450] {strides = array<i32>} : memref<16x1024xf32, #tpu.memory_space<vmem>>, vector<1x16xf32>,
        %get3A_452 = vector.shape_cast %get3A_451 : vector<1x16xf32> to vector<16xf32>
        %add3A_453 = arith.addf %mul3A_448, %get3A_452 : vector<16xf32>
        %swap3A_454 = arith.index_cast %scan3A_154 : i32 to index
        %swap3A_455 = arith.constant 272 : index
        %swap3A_456 = tpu.vector_load %arg13[%swap3A_454, %swap3A_455] {strides = array<i32>} : memref<16x1024xf32, #tpu.memory_space<vmem>>, vector<1x16xf32>,
        %swap3A_457 = vector.shape_cast %swap3A_456 : vector<1x16xf32> to vector<16xf32>
        %swap3A_458 = vector.shape_cast %add3A_453 : vector<16xf32> to vector<1x16xf32>
        tpu.vector_store %arg13[%swap3A_454, %swap3A_455], %swap3A_458 {strides = array<i32>} : memref<16x1024xf32, #tpu.memory_space<vmem>>, vector<1x16xf32>,
        %get3A_459 = arith.index_cast %scan3A_154 : i32 to index
        %get3A_460 = arith.constant 288 : index
        %get3A_461 = tpu.vector_load %arg9[%get3A_459, %get3A_460] {strides = array<i32>} : memref<16x1024xf32, #tpu.memory_space<vmem>>, vector<1x16xf32>,
        %get3A_462 = vector.shape_cast %get3A_461 : vector<1x16xf32> to vector<16xf32>
        %mul3A_463 = arith.constant 3.200000e+01 : f32
        %mul3A_464 = vector.broadcast %mul3A_463 : f32 to vector<16xf32>
        %mul3A_465 = arith.mulf %get3A_462, %mul3A_464 : vector<16xf32>
        %get3A_466 = arith.index_cast %scan3A_154 : i32 to index
        %get3A_467 = arith.constant 288 : index
        %get3A_468 = tpu.vector_load %arg11[%get3A_466, %get3A_467] {strides = array<i32>} : memref<16x1024xf32, #tpu.memory_space<vmem>>, vector<1x16xf32>,
        %get3A_469 = vector.shape_cast %get3A_468 : vector<1x16xf32> to vector<16xf32>
        %add3A_470 = arith.addf %mul3A_465, %get3A_469 : vector<16xf32>
        %swap3A_471 = arith.index_cast %scan3A_154 : i32 to index
        %swap3A_472 = arith.constant 288 : index
        %swap3A_473 = tpu.vector_load %arg13[%swap3A_471, %swap3A_472] {strides = array<i32>} : memref<16x1024xf32, #tpu.memory_space<vmem>>, vector<1x16xf32>,
        %swap3A_474 = vector.shape_cast %swap3A_473 : vector<1x16xf32> to vector<16xf32>
        %swap3A_475 = vector.shape_cast %add3A_470 : vector<16xf32> to vector<1x16xf32>
        tpu.vector_store %arg13[%swap3A_471, %swap3A_472], %swap3A_475 {strides = array<i32>} : memref<16x1024xf32, #tpu.memory_space<vmem>>, vector<1x16xf32>,
        %get3A_476 = arith.index_cast %scan3A_154 : i32 to index
        %get3A_477 = arith.constant 304 : index
        %get3A_478 = tpu.vector_load %arg9[%get3A_476, %get3A_477] {strides = array<i32>} : memref<16x1024xf32, #tpu.memory_space<vmem>>, vector<1x16xf32>,
        %get3A_479 = vector.shape_cast %get3A_478 : vector<1x16xf32> to vector<16xf32>
        %mul3A_480 = arith.constant 3.200000e+01 : f32
        %mul3A_481 = vector.broadcast %mul3A_480 : f32 to vector<16xf32>
        %mul3A_482 = arith.mulf %get3A_479, %mul3A_481 : vector<16xf32>
        %get3A_483 = arith.index_cast %scan3A_154 : i32 to index
        %get3A_484 = arith.constant 304 : index
        %get3A_485 = tpu.vector_load %arg11[%get3A_483, %get3A_484] {strides = array<i32>} : memref<16x1024xf32, #tpu.memory_space<vmem>>, vector<1x16xf32>,
        %get3A_486 = vector.shape_cast %get3A_485 : vector<1x16xf32> to vector<16xf32>
        %add3A_487 = arith.addf %mul3A_482, %get3A_486 : vector<16xf32>
        %swap3A_488 = arith.index_cast %scan3A_154 : i32 to index
        %swap3A_489 = arith.constant 304 : index
        %swap3A_490 = tpu.vector_load %arg13[%swap3A_488, %swap3A_489] {strides = array<i32>} : memref<16x1024xf32, #tpu.memory_space<vmem>>, vector<1x16xf32>,
        %swap3A_491 = vector.shape_cast %swap3A_490 : vector<1x16xf32> to vector<16xf32>
        %swap3A_492 = vector.shape_cast %add3A_487 : vector<16xf32> to vector<1x16xf32>
        tpu.vector_store %arg13[%swap3A_488, %swap3A_489], %swap3A_492 {strides = array<i32>} : memref<16x1024xf32, #tpu.memory_space<vmem>>, vector<1x16xf32>,
        %get3A_493 = arith.index_cast %scan3A_154 : i32 to index
        %get3A_494 = arith.constant 320 : index
        %get3A_495 = tpu.vector_load %arg9[%get3A_493, %get3A_494] {strides = array<i32>} : memref<16x1024xf32, #tpu.memory_space<vmem>>, vector<1x16xf32>,
        %get3A_496 = vector.shape_cast %get3A_495 : vector<1x16xf32> to vector<16xf32>
        %mul3A_497 = arith.constant 3.200000e+01 : f32
        %mul3A_498 = vector.broadcast %mul3A_497 : f32 to vector<16xf32>
        %mul3A_499 = arith.mulf %get3A_496, %mul3A_498 : vector<16xf32>
        %get3A_500 = arith.index_cast %scan3A_154 : i32 to index
        %get3A_501 = arith.constant 320 : index
        %get3A_502 = tpu.vector_load %arg11[%get3A_500, %get3A_501] {strides = array<i32>} : memref<16x1024xf32, #tpu.memory_space<vmem>>, vector<1x16xf32>,
        %get3A_503 = vector.shape_cast %get3A_502 : vector<1x16xf32> to vector<16xf32>
        %add3A_504 = arith.addf %mul3A_499, %get3A_503 : vector<16xf32>
        %swap3A_505 = arith.index_cast %scan3A_154 : i32 to index
        %swap3A_506 = arith.constant 320 : index
        %swap3A_507 = tpu.vector_load %arg13[%swap3A_505, %swap3A_506] {strides = array<i32>} : memref<16x1024xf32, #tpu.memory_space<vmem>>, vector<1x16xf32>,
        %swap3A_508 = vector.shape_cast %swap3A_507 : vector<1x16xf32> to vector<16xf32>
        %swap3A_509 = vector.shape_cast %add3A_504 : vector<16xf32> to vector<1x16xf32>
        tpu.vector_store %arg13[%swap3A_505, %swap3A_506], %swap3A_509 {strides = array<i32>} : memref<16x1024xf32, #tpu.memory_space<vmem>>, vector<1x16xf32>,
        %get3A_510 = arith.index_cast %scan3A_154 : i32 to index
        %get3A_511 = arith.constant 336 : index
        %get3A_512 = tpu.vector_load %arg9[%get3A_510, %get3A_511] {strides = array<i32>} : memref<16x1024xf32, #tpu.memory_space<vmem>>, vector<1x16xf32>,
        %get3A_513 = vector.shape_cast %get3A_512 : vector<1x16xf32> to vector<16xf32>
        %mul3A_514 = arith.constant 3.200000e+01 : f32
        %mul3A_515 = vector.broadcast %mul3A_514 : f32 to vector<16xf32>
        %mul3A_516 = arith.mulf %get3A_513, %mul3A_515 : vector<16xf32>
        %get3A_517 = arith.index_cast %scan3A_154 : i32 to index
        %get3A_518 = arith.constant 336 : index
        %get3A_519 = tpu.vector_load %arg11[%get3A_517, %get3A_518] {strides = array<i32>} : memref<16x1024xf32, #tpu.memory_space<vmem>>, vector<1x16xf32>,
        %get3A_520 = vector.shape_cast %get3A_519 : vector<1x16xf32> to vector<16xf32>
        %add3A_521 = arith.addf %mul3A_516, %get3A_520 : vector<16xf32>
        %swap3A_522 = arith.index_cast %scan3A_154 : i32 to index
        %swap3A_523 = arith.constant 336 : index
        %swap3A_524 = tpu.vector_load %arg13[%swap3A_522, %swap3A_523] {strides = array<i32>} : memref<16x1024xf32, #tpu.memory_space<vmem>>, vector<1x16xf32>,
        %swap3A_525 = vector.shape_cast %swap3A_524 : vector<1x16xf32> to vector<16xf32>
        %swap3A_526 = vector.shape_cast %add3A_521 : vector<16xf32> to vector<1x16xf32>
        tpu.vector_store %arg13[%swap3A_522, %swap3A_523], %swap3A_526 {strides = array<i32>} : memref<16x1024xf32, #tpu.memory_space<vmem>>, vector<1x16xf32>,
        %get3A_527 = arith.index_cast %scan3A_154 : i32 to index
        %get3A_528 = arith.constant 352 : index
        %get3A_529 = tpu.vector_load %arg9[%get3A_527, %get3A_528] {strides = array<i32>} : memref<16x1024xf32, #tpu.memory_space<vmem>>, vector<1x16xf32>,
        %get3A_530 = vector.shape_cast %get3A_529 : vector<1x16xf32> to vector<16xf32>
        %mul3A_531 = arith.constant 3.200000e+01 : f32
        %mul3A_532 = vector.broadcast %mul3A_531 : f32 to vector<16xf32>
        %mul3A_533 = arith.mulf %get3A_530, %mul3A_532 : vector<16xf32>
        %get3A_534 = arith.index_cast %scan3A_154 : i32 to index
        %get3A_535 = arith.constant 352 : index
        %get3A_536 = tpu.vector_load %arg11[%get3A_534, %get3A_535] {strides = array<i32>} : memref<16x1024xf32, #tpu.memory_space<vmem>>, vector<1x16xf32>,
        %get3A_537 = vector.shape_cast %get3A_536 : vector<1x16xf32> to vector<16xf32>
        %add3A_538 = arith.addf %mul3A_533, %get3A_537 : vector<16xf32>
        %swap3A_539 = arith.index_cast %scan3A_154 : i32 to index
        %swap3A_540 = arith.constant 352 : index
        %swap3A_541 = tpu.vector_load %arg13[%swap3A_539, %swap3A_540] {strides = array<i32>} : memref<16x1024xf32, #tpu.memory_space<vmem>>, vector<1x16xf32>,
        %swap3A_542 = vector.shape_cast %swap3A_541 : vector<1x16xf32> to vector<16xf32>
        %swap3A_543 = vector.shape_cast %add3A_538 : vector<16xf32> to vector<1x16xf32>
        tpu.vector_store %arg13[%swap3A_539, %swap3A_540], %swap3A_543 {strides = array<i32>} : memref<16x1024xf32, #tpu.memory_space<vmem>>, vector<1x16xf32>,
        %get3A_544 = arith.index_cast %scan3A_154 : i32 to index
        %get3A_545 = arith.constant 368 : index
        %get3A_546 = tpu.vector_load %arg9[%get3A_544, %get3A_545] {strides = array<i32>} : memref<16x1024xf32, #tpu.memory_space<vmem>>, vector<1x16xf32>,
        %get3A_547 = vector.shape_cast %get3A_546 : vector<1x16xf32> to vector<16xf32>
        %mul3A_548 = arith.constant 3.200000e+01 : f32
        %mul3A_549 = vector.broadcast %mul3A_548 : f32 to vector<16xf32>
        %mul3A_550 = arith.mulf %get3A_547, %mul3A_549 : vector<16xf32>
        %get3A_551 = arith.index_cast %scan3A_154 : i32 to index
        %get3A_552 = arith.constant 368 : index
        %get3A_553 = tpu.vector_load %arg11[%get3A_551, %get3A_552] {strides = array<i32>} : memref<16x1024xf32, #tpu.memory_space<vmem>>, vector<1x16xf32>,
        %get3A_554 = vector.shape_cast %get3A_553 : vector<1x16xf32> to vector<16xf32>
        %add3A_555 = arith.addf %mul3A_550, %get3A_554 : vector<16xf32>
        %swap3A_556 = arith.index_cast %scan3A_154 : i32 to index
        %swap3A_557 = arith.constant 368 : index
        %swap3A_558 = tpu.vector_load %arg13[%swap3A_556, %swap3A_557] {strides = array<i32>} : memref<16x1024xf32, #tpu.memory_space<vmem>>, vector<1x16xf32>,
        %swap3A_559 = vector.shape_cast %swap3A_558 : vector<1x16xf32> to vector<16xf32>
        %swap3A_560 = vector.shape_cast %add3A_555 : vector<16xf32> to vector<1x16xf32>
        tpu.vector_store %arg13[%swap3A_556, %swap3A_557], %swap3A_560 {strides = array<i32>} : memref<16x1024xf32, #tpu.memory_space<vmem>>, vector<1x16xf32>,
        %get3A_561 = arith.index_cast %scan3A_154 : i32 to index
        %get3A_562 = arith.constant 384 : index
        %get3A_563 = tpu.vector_load %arg9[%get3A_561, %get3A_562] {strides = array<i32>} : memref<16x1024xf32, #tpu.memory_space<vmem>>, vector<1x16xf32>,
        %get3A_564 = vector.shape_cast %get3A_563 : vector<1x16xf32> to vector<16xf32>
        %mul3A_565 = arith.constant 3.200000e+01 : f32
        %mul3A_566 = vector.broadcast %mul3A_565 : f32 to vector<16xf32>
        %mul3A_567 = arith.mulf %get3A_564, %mul3A_566 : vector<16xf32>
        %get3A_568 = arith.index_cast %scan3A_154 : i32 to index
        %get3A_569 = arith.constant 384 : index
        %get3A_570 = tpu.vector_load %arg11[%get3A_568, %get3A_569] {strides = array<i32>} : memref<16x1024xf32, #tpu.memory_space<vmem>>, vector<1x16xf32>,
        %get3A_571 = vector.shape_cast %get3A_570 : vector<1x16xf32> to vector<16xf32>
        %add3A_572 = arith.addf %mul3A_567, %get3A_571 : vector<16xf32>
        %swap3A_573 = arith.index_cast %scan3A_154 : i32 to index
        %swap3A_574 = arith.constant 384 : index
        %swap3A_575 = tpu.vector_load %arg13[%swap3A_573, %swap3A_574] {strides = array<i32>} : memref<16x1024xf32, #tpu.memory_space<vmem>>, vector<1x16xf32>,
        %swap3A_576 = vector.shape_cast %swap3A_575 : vector<1x16xf32> to vector<16xf32>
        %swap3A_577 = vector.shape_cast %add3A_572 : vector<16xf32> to vector<1x16xf32>
        tpu.vector_store %arg13[%swap3A_573, %swap3A_574], %swap3A_577 {strides = array<i32>} : memref<16x1024xf32, #tpu.memory_space<vmem>>, vector<1x16xf32>,
        %get3A_578 = arith.index_cast %scan3A_154 : i32 to index
        %get3A_579 = arith.constant 400 : index
        %get3A_580 = tpu.vector_load %arg9[%get3A_578, %get3A_579] {strides = array<i32>} : memref<16x1024xf32, #tpu.memory_space<vmem>>, vector<1x16xf32>,
        %get3A_581 = vector.shape_cast %get3A_580 : vector<1x16xf32> to vector<16xf32>
        %mul3A_582 = arith.constant 3.200000e+01 : f32
        %mul3A_583 = vector.broadcast %mul3A_582 : f32 to vector<16xf32>
        %mul3A_584 = arith.mulf %get3A_581, %mul3A_583 : vector<16xf32>
        %get3A_585 = arith.index_cast %scan3A_154 : i32 to index
        %get3A_586 = arith.constant 400 : index
        %get3A_587 = tpu.vector_load %arg11[%get3A_585, %get3A_586] {strides = array<i32>} : memref<16x1024xf32, #tpu.memory_space<vmem>>, vector<1x16xf32>,
        %get3A_588 = vector.shape_cast %get3A_587 : vector<1x16xf32> to vector<16xf32>
        %add3A_589 = arith.addf %mul3A_584, %get3A_588 : vector<16xf32>
        %swap3A_590 = arith.index_cast %scan3A_154 : i32 to index
        %swap3A_591 = arith.constant 400 : index
        %swap3A_592 = tpu.vector_load %arg13[%swap3A_590, %swap3A_591] {strides = array<i32>} : memref<16x1024xf32, #tpu.memory_space<vmem>>, vector<1x16xf32>,
        %swap3A_593 = vector.shape_cast %swap3A_592 : vector<1x16xf32> to vector<16xf32>
        %swap3A_594 = vector.shape_cast %add3A_589 : vector<16xf32> to vector<1x16xf32>
        tpu.vector_store %arg13[%swap3A_590, %swap3A_591], %swap3A_594 {strides = array<i32>} : memref<16x1024xf32, #tpu.memory_space<vmem>>, vector<1x16xf32>,
        %get3A_595 = arith.index_cast %scan3A_154 : i32 to index
        %get3A_596 = arith.constant 416 : index
        %get3A_597 = tpu.vector_load %arg9[%get3A_595, %get3A_596] {strides = array<i32>} : memref<16x1024xf32, #tpu.memory_space<vmem>>, vector<1x16xf32>,
        %get3A_598 = vector.shape_cast %get3A_597 : vector<1x16xf32> to vector<16xf32>
        %mul3A_599 = arith.constant 3.200000e+01 : f32
        %mul3A_600 = vector.broadcast %mul3A_599 : f32 to vector<16xf32>
        %mul3A_601 = arith.mulf %get3A_598, %mul3A_600 : vector<16xf32>
        %get3A_602 = arith.index_cast %scan3A_154 : i32 to index
        %get3A_603 = arith.constant 416 : index
        %get3A_604 = tpu.vector_load %arg11[%get3A_602, %get3A_603] {strides = array<i32>} : memref<16x1024xf32, #tpu.memory_space<vmem>>, vector<1x16xf32>,
        %get3A_605 = vector.shape_cast %get3A_604 : vector<1x16xf32> to vector<16xf32>
        %add3A_606 = arith.addf %mul3A_601, %get3A_605 : vector<16xf32>
        %swap3A_607 = arith.index_cast %scan3A_154 : i32 to index
        %swap3A_608 = arith.constant 416 : index
        %swap3A_609 = tpu.vector_load %arg13[%swap3A_607, %swap3A_608] {strides = array<i32>} : memref<16x1024xf32, #tpu.memory_space<vmem>>, vector<1x16xf32>,
        %swap3A_610 = vector.shape_cast %swap3A_609 : vector<1x16xf32> to vector<16xf32>
        %swap3A_611 = vector.shape_cast %add3A_606 : vector<16xf32> to vector<1x16xf32>
        tpu.vector_store %arg13[%swap3A_607, %swap3A_608], %swap3A_611 {strides = array<i32>} : memref<16x1024xf32, #tpu.memory_space<vmem>>, vector<1x16xf32>,
        %get3A_612 = arith.index_cast %scan3A_154 : i32 to index
        %get3A_613 = arith.constant 432 : index
        %get3A_614 = tpu.vector_load %arg9[%get3A_612, %get3A_613] {strides = array<i32>} : memref<16x1024xf32, #tpu.memory_space<vmem>>, vector<1x16xf32>,
        %get3A_615 = vector.shape_cast %get3A_614 : vector<1x16xf32> to vector<16xf32>
        %mul3A_616 = arith.constant 3.200000e+01 : f32
        %mul3A_617 = vector.broadcast %mul3A_616 : f32 to vector<16xf32>
        %mul3A_618 = arith.mulf %get3A_615, %mul3A_617 : vector<16xf32>
        %get3A_619 = arith.index_cast %scan3A_154 : i32 to index
        %get3A_620 = arith.constant 432 : index
        %get3A_621 = tpu.vector_load %arg11[%get3A_619, %get3A_620] {strides = array<i32>} : memref<16x1024xf32, #tpu.memory_space<vmem>>, vector<1x16xf32>,
        %get3A_622 = vector.shape_cast %get3A_621 : vector<1x16xf32> to vector<16xf32>
        %add3A_623 = arith.addf %mul3A_618, %get3A_622 : vector<16xf32>
        %swap3A_624 = arith.index_cast %scan3A_154 : i32 to index
        %swap3A_625 = arith.constant 432 : index
        %swap3A_626 = tpu.vector_load %arg13[%swap3A_624, %swap3A_625] {strides = array<i32>} : memref<16x1024xf32, #tpu.memory_space<vmem>>, vector<1x16xf32>,
        %swap3A_627 = vector.shape_cast %swap3A_626 : vector<1x16xf32> to vector<16xf32>
        %swap3A_628 = vector.shape_cast %add3A_623 : vector<16xf32> to vector<1x16xf32>
        tpu.vector_store %arg13[%swap3A_624, %swap3A_625], %swap3A_628 {strides = array<i32>} : memref<16x1024xf32, #tpu.memory_space<vmem>>, vector<1x16xf32>,
        %get3A_629 = arith.index_cast %scan3A_154 : i32 to index
        %get3A_630 = arith.constant 448 : index
        %get3A_631 = tpu.vector_load %arg9[%get3A_629, %get3A_630] {strides = array<i32>} : memref<16x1024xf32, #tpu.memory_space<vmem>>, vector<1x16xf32>,
        %get3A_632 = vector.shape_cast %get3A_631 : vector<1x16xf32> to vector<16xf32>
        %mul3A_633 = arith.constant 3.200000e+01 : f32
        %mul3A_634 = vector.broadcast %mul3A_633 : f32 to vector<16xf32>
        %mul3A_635 = arith.mulf %get3A_632, %mul3A_634 : vector<16xf32>
        %get3A_636 = arith.index_cast %scan3A_154 : i32 to index
        %get3A_637 = arith.constant 448 : index
        %get3A_638 = tpu.vector_load %arg11[%get3A_636, %get3A_637] {strides = array<i32>} : memref<16x1024xf32, #tpu.memory_space<vmem>>, vector<1x16xf32>,
        %get3A_639 = vector.shape_cast %get3A_638 : vector<1x16xf32> to vector<16xf32>
        %add3A_640 = arith.addf %mul3A_635, %get3A_639 : vector<16xf32>
        %swap3A_641 = arith.index_cast %scan3A_154 : i32 to index
        %swap3A_642 = arith.constant 448 : index
        %swap3A_643 = tpu.vector_load %arg13[%swap3A_641, %swap3A_642] {strides = array<i32>} : memref<16x1024xf32, #tpu.memory_space<vmem>>, vector<1x16xf32>,
        %swap3A_644 = vector.shape_cast %swap3A_643 : vector<1x16xf32> to vector<16xf32>
        %swap3A_645 = vector.shape_cast %add3A_640 : vector<16xf32> to vector<1x16xf32>
        tpu.vector_store %arg13[%swap3A_641, %swap3A_642], %swap3A_645 {strides = array<i32>} : memref<16x1024xf32, #tpu.memory_space<vmem>>, vector<1x16xf32>,
        %get3A_646 = arith.index_cast %scan3A_154 : i32 to index
        %get3A_647 = arith.constant 464 : index
        %get3A_648 = tpu.vector_load %arg9[%get3A_646, %get3A_647] {strides = array<i32>} : memref<16x1024xf32, #tpu.memory_space<vmem>>, vector<1x16xf32>,
        %get3A_649 = vector.shape_cast %get3A_648 : vector<1x16xf32> to vector<16xf32>
        %mul3A_650 = arith.constant 3.200000e+01 : f32
        %mul3A_651 = vector.broadcast %mul3A_650 : f32 to vector<16xf32>
        %mul3A_652 = arith.mulf %get3A_649, %mul3A_651 : vector<16xf32>
        %get3A_653 = arith.index_cast %scan3A_154 : i32 to index
        %get3A_654 = arith.constant 464 : index
        %get3A_655 = tpu.vector_load %arg11[%get3A_653, %get3A_654] {strides = array<i32>} : memref<16x1024xf32, #tpu.memory_space<vmem>>, vector<1x16xf32>,
        %get3A_656 = vector.shape_cast %get3A_655 : vector<1x16xf32> to vector<16xf32>
        %add3A_657 = arith.addf %mul3A_652, %get3A_656 : vector<16xf32>
        %swap3A_658 = arith.index_cast %scan3A_154 : i32 to index
        %swap3A_659 = arith.constant 464 : index
        %swap3A_660 = tpu.vector_load %arg13[%swap3A_658, %swap3A_659] {strides = array<i32>} : memref<16x1024xf32, #tpu.memory_space<vmem>>, vector<1x16xf32>,
        %swap3A_661 = vector.shape_cast %swap3A_660 : vector<1x16xf32> to vector<16xf32>
        %swap3A_662 = vector.shape_cast %add3A_657 : vector<16xf32> to vector<1x16xf32>
        tpu.vector_store %arg13[%swap3A_658, %swap3A_659], %swap3A_662 {strides = array<i32>} : memref<16x1024xf32, #tpu.memory_space<vmem>>, vector<1x16xf32>,
        %get3A_663 = arith.index_cast %scan3A_154 : i32 to index
        %get3A_664 = arith.constant 480 : index
        %get3A_665 = tpu.vector_load %arg9[%get3A_663, %get3A_664] {strides = array<i32>} : memref<16x1024xf32, #tpu.memory_space<vmem>>, vector<1x16xf32>,
        %get3A_666 = vector.shape_cast %get3A_665 : vector<1x16xf32> to vector<16xf32>
        %mul3A_667 = arith.constant 3.200000e+01 : f32
        %mul3A_668 = vector.broadcast %mul3A_667 : f32 to vector<16xf32>
        %mul3A_669 = arith.mulf %get3A_666, %mul3A_668 : vector<16xf32>
        %get3A_670 = arith.index_cast %scan3A_154 : i32 to index
        %get3A_671 = arith.constant 480 : index
        %get3A_672 = tpu.vector_load %arg11[%get3A_670, %get3A_671] {strides = array<i32>} : memref<16x1024xf32, #tpu.memory_space<vmem>>, vector<1x16xf32>,
        %get3A_673 = vector.shape_cast %get3A_672 : vector<1x16xf32> to vector<16xf32>
        %add3A_674 = arith.addf %mul3A_669, %get3A_673 : vector<16xf32>
        %swap3A_675 = arith.index_cast %scan3A_154 : i32 to index
        %swap3A_676 = arith.constant 480 : index
        %swap3A_677 = tpu.vector_load %arg13[%swap3A_675, %swap3A_676] {strides = array<i32>} : memref<16x1024xf32, #tpu.memory_space<vmem>>, vector<1x16xf32>,
        %swap3A_678 = vector.shape_cast %swap3A_677 : vector<1x16xf32> to vector<16xf32>
        %swap3A_679 = vector.shape_cast %add3A_674 : vector<16xf32> to vector<1x16xf32>
        tpu.vector_store %arg13[%swap3A_675, %swap3A_676], %swap3A_679 {strides = array<i32>} : memref<16x1024xf32, #tpu.memory_space<vmem>>, vector<1x16xf32>,
        %get3A_680 = arith.index_cast %scan3A_154 : i32 to index
        %get3A_681 = arith.constant 496 : index
        %get3A_682 = tpu.vector_load %arg9[%get3A_680, %get3A_681] {strides = array<i32>} : memref<16x1024xf32, #tpu.memory_space<vmem>>, vector<1x16xf32>,
        %get3A_683 = vector.shape_cast %get3A_682 : vector<1x16xf32> to vector<16xf32>
        %mul3A_684 = arith.constant 3.200000e+01 : f32
        %mul3A_685 = vector.broadcast %mul3A_684 : f32 to vector<16xf32>
        %mul3A_686 = arith.mulf %get3A_683, %mul3A_685 : vector<16xf32>
        %get3A_687 = arith.index_cast %scan3A_154 : i32 to index
        %get3A_688 = arith.constant 496 : index
        %get3A_689 = tpu.vector_load %arg11[%get3A_687, %get3A_688] {strides = array<i32>} : memref<16x1024xf32, #tpu.memory_space<vmem>>, vector<1x16xf32>,
        %get3A_690 = vector.shape_cast %get3A_689 : vector<1x16xf32> to vector<16xf32>
        %add3A_691 = arith.addf %mul3A_686, %get3A_690 : vector<16xf32>
        %swap3A_692 = arith.index_cast %scan3A_154 : i32 to index
        %swap3A_693 = arith.constant 496 : index
        %swap3A_694 = tpu.vector_load %arg13[%swap3A_692, %swap3A_693] {strides = array<i32>} : memref<16x1024xf32, #tpu.memory_space<vmem>>, vector<1x16xf32>,
        %swap3A_695 = vector.shape_cast %swap3A_694 : vector<1x16xf32> to vector<16xf32>
        %swap3A_696 = vector.shape_cast %add3A_691 : vector<16xf32> to vector<1x16xf32>
        tpu.vector_store %arg13[%swap3A_692, %swap3A_693], %swap3A_696 {strides = array<i32>} : memref<16x1024xf32, #tpu.memory_space<vmem>>, vector<1x16xf32>,
        %get3A_697 = arith.index_cast %scan3A_154 : i32 to index
        %get3A_698 = arith.constant 512 : index
        %get3A_699 = tpu.vector_load %arg9[%get3A_697, %get3A_698] {strides = array<i32>} : memref<16x1024xf32, #tpu.memory_space<vmem>>, vector<1x16xf32>,
        %get3A_700 = vector.shape_cast %get3A_699 : vector<1x16xf32> to vector<16xf32>
        %mul3A_701 = arith.constant 3.200000e+01 : f32
        %mul3A_702 = vector.broadcast %mul3A_701 : f32 to vector<16xf32>
        %mul3A_703 = arith.mulf %get3A_700, %mul3A_702 : vector<16xf32>
        %get3A_704 = arith.index_cast %scan3A_154 : i32 to index
        %get3A_705 = arith.constant 512 : index
        %get3A_706 = tpu.vector_load %arg11[%get3A_704, %get3A_705] {strides = array<i32>} : memref<16x1024xf32, #tpu.memory_space<vmem>>, vector<1x16xf32>,
        %get3A_707 = vector.shape_cast %get3A_706 : vector<1x16xf32> to vector<16xf32>
        %add3A_708 = arith.addf %mul3A_703, %get3A_707 : vector<16xf32>
        %swap3A_709 = arith.index_cast %scan3A_154 : i32 to index
        %swap3A_710 = arith.constant 512 : index
        %swap3A_711 = tpu.vector_load %arg13[%swap3A_709, %swap3A_710] {strides = array<i32>} : memref<16x1024xf32, #tpu.memory_space<vmem>>, vector<1x16xf32>,
        %swap3A_712 = vector.shape_cast %swap3A_711 : vector<1x16xf32> to vector<16xf32>
        %swap3A_713 = vector.shape_cast %add3A_708 : vector<16xf32> to vector<1x16xf32>
        tpu.vector_store %arg13[%swap3A_709, %swap3A_710], %swap3A_713 {strides = array<i32>} : memref<16x1024xf32, #tpu.memory_space<vmem>>, vector<1x16xf32>,
        %get3A_714 = arith.index_cast %scan3A_154 : i32 to index
        %get3A_715 = arith.constant 528 : index
        %get3A_716 = tpu.vector_load %arg9[%get3A_714, %get3A_715] {strides = array<i32>} : memref<16x1024xf32, #tpu.memory_space<vmem>>, vector<1x16xf32>,
        %get3A_717 = vector.shape_cast %get3A_716 : vector<1x16xf32> to vector<16xf32>
        %mul3A_718 = arith.constant 3.200000e+01 : f32
        %mul3A_719 = vector.broadcast %mul3A_718 : f32 to vector<16xf32>
        %mul3A_720 = arith.mulf %get3A_717, %mul3A_719 : vector<16xf32>
        %get3A_721 = arith.index_cast %scan3A_154 : i32 to index
        %get3A_722 = arith.constant 528 : index
        %get3A_723 = tpu.vector_load %arg11[%get3A_721, %get3A_722] {strides = array<i32>} : memref<16x1024xf32, #tpu.memory_space<vmem>>, vector<1x16xf32>,
        %get3A_724 = vector.shape_cast %get3A_723 : vector<1x16xf32> to vector<16xf32>
        %add3A_725 = arith.addf %mul3A_720, %get3A_724 : vector<16xf32>
        %swap3A_726 = arith.index_cast %scan3A_154 : i32 to index
        %swap3A_727 = arith.constant 528 : index
        %swap3A_728 = tpu.vector_load %arg13[%swap3A_726, %swap3A_727] {strides = array<i32>} : memref<16x1024xf32, #tpu.memory_space<vmem>>, vector<1x16xf32>,
        %swap3A_729 = vector.shape_cast %swap3A_728 : vector<1x16xf32> to vector<16xf32>
        %swap3A_730 = vector.shape_cast %add3A_725 : vector<16xf32> to vector<1x16xf32>
        tpu.vector_store %arg13[%swap3A_726, %swap3A_727], %swap3A_730 {strides = array<i32>} : memref<16x1024xf32, #tpu.memory_space<vmem>>, vector<1x16xf32>,
        %get3A_731 = arith.index_cast %scan3A_154 : i32 to index
        %get3A_732 = arith.constant 544 : index
        %get3A_733 = tpu.vector_load %arg9[%get3A_731, %get3A_732] {strides = array<i32>} : memref<16x1024xf32, #tpu.memory_space<vmem>>, vector<1x16xf32>,
        %get3A_734 = vector.shape_cast %get3A_733 : vector<1x16xf32> to vector<16xf32>
        %mul3A_735 = arith.constant 3.200000e+01 : f32
        %mul3A_736 = vector.broadcast %mul3A_735 : f32 to vector<16xf32>
        %mul3A_737 = arith.mulf %get3A_734, %mul3A_736 : vector<16xf32>
        %get3A_738 = arith.index_cast %scan3A_154 : i32 to index
        %get3A_739 = arith.constant 544 : index
        %get3A_740 = tpu.vector_load %arg11[%get3A_738, %get3A_739] {strides = array<i32>} : memref<16x1024xf32, #tpu.memory_space<vmem>>, vector<1x16xf32>,
        %get3A_741 = vector.shape_cast %get3A_740 : vector<1x16xf32> to vector<16xf32>
        %add3A_742 = arith.addf %mul3A_737, %get3A_741 : vector<16xf32>
        %swap3A_743 = arith.index_cast %scan3A_154 : i32 to index
        %swap3A_744 = arith.constant 544 : index
        %swap3A_745 = tpu.vector_load %arg13[%swap3A_743, %swap3A_744] {strides = array<i32>} : memref<16x1024xf32, #tpu.memory_space<vmem>>, vector<1x16xf32>,
        %swap3A_746 = vector.shape_cast %swap3A_745 : vector<1x16xf32> to vector<16xf32>
        %swap3A_747 = vector.shape_cast %add3A_742 : vector<16xf32> to vector<1x16xf32>
        tpu.vector_store %arg13[%swap3A_743, %swap3A_744], %swap3A_747 {strides = array<i32>} : memref<16x1024xf32, #tpu.memory_space<vmem>>, vector<1x16xf32>,
        %get3A_748 = arith.index_cast %scan3A_154 : i32 to index
        %get3A_749 = arith.constant 560 : index
        %get3A_750 = tpu.vector_load %arg9[%get3A_748, %get3A_749] {strides = array<i32>} : memref<16x1024xf32, #tpu.memory_space<vmem>>, vector<1x16xf32>,
        %get3A_751 = vector.shape_cast %get3A_750 : vector<1x16xf32> to vector<16xf32>
        %mul3A_752 = arith.constant 3.200000e+01 : f32
        %mul3A_753 = vector.broadcast %mul3A_752 : f32 to vector<16xf32>
        %mul3A_754 = arith.mulf %get3A_751, %mul3A_753 : vector<16xf32>
        %get3A_755 = arith.index_cast %scan3A_154 : i32 to index
        %get3A_756 = arith.constant 560 : index
        %get3A_757 = tpu.vector_load %arg11[%get3A_755, %get3A_756] {strides = array<i32>} : memref<16x1024xf32, #tpu.memory_space<vmem>>, vector<1x16xf32>,
        %get3A_758 = vector.shape_cast %get3A_757 : vector<1x16xf32> to vector<16xf32>
        %add3A_759 = arith.addf %mul3A_754, %get3A_758 : vector<16xf32>
        %swap3A_760 = arith.index_cast %scan3A_154 : i32 to index
        %swap3A_761 = arith.constant 560 : index
        %swap3A_762 = tpu.vector_load %arg13[%swap3A_760, %swap3A_761] {strides = array<i32>} : memref<16x1024xf32, #tpu.memory_space<vmem>>, vector<1x16xf32>,
        %swap3A_763 = vector.shape_cast %swap3A_762 : vector<1x16xf32> to vector<16xf32>
        %swap3A_764 = vector.shape_cast %add3A_759 : vector<16xf32> to vector<1x16xf32>
        tpu.vector_store %arg13[%swap3A_760, %swap3A_761], %swap3A_764 {strides = array<i32>} : memref<16x1024xf32, #tpu.memory_space<vmem>>, vector<1x16xf32>,
        %get3A_765 = arith.index_cast %scan3A_154 : i32 to index
        %get3A_766 = arith.constant 576 : index
        %get3A_767 = tpu.vector_load %arg9[%get3A_765, %get3A_766] {strides = array<i32>} : memref<16x1024xf32, #tpu.memory_space<vmem>>, vector<1x16xf32>,
        %get3A_768 = vector.shape_cast %get3A_767 : vector<1x16xf32> to vector<16xf32>
        %mul3A_769 = arith.constant 3.200000e+01 : f32
        %mul3A_770 = vector.broadcast %mul3A_769 : f32 to vector<16xf32>
        %mul3A_771 = arith.mulf %get3A_768, %mul3A_770 : vector<16xf32>
        %get3A_772 = arith.index_cast %scan3A_154 : i32 to index
        %get3A_773 = arith.constant 576 : index
        %get3A_774 = tpu.vector_load %arg11[%get3A_772, %get3A_773] {strides = array<i32>} : memref<16x1024xf32, #tpu.memory_space<vmem>>, vector<1x16xf32>,
        %get3A_775 = vector.shape_cast %get3A_774 : vector<1x16xf32> to vector<16xf32>
        %add3A_776 = arith.addf %mul3A_771, %get3A_775 : vector<16xf32>
        %swap3A_777 = arith.index_cast %scan3A_154 : i32 to index
        %swap3A_778 = arith.constant 576 : index
        %swap3A_779 = tpu.vector_load %arg13[%swap3A_777, %swap3A_778] {strides = array<i32>} : memref<16x1024xf32, #tpu.memory_space<vmem>>, vector<1x16xf32>,
        %swap3A_780 = vector.shape_cast %swap3A_779 : vector<1x16xf32> to vector<16xf32>
        %swap3A_781 = vector.shape_cast %add3A_776 : vector<16xf32> to vector<1x16xf32>
        tpu.vector_store %arg13[%swap3A_777, %swap3A_778], %swap3A_781 {strides = array<i32>} : memref<16x1024xf32, #tpu.memory_space<vmem>>, vector<1x16xf32>,
        %get3A_782 = arith.index_cast %scan3A_154 : i32 to index
        %get3A_783 = arith.constant 592 : index
        %get3A_784 = tpu.vector_load %arg9[%get3A_782, %get3A_783] {strides = array<i32>} : memref<16x1024xf32, #tpu.memory_space<vmem>>, vector<1x16xf32>,
        %get3A_785 = vector.shape_cast %get3A_784 : vector<1x16xf32> to vector<16xf32>
        %mul3A_786 = arith.constant 3.200000e+01 : f32
        %mul3A_787 = vector.broadcast %mul3A_786 : f32 to vector<16xf32>
        %mul3A_788 = arith.mulf %get3A_785, %mul3A_787 : vector<16xf32>
        %get3A_789 = arith.index_cast %scan3A_154 : i32 to index
        %get3A_790 = arith.constant 592 : index
        %get3A_791 = tpu.vector_load %arg11[%get3A_789, %get3A_790] {strides = array<i32>} : memref<16x1024xf32, #tpu.memory_space<vmem>>, vector<1x16xf32>,
        %get3A_792 = vector.shape_cast %get3A_791 : vector<1x16xf32> to vector<16xf32>
        %add3A_793 = arith.addf %mul3A_788, %get3A_792 : vector<16xf32>
        %swap3A_794 = arith.index_cast %scan3A_154 : i32 to index
        %swap3A_795 = arith.constant 592 : index
        %swap3A_796 = tpu.vector_load %arg13[%swap3A_794, %swap3A_795] {strides = array<i32>} : memref<16x1024xf32, #tpu.memory_space<vmem>>, vector<1x16xf32>,
        %swap3A_797 = vector.shape_cast %swap3A_796 : vector<1x16xf32> to vector<16xf32>
        %swap3A_798 = vector.shape_cast %add3A_793 : vector<16xf32> to vector<1x16xf32>
        tpu.vector_store %arg13[%swap3A_794, %swap3A_795], %swap3A_798 {strides = array<i32>} : memref<16x1024xf32, #tpu.memory_space<vmem>>, vector<1x16xf32>,
        %get3A_799 = arith.index_cast %scan3A_154 : i32 to index
        %get3A_800 = arith.constant 608 : index
        %get3A_801 = tpu.vector_load %arg9[%get3A_799, %get3A_800] {strides = array<i32>} : memref<16x1024xf32, #tpu.memory_space<vmem>>, vector<1x16xf32>,
        %get3A_802 = vector.shape_cast %get3A_801 : vector<1x16xf32> to vector<16xf32>
        %mul3A_803 = arith.constant 3.200000e+01 : f32
        %mul3A_804 = vector.broadcast %mul3A_803 : f32 to vector<16xf32>
        %mul3A_805 = arith.mulf %get3A_802, %mul3A_804 : vector<16xf32>
        %get3A_806 = arith.index_cast %scan3A_154 : i32 to index
        %get3A_807 = arith.constant 608 : index
        %get3A_808 = tpu.vector_load %arg11[%get3A_806, %get3A_807] {strides = array<i32>} : memref<16x1024xf32, #tpu.memory_space<vmem>>, vector<1x16xf32>,
        %get3A_809 = vector.shape_cast %get3A_808 : vector<1x16xf32> to vector<16xf32>
        %add3A_810 = arith.addf %mul3A_805, %get3A_809 : vector<16xf32>
        %swap3A_811 = arith.index_cast %scan3A_154 : i32 to index
        %swap3A_812 = arith.constant 608 : index
        %swap3A_813 = tpu.vector_load %arg13[%swap3A_811, %swap3A_812] {strides = array<i32>} : memref<16x1024xf32, #tpu.memory_space<vmem>>, vector<1x16xf32>,
        %swap3A_814 = vector.shape_cast %swap3A_813 : vector<1x16xf32> to vector<16xf32>
        %swap3A_815 = vector.shape_cast %add3A_810 : vector<16xf32> to vector<1x16xf32>
        tpu.vector_store %arg13[%swap3A_811, %swap3A_812], %swap3A_815 {strides = array<i32>} : memref<16x1024xf32, #tpu.memory_space<vmem>>, vector<1x16xf32>,
        %get3A_816 = arith.index_cast %scan3A_154 : i32 to index
        %get3A_817 = arith.constant 624 : index
        %get3A_818 = tpu.vector_load %arg9[%get3A_816, %get3A_817] {strides = array<i32>} : memref<16x1024xf32, #tpu.memory_space<vmem>>, vector<1x16xf32>,
        %get3A_819 = vector.shape_cast %get3A_818 : vector<1x16xf32> to vector<16xf32>
        %mul3A_820 = arith.constant 3.200000e+01 : f32
        %mul3A_821 = vector.broadcast %mul3A_820 : f32 to vector<16xf32>
        %mul3A_822 = arith.mulf %get3A_819, %mul3A_821 : vector<16xf32>
        %get3A_823 = arith.index_cast %scan3A_154 : i32 to index
        %get3A_824 = arith.constant 624 : index
        %get3A_825 = tpu.vector_load %arg11[%get3A_823, %get3A_824] {strides = array<i32>} : memref<16x1024xf32, #tpu.memory_space<vmem>>, vector<1x16xf32>,
        %get3A_826 = vector.shape_cast %get3A_825 : vector<1x16xf32> to vector<16xf32>
        %add3A_827 = arith.addf %mul3A_822, %get3A_826 : vector<16xf32>
        %swap3A_828 = arith.index_cast %scan3A_154 : i32 to index
        %swap3A_829 = arith.constant 624 : index
        %swap3A_830 = tpu.vector_load %arg13[%swap3A_828, %swap3A_829] {strides = array<i32>} : memref<16x1024xf32, #tpu.memory_space<vmem>>, vector<1x16xf32>,
        %swap3A_831 = vector.shape_cast %swap3A_830 : vector<1x16xf32> to vector<16xf32>
        %swap3A_832 = vector.shape_cast %add3A_827 : vector<16xf32> to vector<1x16xf32>
        tpu.vector_store %arg13[%swap3A_828, %swap3A_829], %swap3A_832 {strides = array<i32>} : memref<16x1024xf32, #tpu.memory_space<vmem>>, vector<1x16xf32>,
        %get3A_833 = arith.index_cast %scan3A_154 : i32 to index
        %get3A_834 = arith.constant 640 : index
        %get3A_835 = tpu.vector_load %arg9[%get3A_833, %get3A_834] {strides = array<i32>} : memref<16x1024xf32, #tpu.memory_space<vmem>>, vector<1x16xf32>,
        %get3A_836 = vector.shape_cast %get3A_835 : vector<1x16xf32> to vector<16xf32>
        %mul3A_837 = arith.constant 3.200000e+01 : f32
        %mul3A_838 = vector.broadcast %mul3A_837 : f32 to vector<16xf32>
        %mul3A_839 = arith.mulf %get3A_836, %mul3A_838 : vector<16xf32>
        %get3A_840 = arith.index_cast %scan3A_154 : i32 to index
        %get3A_841 = arith.constant 640 : index
        %get3A_842 = tpu.vector_load %arg11[%get3A_840, %get3A_841] {strides = array<i32>} : memref<16x1024xf32, #tpu.memory_space<vmem>>, vector<1x16xf32>,
        %get3A_843 = vector.shape_cast %get3A_842 : vector<1x16xf32> to vector<16xf32>
        %add3A_844 = arith.addf %mul3A_839, %get3A_843 : vector<16xf32>
        %swap3A_845 = arith.index_cast %scan3A_154 : i32 to index
        %swap3A_846 = arith.constant 640 : index
        %swap3A_847 = tpu.vector_load %arg13[%swap3A_845, %swap3A_846] {strides = array<i32>} : memref<16x1024xf32, #tpu.memory_space<vmem>>, vector<1x16xf32>,
        %swap3A_848 = vector.shape_cast %swap3A_847 : vector<1x16xf32> to vector<16xf32>
        %swap3A_849 = vector.shape_cast %add3A_844 : vector<16xf32> to vector<1x16xf32>
        tpu.vector_store %arg13[%swap3A_845, %swap3A_846], %swap3A_849 {strides = array<i32>} : memref<16x1024xf32, #tpu.memory_space<vmem>>, vector<1x16xf32>,
        %get3A_850 = arith.index_cast %scan3A_154 : i32 to index
        %get3A_851 = arith.constant 656 : index
        %get3A_852 = tpu.vector_load %arg9[%get3A_850, %get3A_851] {strides = array<i32>} : memref<16x1024xf32, #tpu.memory_space<vmem>>, vector<1x16xf32>,
        %get3A_853 = vector.shape_cast %get3A_852 : vector<1x16xf32> to vector<16xf32>
        %mul3A_854 = arith.constant 3.200000e+01 : f32
        %mul3A_855 = vector.broadcast %mul3A_854 : f32 to vector<16xf32>
        %mul3A_856 = arith.mulf %get3A_853, %mul3A_855 : vector<16xf32>
        %get3A_857 = arith.index_cast %scan3A_154 : i32 to index
        %get3A_858 = arith.constant 656 : index
        %get3A_859 = tpu.vector_load %arg11[%get3A_857, %get3A_858] {strides = array<i32>} : memref<16x1024xf32, #tpu.memory_space<vmem>>, vector<1x16xf32>,
        %get3A_860 = vector.shape_cast %get3A_859 : vector<1x16xf32> to vector<16xf32>
        %add3A_861 = arith.addf %mul3A_856, %get3A_860 : vector<16xf32>
        %swap3A_862 = arith.index_cast %scan3A_154 : i32 to index
        %swap3A_863 = arith.constant 656 : index
        %swap3A_864 = tpu.vector_load %arg13[%swap3A_862, %swap3A_863] {strides = array<i32>} : memref<16x1024xf32, #tpu.memory_space<vmem>>, vector<1x16xf32>,
        %swap3A_865 = vector.shape_cast %swap3A_864 : vector<1x16xf32> to vector<16xf32>
        %swap3A_866 = vector.shape_cast %add3A_861 : vector<16xf32> to vector<1x16xf32>
        tpu.vector_store %arg13[%swap3A_862, %swap3A_863], %swap3A_866 {strides = array<i32>} : memref<16x1024xf32, #tpu.memory_space<vmem>>, vector<1x16xf32>,
        %get3A_867 = arith.index_cast %scan3A_154 : i32 to index
        %get3A_868 = arith.constant 672 : index
        %get3A_869 = tpu.vector_load %arg9[%get3A_867, %get3A_868] {strides = array<i32>} : memref<16x1024xf32, #tpu.memory_space<vmem>>, vector<1x16xf32>,
        %get3A_870 = vector.shape_cast %get3A_869 : vector<1x16xf32> to vector<16xf32>
        %mul3A_871 = arith.constant 3.200000e+01 : f32
        %mul3A_872 = vector.broadcast %mul3A_871 : f32 to vector<16xf32>
        %mul3A_873 = arith.mulf %get3A_870, %mul3A_872 : vector<16xf32>
        %get3A_874 = arith.index_cast %scan3A_154 : i32 to index
        %get3A_875 = arith.constant 672 : index
        %get3A_876 = tpu.vector_load %arg11[%get3A_874, %get3A_875] {strides = array<i32>} : memref<16x1024xf32, #tpu.memory_space<vmem>>, vector<1x16xf32>,
        %get3A_877 = vector.shape_cast %get3A_876 : vector<1x16xf32> to vector<16xf32>
        %add3A_878 = arith.addf %mul3A_873, %get3A_877 : vector<16xf32>
        %swap3A_879 = arith.index_cast %scan3A_154 : i32 to index
        %swap3A_880 = arith.constant 672 : index
        %swap3A_881 = tpu.vector_load %arg13[%swap3A_879, %swap3A_880] {strides = array<i32>} : memref<16x1024xf32, #tpu.memory_space<vmem>>, vector<1x16xf32>,
        %swap3A_882 = vector.shape_cast %swap3A_881 : vector<1x16xf32> to vector<16xf32>
        %swap3A_883 = vector.shape_cast %add3A_878 : vector<16xf32> to vector<1x16xf32>
        tpu.vector_store %arg13[%swap3A_879, %swap3A_880], %swap3A_883 {strides = array<i32>} : memref<16x1024xf32, #tpu.memory_space<vmem>>, vector<1x16xf32>,
        %get3A_884 = arith.index_cast %scan3A_154 : i32 to index
        %get3A_885 = arith.constant 688 : index
        %get3A_886 = tpu.vector_load %arg9[%get3A_884, %get3A_885] {strides = array<i32>} : memref<16x1024xf32, #tpu.memory_space<vmem>>, vector<1x16xf32>,
        %get3A_887 = vector.shape_cast %get3A_886 : vector<1x16xf32> to vector<16xf32>
        %mul3A_888 = arith.constant 3.200000e+01 : f32
        %mul3A_889 = vector.broadcast %mul3A_888 : f32 to vector<16xf32>
        %mul3A_890 = arith.mulf %get3A_887, %mul3A_889 : vector<16xf32>
        %get3A_891 = arith.index_cast %scan3A_154 : i32 to index
        %get3A_892 = arith.constant 688 : index
        %get3A_893 = tpu.vector_load %arg11[%get3A_891, %get3A_892] {strides = array<i32>} : memref<16x1024xf32, #tpu.memory_space<vmem>>, vector<1x16xf32>,
        %get3A_894 = vector.shape_cast %get3A_893 : vector<1x16xf32> to vector<16xf32>
        %add3A_895 = arith.addf %mul3A_890, %get3A_894 : vector<16xf32>
        %swap3A_896 = arith.index_cast %scan3A_154 : i32 to index
        %swap3A_897 = arith.constant 688 : index
        %swap3A_898 = tpu.vector_load %arg13[%swap3A_896, %swap3A_897] {strides = array<i32>} : memref<16x1024xf32, #tpu.memory_space<vmem>>, vector<1x16xf32>,
        %swap3A_899 = vector.shape_cast %swap3A_898 : vector<1x16xf32> to vector<16xf32>
        %swap3A_900 = vector.shape_cast %add3A_895 : vector<16xf32> to vector<1x16xf32>
        tpu.vector_store %arg13[%swap3A_896, %swap3A_897], %swap3A_900 {strides = array<i32>} : memref<16x1024xf32, #tpu.memory_space<vmem>>, vector<1x16xf32>,
        %get3A_901 = arith.index_cast %scan3A_154 : i32 to index
        %get3A_902 = arith.constant 704 : index
        %get3A_903 = tpu.vector_load %arg9[%get3A_901, %get3A_902] {strides = array<i32>} : memref<16x1024xf32, #tpu.memory_space<vmem>>, vector<1x16xf32>,
        %get3A_904 = vector.shape_cast %get3A_903 : vector<1x16xf32> to vector<16xf32>
        %mul3A_905 = arith.constant 3.200000e+01 : f32
        %mul3A_906 = vector.broadcast %mul3A_905 : f32 to vector<16xf32>
        %mul3A_907 = arith.mulf %get3A_904, %mul3A_906 : vector<16xf32>
        %get3A_908 = arith.index_cast %scan3A_154 : i32 to index
        %get3A_909 = arith.constant 704 : index
        %get3A_910 = tpu.vector_load %arg11[%get3A_908, %get3A_909] {strides = array<i32>} : memref<16x1024xf32, #tpu.memory_space<vmem>>, vector<1x16xf32>,
        %get3A_911 = vector.shape_cast %get3A_910 : vector<1x16xf32> to vector<16xf32>
        %add3A_912 = arith.addf %mul3A_907, %get3A_911 : vector<16xf32>
        %swap3A_913 = arith.index_cast %scan3A_154 : i32 to index
        %swap3A_914 = arith.constant 704 : index
        %swap3A_915 = tpu.vector_load %arg13[%swap3A_913, %swap3A_914] {strides = array<i32>} : memref<16x1024xf32, #tpu.memory_space<vmem>>, vector<1x16xf32>,
        %swap3A_916 = vector.shape_cast %swap3A_915 : vector<1x16xf32> to vector<16xf32>
        %swap3A_917 = vector.shape_cast %add3A_912 : vector<16xf32> to vector<1x16xf32>
        tpu.vector_store %arg13[%swap3A_913, %swap3A_914], %swap3A_917 {strides = array<i32>} : memref<16x1024xf32, #tpu.memory_space<vmem>>, vector<1x16xf32>,
        %get3A_918 = arith.index_cast %scan3A_154 : i32 to index
        %get3A_919 = arith.constant 720 : index
        %get3A_920 = tpu.vector_load %arg9[%get3A_918, %get3A_919] {strides = array<i32>} : memref<16x1024xf32, #tpu.memory_space<vmem>>, vector<1x16xf32>,
        %get3A_921 = vector.shape_cast %get3A_920 : vector<1x16xf32> to vector<16xf32>
        %mul3A_922 = arith.constant 3.200000e+01 : f32
        %mul3A_923 = vector.broadcast %mul3A_922 : f32 to vector<16xf32>
        %mul3A_924 = arith.mulf %get3A_921, %mul3A_923 : vector<16xf32>
        %get3A_925 = arith.index_cast %scan3A_154 : i32 to index
        %get3A_926 = arith.constant 720 : index
        %get3A_927 = tpu.vector_load %arg11[%get3A_925, %get3A_926] {strides = array<i32>} : memref<16x1024xf32, #tpu.memory_space<vmem>>, vector<1x16xf32>,
        %get3A_928 = vector.shape_cast %get3A_927 : vector<1x16xf32> to vector<16xf32>
        %add3A_929 = arith.addf %mul3A_924, %get3A_928 : vector<16xf32>
        %swap3A_930 = arith.index_cast %scan3A_154 : i32 to index
        %swap3A_931 = arith.constant 720 : index
        %swap3A_932 = tpu.vector_load %arg13[%swap3A_930, %swap3A_931] {strides = array<i32>} : memref<16x1024xf32, #tpu.memory_space<vmem>>, vector<1x16xf32>,
        %swap3A_933 = vector.shape_cast %swap3A_932 : vector<1x16xf32> to vector<16xf32>
        %swap3A_934 = vector.shape_cast %add3A_929 : vector<16xf32> to vector<1x16xf32>
        tpu.vector_store %arg13[%swap3A_930, %swap3A_931], %swap3A_934 {strides = array<i32>} : memref<16x1024xf32, #tpu.memory_space<vmem>>, vector<1x16xf32>,
        %get3A_935 = arith.index_cast %scan3A_154 : i32 to index
        %get3A_936 = arith.constant 736 : index
        %get3A_937 = tpu.vector_load %arg9[%get3A_935, %get3A_936] {strides = array<i32>} : memref<16x1024xf32, #tpu.memory_space<vmem>>, vector<1x16xf32>,
        %get3A_938 = vector.shape_cast %get3A_937 : vector<1x16xf32> to vector<16xf32>
        %mul3A_939 = arith.constant 3.200000e+01 : f32
        %mul3A_940 = vector.broadcast %mul3A_939 : f32 to vector<16xf32>
        %mul3A_941 = arith.mulf %get3A_938, %mul3A_940 : vector<16xf32>
        %get3A_942 = arith.index_cast %scan3A_154 : i32 to index
        %get3A_943 = arith.constant 736 : index
        %get3A_944 = tpu.vector_load %arg11[%get3A_942, %get3A_943] {strides = array<i32>} : memref<16x1024xf32, #tpu.memory_space<vmem>>, vector<1x16xf32>,
        %get3A_945 = vector.shape_cast %get3A_944 : vector<1x16xf32> to vector<16xf32>
        %add3A_946 = arith.addf %mul3A_941, %get3A_945 : vector<16xf32>
        %swap3A_947 = arith.index_cast %scan3A_154 : i32 to index
        %swap3A_948 = arith.constant 736 : index
        %swap3A_949 = tpu.vector_load %arg13[%swap3A_947, %swap3A_948] {strides = array<i32>} : memref<16x1024xf32, #tpu.memory_space<vmem>>, vector<1x16xf32>,
        %swap3A_950 = vector.shape_cast %swap3A_949 : vector<1x16xf32> to vector<16xf32>
        %swap3A_951 = vector.shape_cast %add3A_946 : vector<16xf32> to vector<1x16xf32>
        tpu.vector_store %arg13[%swap3A_947, %swap3A_948], %swap3A_951 {strides = array<i32>} : memref<16x1024xf32, #tpu.memory_space<vmem>>, vector<1x16xf32>,
        %get3A_952 = arith.index_cast %scan3A_154 : i32 to index
        %get3A_953 = arith.constant 752 : index
        %get3A_954 = tpu.vector_load %arg9[%get3A_952, %get3A_953] {strides = array<i32>} : memref<16x1024xf32, #tpu.memory_space<vmem>>, vector<1x16xf32>,
        %get3A_955 = vector.shape_cast %get3A_954 : vector<1x16xf32> to vector<16xf32>
        %mul3A_956 = arith.constant 3.200000e+01 : f32
        %mul3A_957 = vector.broadcast %mul3A_956 : f32 to vector<16xf32>
        %mul3A_958 = arith.mulf %get3A_955, %mul3A_957 : vector<16xf32>
        %get3A_959 = arith.index_cast %scan3A_154 : i32 to index
        %get3A_960 = arith.constant 752 : index
        %get3A_961 = tpu.vector_load %arg11[%get3A_959, %get3A_960] {strides = array<i32>} : memref<16x1024xf32, #tpu.memory_space<vmem>>, vector<1x16xf32>,
        %get3A_962 = vector.shape_cast %get3A_961 : vector<1x16xf32> to vector<16xf32>
        %add3A_963 = arith.addf %mul3A_958, %get3A_962 : vector<16xf32>
        %swap3A_964 = arith.index_cast %scan3A_154 : i32 to index
        %swap3A_965 = arith.constant 752 : index
        %swap3A_966 = tpu.vector_load %arg13[%swap3A_964, %swap3A_965] {strides = array<i32>} : memref<16x1024xf32, #tpu.memory_space<vmem>>, vector<1x16xf32>,
        %swap3A_967 = vector.shape_cast %swap3A_966 : vector<1x16xf32> to vector<16xf32>
        %swap3A_968 = vector.shape_cast %add3A_963 : vector<16xf32> to vector<1x16xf32>
        tpu.vector_store %arg13[%swap3A_964, %swap3A_965], %swap3A_968 {strides = array<i32>} : memref<16x1024xf32, #tpu.memory_space<vmem>>, vector<1x16xf32>,
        %get3A_969 = arith.index_cast %scan3A_154 : i32 to index
        %get3A_970 = arith.constant 768 : index
        %get3A_971 = tpu.vector_load %arg9[%get3A_969, %get3A_970] {strides = array<i32>} : memref<16x1024xf32, #tpu.memory_space<vmem>>, vector<1x16xf32>,
        %get3A_972 = vector.shape_cast %get3A_971 : vector<1x16xf32> to vector<16xf32>
        %mul3A_973 = arith.constant 3.200000e+01 : f32
        %mul3A_974 = vector.broadcast %mul3A_973 : f32 to vector<16xf32>
        %mul3A_975 = arith.mulf %get3A_972, %mul3A_974 : vector<16xf32>
        %get3A_976 = arith.index_cast %scan3A_154 : i32 to index
        %get3A_977 = arith.constant 768 : index
        %get3A_978 = tpu.vector_load %arg11[%get3A_976, %get3A_977] {strides = array<i32>} : memref<16x1024xf32, #tpu.memory_space<vmem>>, vector<1x16xf32>,
        %get3A_979 = vector.shape_cast %get3A_978 : vector<1x16xf32> to vector<16xf32>
        %add3A_980 = arith.addf %mul3A_975, %get3A_979 : vector<16xf32>
        %swap3A_981 = arith.index_cast %scan3A_154 : i32 to index
        %swap3A_982 = arith.constant 768 : index
        %swap3A_983 = tpu.vector_load %arg13[%swap3A_981, %swap3A_982] {strides = array<i32>} : memref<16x1024xf32, #tpu.memory_space<vmem>>, vector<1x16xf32>,
        %swap3A_984 = vector.shape_cast %swap3A_983 : vector<1x16xf32> to vector<16xf32>
        %swap3A_985 = vector.shape_cast %add3A_980 : vector<16xf32> to vector<1x16xf32>
        tpu.vector_store %arg13[%swap3A_981, %swap3A_982], %swap3A_985 {strides = array<i32>} : memref<16x1024xf32, #tpu.memory_space<vmem>>, vector<1x16xf32>,
        %get3A_986 = arith.index_cast %scan3A_154 : i32 to index
        %get3A_987 = arith.constant 784 : index
        %get3A_988 = tpu.vector_load %arg9[%get3A_986, %get3A_987] {strides = array<i32>} : memref<16x1024xf32, #tpu.memory_space<vmem>>, vector<1x16xf32>,
        %get3A_989 = vector.shape_cast %get3A_988 : vector<1x16xf32> to vector<16xf32>
        %mul3A_990 = arith.constant 3.200000e+01 : f32
        %mul3A_991 = vector.broadcast %mul3A_990 : f32 to vector<16xf32>
        %mul3A_992 = arith.mulf %get3A_989, %mul3A_991 : vector<16xf32>
        %get3A_993 = arith.index_cast %scan3A_154 : i32 to index
        %get3A_994 = arith.constant 784 : index
        %get3A_995 = tpu.vector_load %arg11[%get3A_993, %get3A_994] {strides = array<i32>} : memref<16x1024xf32, #tpu.memory_space<vmem>>, vector<1x16xf32>,
        %get3A_996 = vector.shape_cast %get3A_995 : vector<1x16xf32> to vector<16xf32>
        %add3A_997 = arith.addf %mul3A_992, %get3A_996 : vector<16xf32>
        %swap3A_998 = arith.index_cast %scan3A_154 : i32 to index
        %swap3A_999 = arith.constant 784 : index
        %swap3A_1000 = tpu.vector_load %arg13[%swap3A_998, %swap3A_999] {strides = array<i32>} : memref<16x1024xf32, #tpu.memory_space<vmem>>, vector<1x16xf32>,
        %swap3A_1001 = vector.shape_cast %swap3A_1000 : vector<1x16xf32> to vector<16xf32>
        %swap3A_1002 = vector.shape_cast %add3A_997 : vector<16xf32> to vector<1x16xf32>
        tpu.vector_store %arg13[%swap3A_998, %swap3A_999], %swap3A_1002 {strides = array<i32>} : memref<16x1024xf32, #tpu.memory_space<vmem>>, vector<1x16xf32>,
        %get3A_1003 = arith.index_cast %scan3A_154 : i32 to index
        %get3A_1004 = arith.constant 800 : index
        %get3A_1005 = tpu.vector_load %arg9[%get3A_1003, %get3A_1004] {strides = array<i32>} : memref<16x1024xf32, #tpu.memory_space<vmem>>, vector<1x16xf32>,
        %get3A_1006 = vector.shape_cast %get3A_1005 : vector<1x16xf32> to vector<16xf32>
        %mul3A_1007 = arith.constant 3.200000e+01 : f32
        %mul3A_1008 = vector.broadcast %mul3A_1007 : f32 to vector<16xf32>
        %mul3A_1009 = arith.mulf %get3A_1006, %mul3A_1008 : vector<16xf32>
        %get3A_1010 = arith.index_cast %scan3A_154 : i32 to index
        %get3A_1011 = arith.constant 800 : index
        %get3A_1012 = tpu.vector_load %arg11[%get3A_1010, %get3A_1011] {strides = array<i32>} : memref<16x1024xf32, #tpu.memory_space<vmem>>, vector<1x16xf32>,
        %get3A_1013 = vector.shape_cast %get3A_1012 : vector<1x16xf32> to vector<16xf32>
        %add3A_1014 = arith.addf %mul3A_1009, %get3A_1013 : vector<16xf32>
        %swap3A_1015 = arith.index_cast %scan3A_154 : i32 to index
        %swap3A_1016 = arith.constant 800 : index
        %swap3A_1017 = tpu.vector_load %arg13[%swap3A_1015, %swap3A_1016] {strides = array<i32>} : memref<16x1024xf32, #tpu.memory_space<vmem>>, vector<1x16xf32>,
        %swap3A_1018 = vector.shape_cast %swap3A_1017 : vector<1x16xf32> to vector<16xf32>
        %swap3A_1019 = vector.shape_cast %add3A_1014 : vector<16xf32> to vector<1x16xf32>
        tpu.vector_store %arg13[%swap3A_1015, %swap3A_1016], %swap3A_1019 {strides = array<i32>} : memref<16x1024xf32, #tpu.memory_space<vmem>>, vector<1x16xf32>,
        %get3A_1020 = arith.index_cast %scan3A_154 : i32 to index
        %get3A_1021 = arith.constant 816 : index
        %get3A_1022 = tpu.vector_load %arg9[%get3A_1020, %get3A_1021] {strides = array<i32>} : memref<16x1024xf32, #tpu.memory_space<vmem>>, vector<1x16xf32>,
        %get3A_1023 = vector.shape_cast %get3A_1022 : vector<1x16xf32> to vector<16xf32>
        %mul3A_1024 = arith.constant 3.200000e+01 : f32
        %mul3A_1025 = vector.broadcast %mul3A_1024 : f32 to vector<16xf32>
        %mul3A_1026 = arith.mulf %get3A_1023, %mul3A_1025 : vector<16xf32>
        %get3A_1027 = arith.index_cast %scan3A_154 : i32 to index
        %get3A_1028 = arith.constant 816 : index
        %get3A_1029 = tpu.vector_load %arg11[%get3A_1027, %get3A_1028] {strides = array<i32>} : memref<16x1024xf32, #tpu.memory_space<vmem>>, vector<1x16xf32>,
        %get3A_1030 = vector.shape_cast %get3A_1029 : vector<1x16xf32> to vector<16xf32>
        %add3A_1031 = arith.addf %mul3A_1026, %get3A_1030 : vector<16xf32>
        %swap3A_1032 = arith.index_cast %scan3A_154 : i32 to index
        %swap3A_1033 = arith.constant 816 : index
        %swap3A_1034 = tpu.vector_load %arg13[%swap3A_1032, %swap3A_1033] {strides = array<i32>} : memref<16x1024xf32, #tpu.memory_space<vmem>>, vector<1x16xf32>,
        %swap3A_1035 = vector.shape_cast %swap3A_1034 : vector<1x16xf32> to vector<16xf32>
        %swap3A_1036 = vector.shape_cast %add3A_1031 : vector<16xf32> to vector<1x16xf32>
        tpu.vector_store %arg13[%swap3A_1032, %swap3A_1033], %swap3A_1036 {strides = array<i32>} : memref<16x1024xf32, #tpu.memory_space<vmem>>, vector<1x16xf32>,
        %get3A_1037 = arith.index_cast %scan3A_154 : i32 to index
        %get3A_1038 = arith.constant 832 : index
        %get3A_1039 = tpu.vector_load %arg9[%get3A_1037, %get3A_1038] {strides = array<i32>} : memref<16x1024xf32, #tpu.memory_space<vmem>>, vector<1x16xf32>,
        %get3A_1040 = vector.shape_cast %get3A_1039 : vector<1x16xf32> to vector<16xf32>
        %mul3A_1041 = arith.constant 3.200000e+01 : f32
        %mul3A_1042 = vector.broadcast %mul3A_1041 : f32 to vector<16xf32>
        %mul3A_1043 = arith.mulf %get3A_1040, %mul3A_1042 : vector<16xf32>
        %get3A_1044 = arith.index_cast %scan3A_154 : i32 to index
        %get3A_1045 = arith.constant 832 : index
        %get3A_1046 = tpu.vector_load %arg11[%get3A_1044, %get3A_1045] {strides = array<i32>} : memref<16x1024xf32, #tpu.memory_space<vmem>>, vector<1x16xf32>,
        %get3A_1047 = vector.shape_cast %get3A_1046 : vector<1x16xf32> to vector<16xf32>
        %add3A_1048 = arith.addf %mul3A_1043, %get3A_1047 : vector<16xf32>
        %swap3A_1049 = arith.index_cast %scan3A_154 : i32 to index
        %swap3A_1050 = arith.constant 832 : index
        %swap3A_1051 = tpu.vector_load %arg13[%swap3A_1049, %swap3A_1050] {strides = array<i32>} : memref<16x1024xf32, #tpu.memory_space<vmem>>, vector<1x16xf32>,
        %swap3A_1052 = vector.shape_cast %swap3A_1051 : vector<1x16xf32> to vector<16xf32>
        %swap3A_1053 = vector.shape_cast %add3A_1048 : vector<16xf32> to vector<1x16xf32>
        tpu.vector_store %arg13[%swap3A_1049, %swap3A_1050], %swap3A_1053 {strides = array<i32>} : memref<16x1024xf32, #tpu.memory_space<vmem>>, vector<1x16xf32>,
        %get3A_1054 = arith.index_cast %scan3A_154 : i32 to index
        %get3A_1055 = arith.constant 848 : index
        %get3A_1056 = tpu.vector_load %arg9[%get3A_1054, %get3A_1055] {strides = array<i32>} : memref<16x1024xf32, #tpu.memory_space<vmem>>, vector<1x16xf32>,
        %get3A_1057 = vector.shape_cast %get3A_1056 : vector<1x16xf32> to vector<16xf32>
        %mul3A_1058 = arith.constant 3.200000e+01 : f32
        %mul3A_1059 = vector.broadcast %mul3A_1058 : f32 to vector<16xf32>
        %mul3A_1060 = arith.mulf %get3A_1057, %mul3A_1059 : vector<16xf32>
        %get3A_1061 = arith.index_cast %scan3A_154 : i32 to index
        %get3A_1062 = arith.constant 848 : index
        %get3A_1063 = tpu.vector_load %arg11[%get3A_1061, %get3A_1062] {strides = array<i32>} : memref<16x1024xf32, #tpu.memory_space<vmem>>, vector<1x16xf32>,
        %get3A_1064 = vector.shape_cast %get3A_1063 : vector<1x16xf32> to vector<16xf32>
        %add3A_1065 = arith.addf %mul3A_1060, %get3A_1064 : vector<16xf32>
        %swap3A_1066 = arith.index_cast %scan3A_154 : i32 to index
        %swap3A_1067 = arith.constant 848 : index
        %swap3A_1068 = tpu.vector_load %arg13[%swap3A_1066, %swap3A_1067] {strides = array<i32>} : memref<16x1024xf32, #tpu.memory_space<vmem>>, vector<1x16xf32>,
        %swap3A_1069 = vector.shape_cast %swap3A_1068 : vector<1x16xf32> to vector<16xf32>
        %swap3A_1070 = vector.shape_cast %add3A_1065 : vector<16xf32> to vector<1x16xf32>
        tpu.vector_store %arg13[%swap3A_1066, %swap3A_1067], %swap3A_1070 {strides = array<i32>} : memref<16x1024xf32, #tpu.memory_space<vmem>>, vector<1x16xf32>,
        %get3A_1071 = arith.index_cast %scan3A_154 : i32 to index
        %get3A_1072 = arith.constant 864 : index
        %get3A_1073 = tpu.vector_load %arg9[%get3A_1071, %get3A_1072] {strides = array<i32>} : memref<16x1024xf32, #tpu.memory_space<vmem>>, vector<1x16xf32>,
        %get3A_1074 = vector.shape_cast %get3A_1073 : vector<1x16xf32> to vector<16xf32>
        %mul3A_1075 = arith.constant 3.200000e+01 : f32
        %mul3A_1076 = vector.broadcast %mul3A_1075 : f32 to vector<16xf32>
        %mul3A_1077 = arith.mulf %get3A_1074, %mul3A_1076 : vector<16xf32>
        %get3A_1078 = arith.index_cast %scan3A_154 : i32 to index
        %get3A_1079 = arith.constant 864 : index
        %get3A_1080 = tpu.vector_load %arg11[%get3A_1078, %get3A_1079] {strides = array<i32>} : memref<16x1024xf32, #tpu.memory_space<vmem>>, vector<1x16xf32>,
        %get3A_1081 = vector.shape_cast %get3A_1080 : vector<1x16xf32> to vector<16xf32>
        %add3A_1082 = arith.addf %mul3A_1077, %get3A_1081 : vector<16xf32>
        %swap3A_1083 = arith.index_cast %scan3A_154 : i32 to index
        %swap3A_1084 = arith.constant 864 : index
        %swap3A_1085 = tpu.vector_load %arg13[%swap3A_1083, %swap3A_1084] {strides = array<i32>} : memref<16x1024xf32, #tpu.memory_space<vmem>>, vector<1x16xf32>,
        %swap3A_1086 = vector.shape_cast %swap3A_1085 : vector<1x16xf32> to vector<16xf32>
        %swap3A_1087 = vector.shape_cast %add3A_1082 : vector<16xf32> to vector<1x16xf32>
        tpu.vector_store %arg13[%swap3A_1083, %swap3A_1084], %swap3A_1087 {strides = array<i32>} : memref<16x1024xf32, #tpu.memory_space<vmem>>, vector<1x16xf32>,
        %get3A_1088 = arith.index_cast %scan3A_154 : i32 to index
        %get3A_1089 = arith.constant 880 : index
        %get3A_1090 = tpu.vector_load %arg9[%get3A_1088, %get3A_1089] {strides = array<i32>} : memref<16x1024xf32, #tpu.memory_space<vmem>>, vector<1x16xf32>,
        %get3A_1091 = vector.shape_cast %get3A_1090 : vector<1x16xf32> to vector<16xf32>
        %mul3A_1092 = arith.constant 3.200000e+01 : f32
        %mul3A_1093 = vector.broadcast %mul3A_1092 : f32 to vector<16xf32>
        %mul3A_1094 = arith.mulf %get3A_1091, %mul3A_1093 : vector<16xf32>
        %get3A_1095 = arith.index_cast %scan3A_154 : i32 to index
        %get3A_1096 = arith.constant 880 : index
        %get3A_1097 = tpu.vector_load %arg11[%get3A_1095, %get3A_1096] {strides = array<i32>} : memref<16x1024xf32, #tpu.memory_space<vmem>>, vector<1x16xf32>,
        %get3A_1098 = vector.shape_cast %get3A_1097 : vector<1x16xf32> to vector<16xf32>
        %add3A_1099 = arith.addf %mul3A_1094, %get3A_1098 : vector<16xf32>
        %swap3A_1100 = arith.index_cast %scan3A_154 : i32 to index
        %swap3A_1101 = arith.constant 880 : index
        %swap3A_1102 = tpu.vector_load %arg13[%swap3A_1100, %swap3A_1101] {strides = array<i32>} : memref<16x1024xf32, #tpu.memory_space<vmem>>, vector<1x16xf32>,
        %swap3A_1103 = vector.shape_cast %swap3A_1102 : vector<1x16xf32> to vector<16xf32>
        %swap3A_1104 = vector.shape_cast %add3A_1099 : vector<16xf32> to vector<1x16xf32>
        tpu.vector_store %arg13[%swap3A_1100, %swap3A_1101], %swap3A_1104 {strides = array<i32>} : memref<16x1024xf32, #tpu.memory_space<vmem>>, vector<1x16xf32>,
        %get3A_1105 = arith.index_cast %scan3A_154 : i32 to index
        %get3A_1106 = arith.constant 896 : index
        %get3A_1107 = tpu.vector_load %arg9[%get3A_1105, %get3A_1106] {strides = array<i32>} : memref<16x1024xf32, #tpu.memory_space<vmem>>, vector<1x16xf32>,
        %get3A_1108 = vector.shape_cast %get3A_1107 : vector<1x16xf32> to vector<16xf32>
        %mul3A_1109 = arith.constant 3.200000e+01 : f32
        %mul3A_1110 = vector.broadcast %mul3A_1109 : f32 to vector<16xf32>
        %mul3A_1111 = arith.mulf %get3A_1108, %mul3A_1110 : vector<16xf32>
        %get3A_1112 = arith.index_cast %scan3A_154 : i32 to index
        %get3A_1113 = arith.constant 896 : index
        %get3A_1114 = tpu.vector_load %arg11[%get3A_1112, %get3A_1113] {strides = array<i32>} : memref<16x1024xf32, #tpu.memory_space<vmem>>, vector<1x16xf32>,
        %get3A_1115 = vector.shape_cast %get3A_1114 : vector<1x16xf32> to vector<16xf32>
        %add3A_1116 = arith.addf %mul3A_1111, %get3A_1115 : vector<16xf32>
        %swap3A_1117 = arith.index_cast %scan3A_154 : i32 to index
        %swap3A_1118 = arith.constant 896 : index
        %swap3A_1119 = tpu.vector_load %arg13[%swap3A_1117, %swap3A_1118] {strides = array<i32>} : memref<16x1024xf32, #tpu.memory_space<vmem>>, vector<1x16xf32>,
        %swap3A_1120 = vector.shape_cast %swap3A_1119 : vector<1x16xf32> to vector<16xf32>
        %swap3A_1121 = vector.shape_cast %add3A_1116 : vector<16xf32> to vector<1x16xf32>
        tpu.vector_store %arg13[%swap3A_1117, %swap3A_1118], %swap3A_1121 {strides = array<i32>} : memref<16x1024xf32, #tpu.memory_space<vmem>>, vector<1x16xf32>,
        %get3A_1122 = arith.index_cast %scan3A_154 : i32 to index
        %get3A_1123 = arith.constant 912 : index
        %get3A_1124 = tpu.vector_load %arg9[%get3A_1122, %get3A_1123] {strides = array<i32>} : memref<16x1024xf32, #tpu.memory_space<vmem>>, vector<1x16xf32>,
        %get3A_1125 = vector.shape_cast %get3A_1124 : vector<1x16xf32> to vector<16xf32>
        %mul3A_1126 = arith.constant 3.200000e+01 : f32
        %mul3A_1127 = vector.broadcast %mul3A_1126 : f32 to vector<16xf32>
        %mul3A_1128 = arith.mulf %get3A_1125, %mul3A_1127 : vector<16xf32>
        %get3A_1129 = arith.index_cast %scan3A_154 : i32 to index
        %get3A_1130 = arith.constant 912 : index
        %get3A_1131 = tpu.vector_load %arg11[%get3A_1129, %get3A_1130] {strides = array<i32>} : memref<16x1024xf32, #tpu.memory_space<vmem>>, vector<1x16xf32>,
        %get3A_1132 = vector.shape_cast %get3A_1131 : vector<1x16xf32> to vector<16xf32>
        %add3A_1133 = arith.addf %mul3A_1128, %get3A_1132 : vector<16xf32>
        %swap3A_1134 = arith.index_cast %scan3A_154 : i32 to index
        %swap3A_1135 = arith.constant 912 : index
        %swap3A_1136 = tpu.vector_load %arg13[%swap3A_1134, %swap3A_1135] {strides = array<i32>} : memref<16x1024xf32, #tpu.memory_space<vmem>>, vector<1x16xf32>,
        %swap3A_1137 = vector.shape_cast %swap3A_1136 : vector<1x16xf32> to vector<16xf32>
        %swap3A_1138 = vector.shape_cast %add3A_1133 : vector<16xf32> to vector<1x16xf32>
        tpu.vector_store %arg13[%swap3A_1134, %swap3A_1135], %swap3A_1138 {strides = array<i32>} : memref<16x1024xf32, #tpu.memory_space<vmem>>, vector<1x16xf32>,
        %get3A_1139 = arith.index_cast %scan3A_154 : i32 to index
        %get3A_1140 = arith.constant 928 : index
        %get3A_1141 = tpu.vector_load %arg9[%get3A_1139, %get3A_1140] {strides = array<i32>} : memref<16x1024xf32, #tpu.memory_space<vmem>>, vector<1x16xf32>,
        %get3A_1142 = vector.shape_cast %get3A_1141 : vector<1x16xf32> to vector<16xf32>
        %mul3A_1143 = arith.constant 3.200000e+01 : f32
        %mul3A_1144 = vector.broadcast %mul3A_1143 : f32 to vector<16xf32>
        %mul3A_1145 = arith.mulf %get3A_1142, %mul3A_1144 : vector<16xf32>
        %get3A_1146 = arith.index_cast %scan3A_154 : i32 to index
        %get3A_1147 = arith.constant 928 : index
        %get3A_1148 = tpu.vector_load %arg11[%get3A_1146, %get3A_1147] {strides = array<i32>} : memref<16x1024xf32, #tpu.memory_space<vmem>>, vector<1x16xf32>,
        %get3A_1149 = vector.shape_cast %get3A_1148 : vector<1x16xf32> to vector<16xf32>
        %add3A_1150 = arith.addf %mul3A_1145, %get3A_1149 : vector<16xf32>
        %swap3A_1151 = arith.index_cast %scan3A_154 : i32 to index
        %swap3A_1152 = arith.constant 928 : index
        %swap3A_1153 = tpu.vector_load %arg13[%swap3A_1151, %swap3A_1152] {strides = array<i32>} : memref<16x1024xf32, #tpu.memory_space<vmem>>, vector<1x16xf32>,
        %swap3A_1154 = vector.shape_cast %swap3A_1153 : vector<1x16xf32> to vector<16xf32>
        %swap3A_1155 = vector.shape_cast %add3A_1150 : vector<16xf32> to vector<1x16xf32>
        tpu.vector_store %arg13[%swap3A_1151, %swap3A_1152], %swap3A_1155 {strides = array<i32>} : memref<16x1024xf32, #tpu.memory_space<vmem>>, vector<1x16xf32>,
        %get3A_1156 = arith.index_cast %scan3A_154 : i32 to index
        %get3A_1157 = arith.constant 944 : index
        %get3A_1158 = tpu.vector_load %arg9[%get3A_1156, %get3A_1157] {strides = array<i32>} : memref<16x1024xf32, #tpu.memory_space<vmem>>, vector<1x16xf32>,
        %get3A_1159 = vector.shape_cast %get3A_1158 : vector<1x16xf32> to vector<16xf32>
        %mul3A_1160 = arith.constant 3.200000e+01 : f32
        %mul3A_1161 = vector.broadcast %mul3A_1160 : f32 to vector<16xf32>
        %mul3A_1162 = arith.mulf %get3A_1159, %mul3A_1161 : vector<16xf32>
        %get3A_1163 = arith.index_cast %scan3A_154 : i32 to index
        %get3A_1164 = arith.constant 944 : index
        %get3A_1165 = tpu.vector_load %arg11[%get3A_1163, %get3A_1164] {strides = array<i32>} : memref<16x1024xf32, #tpu.memory_space<vmem>>, vector<1x16xf32>,
        %get3A_1166 = vector.shape_cast %get3A_1165 : vector<1x16xf32> to vector<16xf32>
        %add3A_1167 = arith.addf %mul3A_1162, %get3A_1166 : vector<16xf32>
        %swap3A_1168 = arith.index_cast %scan3A_154 : i32 to index
        %swap3A_1169 = arith.constant 944 : index
        %swap3A_1170 = tpu.vector_load %arg13[%swap3A_1168, %swap3A_1169] {strides = array<i32>} : memref<16x1024xf32, #tpu.memory_space<vmem>>, vector<1x16xf32>,
        %swap3A_1171 = vector.shape_cast %swap3A_1170 : vector<1x16xf32> to vector<16xf32>
        %swap3A_1172 = vector.shape_cast %add3A_1167 : vector<16xf32> to vector<1x16xf32>
        tpu.vector_store %arg13[%swap3A_1168, %swap3A_1169], %swap3A_1172 {strides = array<i32>} : memref<16x1024xf32, #tpu.memory_space<vmem>>, vector<1x16xf32>,
        %get3A_1173 = arith.index_cast %scan3A_154 : i32 to index
        %get3A_1174 = arith.constant 960 : index
        %get3A_1175 = tpu.vector_load %arg9[%get3A_1173, %get3A_1174] {strides = array<i32>} : memref<16x1024xf32, #tpu.memory_space<vmem>>, vector<1x16xf32>,
        %get3A_1176 = vector.shape_cast %get3A_1175 : vector<1x16xf32> to vector<16xf32>
        %mul3A_1177 = arith.constant 3.200000e+01 : f32
        %mul3A_1178 = vector.broadcast %mul3A_1177 : f32 to vector<16xf32>
        %mul3A_1179 = arith.mulf %get3A_1176, %mul3A_1178 : vector<16xf32>
        %get3A_1180 = arith.index_cast %scan3A_154 : i32 to index
        %get3A_1181 = arith.constant 960 : index
        %get3A_1182 = tpu.vector_load %arg11[%get3A_1180, %get3A_1181] {strides = array<i32>} : memref<16x1024xf32, #tpu.memory_space<vmem>>, vector<1x16xf32>,
        %get3A_1183 = vector.shape_cast %get3A_1182 : vector<1x16xf32> to vector<16xf32>
        %add3A_1184 = arith.addf %mul3A_1179, %get3A_1183 : vector<16xf32>
        %swap3A_1185 = arith.index_cast %scan3A_154 : i32 to index
        %swap3A_1186 = arith.constant 960 : index
        %swap3A_1187 = tpu.vector_load %arg13[%swap3A_1185, %swap3A_1186] {strides = array<i32>} : memref<16x1024xf32, #tpu.memory_space<vmem>>, vector<1x16xf32>,
        %swap3A_1188 = vector.shape_cast %swap3A_1187 : vector<1x16xf32> to vector<16xf32>
        %swap3A_1189 = vector.shape_cast %add3A_1184 : vector<16xf32> to vector<1x16xf32>
        tpu.vector_store %arg13[%swap3A_1185, %swap3A_1186], %swap3A_1189 {strides = array<i32>} : memref<16x1024xf32, #tpu.memory_space<vmem>>, vector<1x16xf32>,
        %get3A_1190 = arith.index_cast %scan3A_154 : i32 to index
        %get3A_1191 = arith.constant 976 : index
        %get3A_1192 = tpu.vector_load %arg9[%get3A_1190, %get3A_1191] {strides = array<i32>} : memref<16x1024xf32, #tpu.memory_space<vmem>>, vector<1x16xf32>,
        %get3A_1193 = vector.shape_cast %get3A_1192 : vector<1x16xf32> to vector<16xf32>
        %mul3A_1194 = arith.constant 3.200000e+01 : f32
        %mul3A_1195 = vector.broadcast %mul3A_1194 : f32 to vector<16xf32>
        %mul3A_1196 = arith.mulf %get3A_1193, %mul3A_1195 : vector<16xf32>
        %get3A_1197 = arith.index_cast %scan3A_154 : i32 to index
        %get3A_1198 = arith.constant 976 : index
        %get3A_1199 = tpu.vector_load %arg11[%get3A_1197, %get3A_1198] {strides = array<i32>} : memref<16x1024xf32, #tpu.memory_space<vmem>>, vector<1x16xf32>,
        %get3A_1200 = vector.shape_cast %get3A_1199 : vector<1x16xf32> to vector<16xf32>
        %add3A_1201 = arith.addf %mul3A_1196, %get3A_1200 : vector<16xf32>
        %swap3A_1202 = arith.index_cast %scan3A_154 : i32 to index
        %swap3A_1203 = arith.constant 976 : index
        %swap3A_1204 = tpu.vector_load %arg13[%swap3A_1202, %swap3A_1203] {strides = array<i32>} : memref<16x1024xf32, #tpu.memory_space<vmem>>, vector<1x16xf32>,
        %swap3A_1205 = vector.shape_cast %swap3A_1204 : vector<1x16xf32> to vector<16xf32>
        %swap3A_1206 = vector.shape_cast %add3A_1201 : vector<16xf32> to vector<1x16xf32>
        tpu.vector_store %arg13[%swap3A_1202, %swap3A_1203], %swap3A_1206 {strides = array<i32>} : memref<16x1024xf32, #tpu.memory_space<vmem>>, vector<1x16xf32>,
        %get3A_1207 = arith.index_cast %scan3A_154 : i32 to index
        %get3A_1208 = arith.constant 992 : index
        %get3A_1209 = tpu.vector_load %arg9[%get3A_1207, %get3A_1208] {strides = array<i32>} : memref<16x1024xf32, #tpu.memory_space<vmem>>, vector<1x16xf32>,
        %get3A_1210 = vector.shape_cast %get3A_1209 : vector<1x16xf32> to vector<16xf32>
        %mul3A_1211 = arith.constant 3.200000e+01 : f32
        %mul3A_1212 = vector.broadcast %mul3A_1211 : f32 to vector<16xf32>
        %mul3A_1213 = arith.mulf %get3A_1210, %mul3A_1212 : vector<16xf32>
        %get3A_1214 = arith.index_cast %scan3A_154 : i32 to index
        %get3A_1215 = arith.constant 992 : index
        %get3A_1216 = tpu.vector_load %arg11[%get3A_1214, %get3A_1215] {strides = array<i32>} : memref<16x1024xf32, #tpu.memory_space<vmem>>, vector<1x16xf32>,
        %get3A_1217 = vector.shape_cast %get3A_1216 : vector<1x16xf32> to vector<16xf32>
        %add3A_1218 = arith.addf %mul3A_1213, %get3A_1217 : vector<16xf32>
        %swap3A_1219 = arith.index_cast %scan3A_154 : i32 to index
        %swap3A_1220 = arith.constant 992 : index
        %swap3A_1221 = tpu.vector_load %arg13[%swap3A_1219, %swap3A_1220] {strides = array<i32>} : memref<16x1024xf32, #tpu.memory_space<vmem>>, vector<1x16xf32>,
        %swap3A_1222 = vector.shape_cast %swap3A_1221 : vector<1x16xf32> to vector<16xf32>
        %swap3A_1223 = vector.shape_cast %add3A_1218 : vector<16xf32> to vector<1x16xf32>
        tpu.vector_store %arg13[%swap3A_1219, %swap3A_1220], %swap3A_1223 {strides = array<i32>} : memref<16x1024xf32, #tpu.memory_space<vmem>>, vector<1x16xf32>,
        %get3A_1224 = arith.index_cast %scan3A_154 : i32 to index
        %get3A_1225 = arith.constant 1008 : index
        %get3A_1226 = tpu.vector_load %arg9[%get3A_1224, %get3A_1225] {strides = array<i32>} : memref<16x1024xf32, #tpu.memory_space<vmem>>, vector<1x16xf32>,
        %get3A_1227 = vector.shape_cast %get3A_1226 : vector<1x16xf32> to vector<16xf32>
        %mul3A_1228 = arith.constant 3.200000e+01 : f32
        %mul3A_1229 = vector.broadcast %mul3A_1228 : f32 to vector<16xf32>
        %mul3A_1230 = arith.mulf %get3A_1227, %mul3A_1229 : vector<16xf32>
        %get3A_1231 = arith.index_cast %scan3A_154 : i32 to index
        %get3A_1232 = arith.constant 1008 : index
        %get3A_1233 = tpu.vector_load %arg11[%get3A_1231, %get3A_1232] {strides = array<i32>} : memref<16x1024xf32, #tpu.memory_space<vmem>>, vector<1x16xf32>,
        %get3A_1234 = vector.shape_cast %get3A_1233 : vector<1x16xf32> to vector<16xf32>
        %add3A_1235 = arith.addf %mul3A_1230, %get3A_1234 : vector<16xf32>
        %swap3A_1236 = arith.index_cast %scan3A_154 : i32 to index
        %swap3A_1237 = arith.constant 1008 : index
        %swap3A_1238 = tpu.vector_load %arg13[%swap3A_1236, %swap3A_1237] {strides = array<i32>} : memref<16x1024xf32, #tpu.memory_space<vmem>>, vector<1x16xf32>,
        %swap3A_1239 = vector.shape_cast %swap3A_1238 : vector<1x16xf32> to vector<16xf32>
        %swap3A_1240 = vector.shape_cast %add3A_1235 : vector<16xf32> to vector<1x16xf32>
        tpu.vector_store %arg13[%swap3A_1236, %swap3A_1237], %swap3A_1240 {strides = array<i32>} : memref<16x1024xf32, #tpu.memory_space<vmem>>, vector<1x16xf32>,
      }
      %scan3A_104 = arith.constant 16 : i32
      %mul3A_105 = arith.constant 16 : i32
      %mul3A_106 = arith.muli %add3A_86, %mul3A_105 : i32
      %add3A_107 = arith.addi %mul3A_2, %mul3A_106 : i32
      %dma_start3A_108 = arith.constant 0 : i32
      %dma_start3A_109 = tpu.memref_slice %arg6[%add3A_107, %dma_start3A_108] : memref<8192x1024xf32, #tpu.memory_space<hbm>> -> memref<16x1024xf32, #tpu.memory_space<hbm>>
      %dma_start3A_110 = arith.constant 0 : i32
      %dma_start3A_111 = tpu.memref_slice %arg6[%add3A_107, %dma_start3A_110] : memref<8192x1024xf32, #tpu.memory_space<hbm>> -> memref<16x1024xf32, #tpu.memory_space<hbm>>
      tpu.enqueue_dma source(%arg13 : memref<16x1024xf32, #tpu.memory_space<vmem>>) target(%dma_start3A_111 : memref<16x1024xf32, #tpu.memory_space<hbm>>) target_semaphore(%arg17 : memref<!tpu.dma_semaphore, #tpu.memory_space<semaphore_mem>>)
      %lt3A_112 = arith.constant 7 : i32
      %lt3A_113 = arith.cmpi slt, %scan3A_82, %lt3A_112 : i32
      %convert_element_type3A_114 = arith.extui %lt3A_113 : i1 to i32
      %cond3A_115 = arith.constant 0 : i32
      %cond3A_116 = arith.cmpi ne, %convert_element_type3A_114, %cond3A_115 : i32
      scf.if %cond3A_116 {
        %add3A_154 = arith.constant 2 : i32
        %add3A_155 = arith.addi %add3A_86, %add3A_154 : i32
        %mul3A_156 = arith.constant 16 : i32
        %mul3A_157 = arith.muli %add3A_155, %mul3A_156 : i32
        %dma_start3A_158 = tpu.memref_slice %arg7[%mul3A_157] : memref<256xi32, #tpu.memory_space<vmem>> -> memref<16xi32, #tpu.memory_space<vmem>>
        %dma_start3A_159 = arith.constant 0 : i32
        %dma_start3A_160 = arith.constant 0 : i32
        %dma_start3A_161 = tpu.memref_slice %arg4[%dma_start3A_159, %dma_start3A_160] : memref<250880x1024xf32, #tpu.memory_space<hbm>> -> memref<250880x1024xf32, #tpu.memory_space<hbm>>
        tpu.enqueue_indirect_dma source(%dma_start3A_161 : memref<250880x1024xf32, #tpu.memory_space<hbm>>) target(%arg9 : memref<16x1024xf32, #tpu.memory_space<vmem>>) offsets(%dma_start3A_158 : memref<16xi32, #tpu.memory_space<vmem>>) semaphore(%arg15 : memref<!tpu.dma_semaphore, #tpu.memory_space<semaphore_mem>>)
        %dma_start3A_162 = tpu.memref_slice %arg8[%mul3A_157] : memref<256xi32, #tpu.memory_space<vmem>> -> memref<16xi32, #tpu.memory_space<vmem>>
        %dma_start3A_163 = arith.constant 0 : i32
        %dma_start3A_164 = arith.constant 0 : i32
        %dma_start3A_165 = tpu.memref_slice %arg5[%dma_start3A_163, %dma_start3A_164] : memref<2050x1024xf32, #tpu.memory_space<hbm>> -> memref<2050x1024xf32, #tpu.memory_space<hbm>>
        tpu.enqueue_indirect_dma source(%dma_start3A_165 : memref<2050x1024xf32, #tpu.memory_space<hbm>>) target(%arg11 : memref<16x1024xf32, #tpu.memory_space<vmem>>) offsets(%dma_start3A_162 : memref<16xi32, #tpu.memory_space<vmem>>) semaphore(%arg15 : memref<!tpu.dma_semaphore, #tpu.memory_space<semaphore_mem>>)
      } else {
      }
      %mul3A_117 = arith.constant 2 : i32
      %mul3A_118 = arith.muli %scan3A_82, %mul3A_117 : i32
      %add3A_119 = arith.constant 1 : i32
      %add3A_120 = arith.addi %mul3A_118, %add3A_119 : i32
      %gt3A_121 = arith.constant 0 : i32
      %gt3A_122 = arith.cmpi sgt, %scan3A_82, %gt3A_121 : i32
      %convert_element_type3A_123 = arith.extui %gt3A_122 : i1 to i32
      %cond3A_124 = arith.constant 0 : i32
      %cond3A_125 = arith.cmpi ne, %convert_element_type3A_123, %cond3A_124 : i32
      scf.if %cond3A_125 {
        %dma_wait3A_154 = arith.constant 0 : i32
        %dma_wait3A_155 = tpu.memref_slice %arg6[%mul3A_2, %dma_wait3A_154] : memref<8192x1024xf32, #tpu.memory_space<hbm>> -> memref<16x1024xf32, #tpu.memory_space<hbm>>
        %dma_wait3A_156 = arith.constant 0 : i32
        %dma_wait3A_157 = tpu.memref_slice %arg6[%mul3A_2, %dma_wait3A_156] : memref<8192x1024xf32, #tpu.memory_space<hbm>> -> memref<16x1024xf32, #tpu.memory_space<hbm>>
        tpu.wait_dma2 semaphore(%arg18 : memref<!tpu.dma_semaphore, #tpu.memory_space<semaphore_mem>>) src(%arg14 : memref<16x1024xf32, #tpu.memory_space<vmem>>) dst(%dma_wait3A_157 : memref<16x1024xf32, #tpu.memory_space<hbm>>)
      } else {
      }
      %mul3A_126 = arith.constant 16 : i32
      %mul3A_127 = arith.muli %add3A_120, %mul3A_126 : i32
      %dma_wait3A_128 = tpu.memref_slice %arg7[%mul3A_127] : memref<256xi32, #tpu.memory_space<vmem>> -> memref<16xi32, #tpu.memory_space<vmem>>
      %dma_wait3A_129 = arith.constant 0 : i32
      %dma_wait3A_130 = arith.constant 0 : i32
      %dma_wait3A_131 = tpu.memref_slice %arg4[%dma_wait3A_129, %dma_wait3A_130] : memref<250880x1024xf32, #tpu.memory_space<hbm>> -> memref<250880x1024xf32, #tpu.memory_space<hbm>>
      tpu.wait_indirect_dma semaphore(%arg16 : memref<!tpu.dma_semaphore, #tpu.memory_space<semaphore_mem>>) src(%dma_wait3A_131 : memref<250880x1024xf32, #tpu.memory_space<hbm>>) dst(%arg10 : memref<16x1024xf32, #tpu.memory_space<vmem>>)
      %dma_wait3A_132 = tpu.memref_slice %arg8[%mul3A_127] : memref<256xi32, #tpu.memory_space<vmem>> -> memref<16xi32, #tpu.memory_space<vmem>>
      %dma_wait3A_133 = arith.constant 0 : i32
      %dma_wait3A_134 = arith.constant 0 : i32
      %dma_wait3A_135 = tpu.memref_slice %arg5[%dma_wait3A_133, %dma_wait3A_134] : memref<2050x1024xf32, #tpu.memory_space<hbm>> -> memref<2050x1024xf32, #tpu.memory_space<hbm>>
      tpu.wait_indirect_dma semaphore(%arg16 : memref<!tpu.dma_semaphore, #tpu.memory_space<semaphore_mem>>) src(%dma_wait3A_135 : memref<2050x1024xf32, #tpu.memory_space<hbm>>) dst(%arg12 : memref<16x1024xf32, #tpu.memory_space<vmem>>)
      %scan3A_136 = arith.constant 0 : i32
      %scan3A_137 = arith.constant 0 : i32
      %scan3A_138 = arith.constant 16 : i32
      %scan3A_139 = arith.addi %scan3A_137, %scan3A_138 : i32
      %scan3A_140 = arith.constant 1 : i32
      scf.for %scan3A_154 = %scan3A_137 to %scan3A_139 step %scan3A_140  : i32 {
        %get3A = arith.index_cast %scan3A_154 : i32 to index
        %get3A_155 = arith.constant 0 : index
        %get3A_156 = tpu.vector_load %arg10[%get3A, %get3A_155] {strides = array<i32>} : memref<16x1024xf32, #tpu.memory_space<vmem>>, vector<1x16xf32>,
        %get3A_157 = vector.shape_cast %get3A_156 : vector<1x16xf32> to vector<16xf32>
        %mul3A_158 = arith.constant 3.200000e+01 : f32
        %mul3A_159 = vector.broadcast %mul3A_158 : f32 to vector<16xf32>
        %mul3A_160 = arith.mulf %get3A_157, %mul3A_159 : vector<16xf32>
        %get3A_161 = arith.index_cast %scan3A_154 : i32 to index
        %get3A_162 = arith.constant 0 : index
        %get3A_163 = tpu.vector_load %arg12[%get3A_161, %get3A_162] {strides = array<i32>} : memref<16x1024xf32, #tpu.memory_space<vmem>>, vector<1x16xf32>,
        %get3A_164 = vector.shape_cast %get3A_163 : vector<1x16xf32> to vector<16xf32>
        %add3A_165 = arith.addf %mul3A_160, %get3A_164 : vector<16xf32>
        %swap3A = arith.index_cast %scan3A_154 : i32 to index
        %swap3A_166 = arith.constant 0 : index
        %swap3A_167 = tpu.vector_load %arg14[%swap3A, %swap3A_166] {strides = array<i32>} : memref<16x1024xf32, #tpu.memory_space<vmem>>, vector<1x16xf32>,
        %swap3A_168 = vector.shape_cast %swap3A_167 : vector<1x16xf32> to vector<16xf32>
        %swap3A_169 = vector.shape_cast %add3A_165 : vector<16xf32> to vector<1x16xf32>
        tpu.vector_store %arg14[%swap3A, %swap3A_166], %swap3A_169 {strides = array<i32>} : memref<16x1024xf32, #tpu.memory_space<vmem>>, vector<1x16xf32>,
        %get3A_170 = arith.index_cast %scan3A_154 : i32 to index
        %get3A_171 = arith.constant 16 : index
        %get3A_172 = tpu.vector_load %arg10[%get3A_170, %get3A_171] {strides = array<i32>} : memref<16x1024xf32, #tpu.memory_space<vmem>>, vector<1x16xf32>,
        %get3A_173 = vector.shape_cast %get3A_172 : vector<1x16xf32> to vector<16xf32>
        %mul3A_174 = arith.constant 3.200000e+01 : f32
        %mul3A_175 = vector.broadcast %mul3A_174 : f32 to vector<16xf32>
        %mul3A_176 = arith.mulf %get3A_173, %mul3A_175 : vector<16xf32>
        %get3A_177 = arith.index_cast %scan3A_154 : i32 to index
        %get3A_178 = arith.constant 16 : index
        %get3A_179 = tpu.vector_load %arg12[%get3A_177, %get3A_178] {strides = array<i32>} : memref<16x1024xf32, #tpu.memory_space<vmem>>, vector<1x16xf32>,
        %get3A_180 = vector.shape_cast %get3A_179 : vector<1x16xf32> to vector<16xf32>
        %add3A_181 = arith.addf %mul3A_176, %get3A_180 : vector<16xf32>
        %swap3A_182 = arith.index_cast %scan3A_154 : i32 to index
        %swap3A_183 = arith.constant 16 : index
        %swap3A_184 = tpu.vector_load %arg14[%swap3A_182, %swap3A_183] {strides = array<i32>} : memref<16x1024xf32, #tpu.memory_space<vmem>>, vector<1x16xf32>,
        %swap3A_185 = vector.shape_cast %swap3A_184 : vector<1x16xf32> to vector<16xf32>
        %swap3A_186 = vector.shape_cast %add3A_181 : vector<16xf32> to vector<1x16xf32>
        tpu.vector_store %arg14[%swap3A_182, %swap3A_183], %swap3A_186 {strides = array<i32>} : memref<16x1024xf32, #tpu.memory_space<vmem>>, vector<1x16xf32>,
        %get3A_187 = arith.index_cast %scan3A_154 : i32 to index
        %get3A_188 = arith.constant 32 : index
        %get3A_189 = tpu.vector_load %arg10[%get3A_187, %get3A_188] {strides = array<i32>} : memref<16x1024xf32, #tpu.memory_space<vmem>>, vector<1x16xf32>,
        %get3A_190 = vector.shape_cast %get3A_189 : vector<1x16xf32> to vector<16xf32>
        %mul3A_191 = arith.constant 3.200000e+01 : f32
        %mul3A_192 = vector.broadcast %mul3A_191 : f32 to vector<16xf32>
        %mul3A_193 = arith.mulf %get3A_190, %mul3A_192 : vector<16xf32>
        %get3A_194 = arith.index_cast %scan3A_154 : i32 to index
        %get3A_195 = arith.constant 32 : index
        %get3A_196 = tpu.vector_load %arg12[%get3A_194, %get3A_195] {strides = array<i32>} : memref<16x1024xf32, #tpu.memory_space<vmem>>, vector<1x16xf32>,
        %get3A_197 = vector.shape_cast %get3A_196 : vector<1x16xf32> to vector<16xf32>
        %add3A_198 = arith.addf %mul3A_193, %get3A_197 : vector<16xf32>
        %swap3A_199 = arith.index_cast %scan3A_154 : i32 to index
        %swap3A_200 = arith.constant 32 : index
        %swap3A_201 = tpu.vector_load %arg14[%swap3A_199, %swap3A_200] {strides = array<i32>} : memref<16x1024xf32, #tpu.memory_space<vmem>>, vector<1x16xf32>,
        %swap3A_202 = vector.shape_cast %swap3A_201 : vector<1x16xf32> to vector<16xf32>
        %swap3A_203 = vector.shape_cast %add3A_198 : vector<16xf32> to vector<1x16xf32>
        tpu.vector_store %arg14[%swap3A_199, %swap3A_200], %swap3A_203 {strides = array<i32>} : memref<16x1024xf32, #tpu.memory_space<vmem>>, vector<1x16xf32>,
        %get3A_204 = arith.index_cast %scan3A_154 : i32 to index
        %get3A_205 = arith.constant 48 : index
        %get3A_206 = tpu.vector_load %arg10[%get3A_204, %get3A_205] {strides = array<i32>} : memref<16x1024xf32, #tpu.memory_space<vmem>>, vector<1x16xf32>,
        %get3A_207 = vector.shape_cast %get3A_206 : vector<1x16xf32> to vector<16xf32>
        %mul3A_208 = arith.constant 3.200000e+01 : f32
        %mul3A_209 = vector.broadcast %mul3A_208 : f32 to vector<16xf32>
        %mul3A_210 = arith.mulf %get3A_207, %mul3A_209 : vector<16xf32>
        %get3A_211 = arith.index_cast %scan3A_154 : i32 to index
        %get3A_212 = arith.constant 48 : index
        %get3A_213 = tpu.vector_load %arg12[%get3A_211, %get3A_212] {strides = array<i32>} : memref<16x1024xf32, #tpu.memory_space<vmem>>, vector<1x16xf32>,
        %get3A_214 = vector.shape_cast %get3A_213 : vector<1x16xf32> to vector<16xf32>
        %add3A_215 = arith.addf %mul3A_210, %get3A_214 : vector<16xf32>
        %swap3A_216 = arith.index_cast %scan3A_154 : i32 to index
        %swap3A_217 = arith.constant 48 : index
        %swap3A_218 = tpu.vector_load %arg14[%swap3A_216, %swap3A_217] {strides = array<i32>} : memref<16x1024xf32, #tpu.memory_space<vmem>>, vector<1x16xf32>,
        %swap3A_219 = vector.shape_cast %swap3A_218 : vector<1x16xf32> to vector<16xf32>
        %swap3A_220 = vector.shape_cast %add3A_215 : vector<16xf32> to vector<1x16xf32>
        tpu.vector_store %arg14[%swap3A_216, %swap3A_217], %swap3A_220 {strides = array<i32>} : memref<16x1024xf32, #tpu.memory_space<vmem>>, vector<1x16xf32>,
        %get3A_221 = arith.index_cast %scan3A_154 : i32 to index
        %get3A_222 = arith.constant 64 : index
        %get3A_223 = tpu.vector_load %arg10[%get3A_221, %get3A_222] {strides = array<i32>} : memref<16x1024xf32, #tpu.memory_space<vmem>>, vector<1x16xf32>,
        %get3A_224 = vector.shape_cast %get3A_223 : vector<1x16xf32> to vector<16xf32>
        %mul3A_225 = arith.constant 3.200000e+01 : f32
        %mul3A_226 = vector.broadcast %mul3A_225 : f32 to vector<16xf32>
        %mul3A_227 = arith.mulf %get3A_224, %mul3A_226 : vector<16xf32>
        %get3A_228 = arith.index_cast %scan3A_154 : i32 to index
        %get3A_229 = arith.constant 64 : index
        %get3A_230 = tpu.vector_load %arg12[%get3A_228, %get3A_229] {strides = array<i32>} : memref<16x1024xf32, #tpu.memory_space<vmem>>, vector<1x16xf32>,
        %get3A_231 = vector.shape_cast %get3A_230 : vector<1x16xf32> to vector<16xf32>
        %add3A_232 = arith.addf %mul3A_227, %get3A_231 : vector<16xf32>
        %swap3A_233 = arith.index_cast %scan3A_154 : i32 to index
        %swap3A_234 = arith.constant 64 : index
        %swap3A_235 = tpu.vector_load %arg14[%swap3A_233, %swap3A_234] {strides = array<i32>} : memref<16x1024xf32, #tpu.memory_space<vmem>>, vector<1x16xf32>,
        %swap3A_236 = vector.shape_cast %swap3A_235 : vector<1x16xf32> to vector<16xf32>
        %swap3A_237 = vector.shape_cast %add3A_232 : vector<16xf32> to vector<1x16xf32>
        tpu.vector_store %arg14[%swap3A_233, %swap3A_234], %swap3A_237 {strides = array<i32>} : memref<16x1024xf32, #tpu.memory_space<vmem>>, vector<1x16xf32>,
        %get3A_238 = arith.index_cast %scan3A_154 : i32 to index
        %get3A_239 = arith.constant 80 : index
        %get3A_240 = tpu.vector_load %arg10[%get3A_238, %get3A_239] {strides = array<i32>} : memref<16x1024xf32, #tpu.memory_space<vmem>>, vector<1x16xf32>,
        %get3A_241 = vector.shape_cast %get3A_240 : vector<1x16xf32> to vector<16xf32>
        %mul3A_242 = arith.constant 3.200000e+01 : f32
        %mul3A_243 = vector.broadcast %mul3A_242 : f32 to vector<16xf32>
        %mul3A_244 = arith.mulf %get3A_241, %mul3A_243 : vector<16xf32>
        %get3A_245 = arith.index_cast %scan3A_154 : i32 to index
        %get3A_246 = arith.constant 80 : index
        %get3A_247 = tpu.vector_load %arg12[%get3A_245, %get3A_246] {strides = array<i32>} : memref<16x1024xf32, #tpu.memory_space<vmem>>, vector<1x16xf32>,
        %get3A_248 = vector.shape_cast %get3A_247 : vector<1x16xf32> to vector<16xf32>
        %add3A_249 = arith.addf %mul3A_244, %get3A_248 : vector<16xf32>
        %swap3A_250 = arith.index_cast %scan3A_154 : i32 to index
        %swap3A_251 = arith.constant 80 : index
        %swap3A_252 = tpu.vector_load %arg14[%swap3A_250, %swap3A_251] {strides = array<i32>} : memref<16x1024xf32, #tpu.memory_space<vmem>>, vector<1x16xf32>,
        %swap3A_253 = vector.shape_cast %swap3A_252 : vector<1x16xf32> to vector<16xf32>
        %swap3A_254 = vector.shape_cast %add3A_249 : vector<16xf32> to vector<1x16xf32>
        tpu.vector_store %arg14[%swap3A_250, %swap3A_251], %swap3A_254 {strides = array<i32>} : memref<16x1024xf32, #tpu.memory_space<vmem>>, vector<1x16xf32>,
        %get3A_255 = arith.index_cast %scan3A_154 : i32 to index
        %get3A_256 = arith.constant 96 : index
        %get3A_257 = tpu.vector_load %arg10[%get3A_255, %get3A_256] {strides = array<i32>} : memref<16x1024xf32, #tpu.memory_space<vmem>>, vector<1x16xf32>,
        %get3A_258 = vector.shape_cast %get3A_257 : vector<1x16xf32> to vector<16xf32>
        %mul3A_259 = arith.constant 3.200000e+01 : f32
        %mul3A_260 = vector.broadcast %mul3A_259 : f32 to vector<16xf32>
        %mul3A_261 = arith.mulf %get3A_258, %mul3A_260 : vector<16xf32>
        %get3A_262 = arith.index_cast %scan3A_154 : i32 to index
        %get3A_263 = arith.constant 96 : index
        %get3A_264 = tpu.vector_load %arg12[%get3A_262, %get3A_263] {strides = array<i32>} : memref<16x1024xf32, #tpu.memory_space<vmem>>, vector<1x16xf32>,
        %get3A_265 = vector.shape_cast %get3A_264 : vector<1x16xf32> to vector<16xf32>
        %add3A_266 = arith.addf %mul3A_261, %get3A_265 : vector<16xf32>
        %swap3A_267 = arith.index_cast %scan3A_154 : i32 to index
        %swap3A_268 = arith.constant 96 : index
        %swap3A_269 = tpu.vector_load %arg14[%swap3A_267, %swap3A_268] {strides = array<i32>} : memref<16x1024xf32, #tpu.memory_space<vmem>>, vector<1x16xf32>,
        %swap3A_270 = vector.shape_cast %swap3A_269 : vector<1x16xf32> to vector<16xf32>
        %swap3A_271 = vector.shape_cast %add3A_266 : vector<16xf32> to vector<1x16xf32>
        tpu.vector_store %arg14[%swap3A_267, %swap3A_268], %swap3A_271 {strides = array<i32>} : memref<16x1024xf32, #tpu.memory_space<vmem>>, vector<1x16xf32>,
        %get3A_272 = arith.index_cast %scan3A_154 : i32 to index
        %get3A_273 = arith.constant 112 : index
        %get3A_274 = tpu.vector_load %arg10[%get3A_272, %get3A_273] {strides = array<i32>} : memref<16x1024xf32, #tpu.memory_space<vmem>>, vector<1x16xf32>,
        %get3A_275 = vector.shape_cast %get3A_274 : vector<1x16xf32> to vector<16xf32>
        %mul3A_276 = arith.constant 3.200000e+01 : f32
        %mul3A_277 = vector.broadcast %mul3A_276 : f32 to vector<16xf32>
        %mul3A_278 = arith.mulf %get3A_275, %mul3A_277 : vector<16xf32>
        %get3A_279 = arith.index_cast %scan3A_154 : i32 to index
        %get3A_280 = arith.constant 112 : index
        %get3A_281 = tpu.vector_load %arg12[%get3A_279, %get3A_280] {strides = array<i32>} : memref<16x1024xf32, #tpu.memory_space<vmem>>, vector<1x16xf32>,
        %get3A_282 = vector.shape_cast %get3A_281 : vector<1x16xf32> to vector<16xf32>
        %add3A_283 = arith.addf %mul3A_278, %get3A_282 : vector<16xf32>
        %swap3A_284 = arith.index_cast %scan3A_154 : i32 to index
        %swap3A_285 = arith.constant 112 : index
        %swap3A_286 = tpu.vector_load %arg14[%swap3A_284, %swap3A_285] {strides = array<i32>} : memref<16x1024xf32, #tpu.memory_space<vmem>>, vector<1x16xf32>,
        %swap3A_287 = vector.shape_cast %swap3A_286 : vector<1x16xf32> to vector<16xf32>
        %swap3A_288 = vector.shape_cast %add3A_283 : vector<16xf32> to vector<1x16xf32>
        tpu.vector_store %arg14[%swap3A_284, %swap3A_285], %swap3A_288 {strides = array<i32>} : memref<16x1024xf32, #tpu.memory_space<vmem>>, vector<1x16xf32>,
        %get3A_289 = arith.index_cast %scan3A_154 : i32 to index
        %get3A_290 = arith.constant 128 : index
        %get3A_291 = tpu.vector_load %arg10[%get3A_289, %get3A_290] {strides = array<i32>} : memref<16x1024xf32, #tpu.memory_space<vmem>>, vector<1x16xf32>,
        %get3A_292 = vector.shape_cast %get3A_291 : vector<1x16xf32> to vector<16xf32>
        %mul3A_293 = arith.constant 3.200000e+01 : f32
        %mul3A_294 = vector.broadcast %mul3A_293 : f32 to vector<16xf32>
        %mul3A_295 = arith.mulf %get3A_292, %mul3A_294 : vector<16xf32>
        %get3A_296 = arith.index_cast %scan3A_154 : i32 to index
        %get3A_297 = arith.constant 128 : index
        %get3A_298 = tpu.vector_load %arg12[%get3A_296, %get3A_297] {strides = array<i32>} : memref<16x1024xf32, #tpu.memory_space<vmem>>, vector<1x16xf32>,
        %get3A_299 = vector.shape_cast %get3A_298 : vector<1x16xf32> to vector<16xf32>
        %add3A_300 = arith.addf %mul3A_295, %get3A_299 : vector<16xf32>
        %swap3A_301 = arith.index_cast %scan3A_154 : i32 to index
        %swap3A_302 = arith.constant 128 : index
        %swap3A_303 = tpu.vector_load %arg14[%swap3A_301, %swap3A_302] {strides = array<i32>} : memref<16x1024xf32, #tpu.memory_space<vmem>>, vector<1x16xf32>,
        %swap3A_304 = vector.shape_cast %swap3A_303 : vector<1x16xf32> to vector<16xf32>
        %swap3A_305 = vector.shape_cast %add3A_300 : vector<16xf32> to vector<1x16xf32>
        tpu.vector_store %arg14[%swap3A_301, %swap3A_302], %swap3A_305 {strides = array<i32>} : memref<16x1024xf32, #tpu.memory_space<vmem>>, vector<1x16xf32>,
        %get3A_306 = arith.index_cast %scan3A_154 : i32 to index
        %get3A_307 = arith.constant 144 : index
        %get3A_308 = tpu.vector_load %arg10[%get3A_306, %get3A_307] {strides = array<i32>} : memref<16x1024xf32, #tpu.memory_space<vmem>>, vector<1x16xf32>,
        %get3A_309 = vector.shape_cast %get3A_308 : vector<1x16xf32> to vector<16xf32>
        %mul3A_310 = arith.constant 3.200000e+01 : f32
        %mul3A_311 = vector.broadcast %mul3A_310 : f32 to vector<16xf32>
        %mul3A_312 = arith.mulf %get3A_309, %mul3A_311 : vector<16xf32>
        %get3A_313 = arith.index_cast %scan3A_154 : i32 to index
        %get3A_314 = arith.constant 144 : index
        %get3A_315 = tpu.vector_load %arg12[%get3A_313, %get3A_314] {strides = array<i32>} : memref<16x1024xf32, #tpu.memory_space<vmem>>, vector<1x16xf32>,
        %get3A_316 = vector.shape_cast %get3A_315 : vector<1x16xf32> to vector<16xf32>
        %add3A_317 = arith.addf %mul3A_312, %get3A_316 : vector<16xf32>
        %swap3A_318 = arith.index_cast %scan3A_154 : i32 to index
        %swap3A_319 = arith.constant 144 : index
        %swap3A_320 = tpu.vector_load %arg14[%swap3A_318, %swap3A_319] {strides = array<i32>} : memref<16x1024xf32, #tpu.memory_space<vmem>>, vector<1x16xf32>,
        %swap3A_321 = vector.shape_cast %swap3A_320 : vector<1x16xf32> to vector<16xf32>
        %swap3A_322 = vector.shape_cast %add3A_317 : vector<16xf32> to vector<1x16xf32>
        tpu.vector_store %arg14[%swap3A_318, %swap3A_319], %swap3A_322 {strides = array<i32>} : memref<16x1024xf32, #tpu.memory_space<vmem>>, vector<1x16xf32>,
        %get3A_323 = arith.index_cast %scan3A_154 : i32 to index
        %get3A_324 = arith.constant 160 : index
        %get3A_325 = tpu.vector_load %arg10[%get3A_323, %get3A_324] {strides = array<i32>} : memref<16x1024xf32, #tpu.memory_space<vmem>>, vector<1x16xf32>,
        %get3A_326 = vector.shape_cast %get3A_325 : vector<1x16xf32> to vector<16xf32>
        %mul3A_327 = arith.constant 3.200000e+01 : f32
        %mul3A_328 = vector.broadcast %mul3A_327 : f32 to vector<16xf32>
        %mul3A_329 = arith.mulf %get3A_326, %mul3A_328 : vector<16xf32>
        %get3A_330 = arith.index_cast %scan3A_154 : i32 to index
        %get3A_331 = arith.constant 160 : index
        %get3A_332 = tpu.vector_load %arg12[%get3A_330, %get3A_331] {strides = array<i32>} : memref<16x1024xf32, #tpu.memory_space<vmem>>, vector<1x16xf32>,
        %get3A_333 = vector.shape_cast %get3A_332 : vector<1x16xf32> to vector<16xf32>
        %add3A_334 = arith.addf %mul3A_329, %get3A_333 : vector<16xf32>
        %swap3A_335 = arith.index_cast %scan3A_154 : i32 to index
        %swap3A_336 = arith.constant 160 : index
        %swap3A_337 = tpu.vector_load %arg14[%swap3A_335, %swap3A_336] {strides = array<i32>} : memref<16x1024xf32, #tpu.memory_space<vmem>>, vector<1x16xf32>,
        %swap3A_338 = vector.shape_cast %swap3A_337 : vector<1x16xf32> to vector<16xf32>
        %swap3A_339 = vector.shape_cast %add3A_334 : vector<16xf32> to vector<1x16xf32>
        tpu.vector_store %arg14[%swap3A_335, %swap3A_336], %swap3A_339 {strides = array<i32>} : memref<16x1024xf32, #tpu.memory_space<vmem>>, vector<1x16xf32>,
        %get3A_340 = arith.index_cast %scan3A_154 : i32 to index
        %get3A_341 = arith.constant 176 : index
        %get3A_342 = tpu.vector_load %arg10[%get3A_340, %get3A_341] {strides = array<i32>} : memref<16x1024xf32, #tpu.memory_space<vmem>>, vector<1x16xf32>,
        %get3A_343 = vector.shape_cast %get3A_342 : vector<1x16xf32> to vector<16xf32>
        %mul3A_344 = arith.constant 3.200000e+01 : f32
        %mul3A_345 = vector.broadcast %mul3A_344 : f32 to vector<16xf32>
        %mul3A_346 = arith.mulf %get3A_343, %mul3A_345 : vector<16xf32>
        %get3A_347 = arith.index_cast %scan3A_154 : i32 to index
        %get3A_348 = arith.constant 176 : index
        %get3A_349 = tpu.vector_load %arg12[%get3A_347, %get3A_348] {strides = array<i32>} : memref<16x1024xf32, #tpu.memory_space<vmem>>, vector<1x16xf32>,
        %get3A_350 = vector.shape_cast %get3A_349 : vector<1x16xf32> to vector<16xf32>
        %add3A_351 = arith.addf %mul3A_346, %get3A_350 : vector<16xf32>
        %swap3A_352 = arith.index_cast %scan3A_154 : i32 to index
        %swap3A_353 = arith.constant 176 : index
        %swap3A_354 = tpu.vector_load %arg14[%swap3A_352, %swap3A_353] {strides = array<i32>} : memref<16x1024xf32, #tpu.memory_space<vmem>>, vector<1x16xf32>,
        %swap3A_355 = vector.shape_cast %swap3A_354 : vector<1x16xf32> to vector<16xf32>
        %swap3A_356 = vector.shape_cast %add3A_351 : vector<16xf32> to vector<1x16xf32>
        tpu.vector_store %arg14[%swap3A_352, %swap3A_353], %swap3A_356 {strides = array<i32>} : memref<16x1024xf32, #tpu.memory_space<vmem>>, vector<1x16xf32>,
        %get3A_357 = arith.index_cast %scan3A_154 : i32 to index
        %get3A_358 = arith.constant 192 : index
        %get3A_359 = tpu.vector_load %arg10[%get3A_357, %get3A_358] {strides = array<i32>} : memref<16x1024xf32, #tpu.memory_space<vmem>>, vector<1x16xf32>,
        %get3A_360 = vector.shape_cast %get3A_359 : vector<1x16xf32> to vector<16xf32>
        %mul3A_361 = arith.constant 3.200000e+01 : f32
        %mul3A_362 = vector.broadcast %mul3A_361 : f32 to vector<16xf32>
        %mul3A_363 = arith.mulf %get3A_360, %mul3A_362 : vector<16xf32>
        %get3A_364 = arith.index_cast %scan3A_154 : i32 to index
        %get3A_365 = arith.constant 192 : index
        %get3A_366 = tpu.vector_load %arg12[%get3A_364, %get3A_365] {strides = array<i32>} : memref<16x1024xf32, #tpu.memory_space<vmem>>, vector<1x16xf32>,
        %get3A_367 = vector.shape_cast %get3A_366 : vector<1x16xf32> to vector<16xf32>
        %add3A_368 = arith.addf %mul3A_363, %get3A_367 : vector<16xf32>
        %swap3A_369 = arith.index_cast %scan3A_154 : i32 to index
        %swap3A_370 = arith.constant 192 : index
        %swap3A_371 = tpu.vector_load %arg14[%swap3A_369, %swap3A_370] {strides = array<i32>} : memref<16x1024xf32, #tpu.memory_space<vmem>>, vector<1x16xf32>,
        %swap3A_372 = vector.shape_cast %swap3A_371 : vector<1x16xf32> to vector<16xf32>
        %swap3A_373 = vector.shape_cast %add3A_368 : vector<16xf32> to vector<1x16xf32>
        tpu.vector_store %arg14[%swap3A_369, %swap3A_370], %swap3A_373 {strides = array<i32>} : memref<16x1024xf32, #tpu.memory_space<vmem>>, vector<1x16xf32>,
        %get3A_374 = arith.index_cast %scan3A_154 : i32 to index
        %get3A_375 = arith.constant 208 : index
        %get3A_376 = tpu.vector_load %arg10[%get3A_374, %get3A_375] {strides = array<i32>} : memref<16x1024xf32, #tpu.memory_space<vmem>>, vector<1x16xf32>,
        %get3A_377 = vector.shape_cast %get3A_376 : vector<1x16xf32> to vector<16xf32>
        %mul3A_378 = arith.constant 3.200000e+01 : f32
        %mul3A_379 = vector.broadcast %mul3A_378 : f32 to vector<16xf32>
        %mul3A_380 = arith.mulf %get3A_377, %mul3A_379 : vector<16xf32>
        %get3A_381 = arith.index_cast %scan3A_154 : i32 to index
        %get3A_382 = arith.constant 208 : index
        %get3A_383 = tpu.vector_load %arg12[%get3A_381, %get3A_382] {strides = array<i32>} : memref<16x1024xf32, #tpu.memory_space<vmem>>, vector<1x16xf32>,
        %get3A_384 = vector.shape_cast %get3A_383 : vector<1x16xf32> to vector<16xf32>
        %add3A_385 = arith.addf %mul3A_380, %get3A_384 : vector<16xf32>
        %swap3A_386 = arith.index_cast %scan3A_154 : i32 to index
        %swap3A_387 = arith.constant 208 : index
        %swap3A_388 = tpu.vector_load %arg14[%swap3A_386, %swap3A_387] {strides = array<i32>} : memref<16x1024xf32, #tpu.memory_space<vmem>>, vector<1x16xf32>,
        %swap3A_389 = vector.shape_cast %swap3A_388 : vector<1x16xf32> to vector<16xf32>
        %swap3A_390 = vector.shape_cast %add3A_385 : vector<16xf32> to vector<1x16xf32>
        tpu.vector_store %arg14[%swap3A_386, %swap3A_387], %swap3A_390 {strides = array<i32>} : memref<16x1024xf32, #tpu.memory_space<vmem>>, vector<1x16xf32>,
        %get3A_391 = arith.index_cast %scan3A_154 : i32 to index
        %get3A_392 = arith.constant 224 : index
        %get3A_393 = tpu.vector_load %arg10[%get3A_391, %get3A_392] {strides = array<i32>} : memref<16x1024xf32, #tpu.memory_space<vmem>>, vector<1x16xf32>,
        %get3A_394 = vector.shape_cast %get3A_393 : vector<1x16xf32> to vector<16xf32>
        %mul3A_395 = arith.constant 3.200000e+01 : f32
        %mul3A_396 = vector.broadcast %mul3A_395 : f32 to vector<16xf32>
        %mul3A_397 = arith.mulf %get3A_394, %mul3A_396 : vector<16xf32>
        %get3A_398 = arith.index_cast %scan3A_154 : i32 to index
        %get3A_399 = arith.constant 224 : index
        %get3A_400 = tpu.vector_load %arg12[%get3A_398, %get3A_399] {strides = array<i32>} : memref<16x1024xf32, #tpu.memory_space<vmem>>, vector<1x16xf32>,
        %get3A_401 = vector.shape_cast %get3A_400 : vector<1x16xf32> to vector<16xf32>
        %add3A_402 = arith.addf %mul3A_397, %get3A_401 : vector<16xf32>
        %swap3A_403 = arith.index_cast %scan3A_154 : i32 to index
        %swap3A_404 = arith.constant 224 : index
        %swap3A_405 = tpu.vector_load %arg14[%swap3A_403, %swap3A_404] {strides = array<i32>} : memref<16x1024xf32, #tpu.memory_space<vmem>>, vector<1x16xf32>,
        %swap3A_406 = vector.shape_cast %swap3A_405 : vector<1x16xf32> to vector<16xf32>
        %swap3A_407 = vector.shape_cast %add3A_402 : vector<16xf32> to vector<1x16xf32>
        tpu.vector_store %arg14[%swap3A_403, %swap3A_404], %swap3A_407 {strides = array<i32>} : memref<16x1024xf32, #tpu.memory_space<vmem>>, vector<1x16xf32>,
        %get3A_408 = arith.index_cast %scan3A_154 : i32 to index
        %get3A_409 = arith.constant 240 : index
        %get3A_410 = tpu.vector_load %arg10[%get3A_408, %get3A_409] {strides = array<i32>} : memref<16x1024xf32, #tpu.memory_space<vmem>>, vector<1x16xf32>,
        %get3A_411 = vector.shape_cast %get3A_410 : vector<1x16xf32> to vector<16xf32>
        %mul3A_412 = arith.constant 3.200000e+01 : f32
        %mul3A_413 = vector.broadcast %mul3A_412 : f32 to vector<16xf32>
        %mul3A_414 = arith.mulf %get3A_411, %mul3A_413 : vector<16xf32>
        %get3A_415 = arith.index_cast %scan3A_154 : i32 to index
        %get3A_416 = arith.constant 240 : index
        %get3A_417 = tpu.vector_load %arg12[%get3A_415, %get3A_416] {strides = array<i32>} : memref<16x1024xf32, #tpu.memory_space<vmem>>, vector<1x16xf32>,
        %get3A_418 = vector.shape_cast %get3A_417 : vector<1x16xf32> to vector<16xf32>
        %add3A_419 = arith.addf %mul3A_414, %get3A_418 : vector<16xf32>
        %swap3A_420 = arith.index_cast %scan3A_154 : i32 to index
        %swap3A_421 = arith.constant 240 : index
        %swap3A_422 = tpu.vector_load %arg14[%swap3A_420, %swap3A_421] {strides = array<i32>} : memref<16x1024xf32, #tpu.memory_space<vmem>>, vector<1x16xf32>,
        %swap3A_423 = vector.shape_cast %swap3A_422 : vector<1x16xf32> to vector<16xf32>
        %swap3A_424 = vector.shape_cast %add3A_419 : vector<16xf32> to vector<1x16xf32>
        tpu.vector_store %arg14[%swap3A_420, %swap3A_421], %swap3A_424 {strides = array<i32>} : memref<16x1024xf32, #tpu.memory_space<vmem>>, vector<1x16xf32>,
        %get3A_425 = arith.index_cast %scan3A_154 : i32 to index
        %get3A_426 = arith.constant 256 : index
        %get3A_427 = tpu.vector_load %arg10[%get3A_425, %get3A_426] {strides = array<i32>} : memref<16x1024xf32, #tpu.memory_space<vmem>>, vector<1x16xf32>,
        %get3A_428 = vector.shape_cast %get3A_427 : vector<1x16xf32> to vector<16xf32>
        %mul3A_429 = arith.constant 3.200000e+01 : f32
        %mul3A_430 = vector.broadcast %mul3A_429 : f32 to vector<16xf32>
        %mul3A_431 = arith.mulf %get3A_428, %mul3A_430 : vector<16xf32>
        %get3A_432 = arith.index_cast %scan3A_154 : i32 to index
        %get3A_433 = arith.constant 256 : index
        %get3A_434 = tpu.vector_load %arg12[%get3A_432, %get3A_433] {strides = array<i32>} : memref<16x1024xf32, #tpu.memory_space<vmem>>, vector<1x16xf32>,
        %get3A_435 = vector.shape_cast %get3A_434 : vector<1x16xf32> to vector<16xf32>
        %add3A_436 = arith.addf %mul3A_431, %get3A_435 : vector<16xf32>
        %swap3A_437 = arith.index_cast %scan3A_154 : i32 to index
        %swap3A_438 = arith.constant 256 : index
        %swap3A_439 = tpu.vector_load %arg14[%swap3A_437, %swap3A_438] {strides = array<i32>} : memref<16x1024xf32, #tpu.memory_space<vmem>>, vector<1x16xf32>,
        %swap3A_440 = vector.shape_cast %swap3A_439 : vector<1x16xf32> to vector<16xf32>
        %swap3A_441 = vector.shape_cast %add3A_436 : vector<16xf32> to vector<1x16xf32>
        tpu.vector_store %arg14[%swap3A_437, %swap3A_438], %swap3A_441 {strides = array<i32>} : memref<16x1024xf32, #tpu.memory_space<vmem>>, vector<1x16xf32>,
        %get3A_442 = arith.index_cast %scan3A_154 : i32 to index
        %get3A_443 = arith.constant 272 : index
        %get3A_444 = tpu.vector_load %arg10[%get3A_442, %get3A_443] {strides = array<i32>} : memref<16x1024xf32, #tpu.memory_space<vmem>>, vector<1x16xf32>,
        %get3A_445 = vector.shape_cast %get3A_444 : vector<1x16xf32> to vector<16xf32>
        %mul3A_446 = arith.constant 3.200000e+01 : f32
        %mul3A_447 = vector.broadcast %mul3A_446 : f32 to vector<16xf32>
        %mul3A_448 = arith.mulf %get3A_445, %mul3A_447 : vector<16xf32>
        %get3A_449 = arith.index_cast %scan3A_154 : i32 to index
        %get3A_450 = arith.constant 272 : index
        %get3A_451 = tpu.vector_load %arg12[%get3A_449, %get3A_450] {strides = array<i32>} : memref<16x1024xf32, #tpu.memory_space<vmem>>, vector<1x16xf32>,
        %get3A_452 = vector.shape_cast %get3A_451 : vector<1x16xf32> to vector<16xf32>
        %add3A_453 = arith.addf %mul3A_448, %get3A_452 : vector<16xf32>
        %swap3A_454 = arith.index_cast %scan3A_154 : i32 to index
        %swap3A_455 = arith.constant 272 : index
        %swap3A_456 = tpu.vector_load %arg14[%swap3A_454, %swap3A_455] {strides = array<i32>} : memref<16x1024xf32, #tpu.memory_space<vmem>>, vector<1x16xf32>,
        %swap3A_457 = vector.shape_cast %swap3A_456 : vector<1x16xf32> to vector<16xf32>
        %swap3A_458 = vector.shape_cast %add3A_453 : vector<16xf32> to vector<1x16xf32>
        tpu.vector_store %arg14[%swap3A_454, %swap3A_455], %swap3A_458 {strides = array<i32>} : memref<16x1024xf32, #tpu.memory_space<vmem>>, vector<1x16xf32>,
        %get3A_459 = arith.index_cast %scan3A_154 : i32 to index
        %get3A_460 = arith.constant 288 : index
        %get3A_461 = tpu.vector_load %arg10[%get3A_459, %get3A_460] {strides = array<i32>} : memref<16x1024xf32, #tpu.memory_space<vmem>>, vector<1x16xf32>,
        %get3A_462 = vector.shape_cast %get3A_461 : vector<1x16xf32> to vector<16xf32>
        %mul3A_463 = arith.constant 3.200000e+01 : f32
        %mul3A_464 = vector.broadcast %mul3A_463 : f32 to vector<16xf32>
        %mul3A_465 = arith.mulf %get3A_462, %mul3A_464 : vector<16xf32>
        %get3A_466 = arith.index_cast %scan3A_154 : i32 to index
        %get3A_467 = arith.constant 288 : index
        %get3A_468 = tpu.vector_load %arg12[%get3A_466, %get3A_467] {strides = array<i32>} : memref<16x1024xf32, #tpu.memory_space<vmem>>, vector<1x16xf32>,
        %get3A_469 = vector.shape_cast %get3A_468 : vector<1x16xf32> to vector<16xf32>
        %add3A_470 = arith.addf %mul3A_465, %get3A_469 : vector<16xf32>
        %swap3A_471 = arith.index_cast %scan3A_154 : i32 to index
        %swap3A_472 = arith.constant 288 : index
        %swap3A_473 = tpu.vector_load %arg14[%swap3A_471, %swap3A_472] {strides = array<i32>} : memref<16x1024xf32, #tpu.memory_space<vmem>>, vector<1x16xf32>,
        %swap3A_474 = vector.shape_cast %swap3A_473 : vector<1x16xf32> to vector<16xf32>
        %swap3A_475 = vector.shape_cast %add3A_470 : vector<16xf32> to vector<1x16xf32>
        tpu.vector_store %arg14[%swap3A_471, %swap3A_472], %swap3A_475 {strides = array<i32>} : memref<16x1024xf32, #tpu.memory_space<vmem>>, vector<1x16xf32>,
        %get3A_476 = arith.index_cast %scan3A_154 : i32 to index
        %get3A_477 = arith.constant 304 : index
        %get3A_478 = tpu.vector_load %arg10[%get3A_476, %get3A_477] {strides = array<i32>} : memref<16x1024xf32, #tpu.memory_space<vmem>>, vector<1x16xf32>,
        %get3A_479 = vector.shape_cast %get3A_478 : vector<1x16xf32> to vector<16xf32>
        %mul3A_480 = arith.constant 3.200000e+01 : f32
        %mul3A_481 = vector.broadcast %mul3A_480 : f32 to vector<16xf32>
        %mul3A_482 = arith.mulf %get3A_479, %mul3A_481 : vector<16xf32>
        %get3A_483 = arith.index_cast %scan3A_154 : i32 to index
        %get3A_484 = arith.constant 304 : index
        %get3A_485 = tpu.vector_load %arg12[%get3A_483, %get3A_484] {strides = array<i32>} : memref<16x1024xf32, #tpu.memory_space<vmem>>, vector<1x16xf32>,
        %get3A_486 = vector.shape_cast %get3A_485 : vector<1x16xf32> to vector<16xf32>
        %add3A_487 = arith.addf %mul3A_482, %get3A_486 : vector<16xf32>
        %swap3A_488 = arith.index_cast %scan3A_154 : i32 to index
        %swap3A_489 = arith.constant 304 : index
        %swap3A_490 = tpu.vector_load %arg14[%swap3A_488, %swap3A_489] {strides = array<i32>} : memref<16x1024xf32, #tpu.memory_space<vmem>>, vector<1x16xf32>,
        %swap3A_491 = vector.shape_cast %swap3A_490 : vector<1x16xf32> to vector<16xf32>
        %swap3A_492 = vector.shape_cast %add3A_487 : vector<16xf32> to vector<1x16xf32>
        tpu.vector_store %arg14[%swap3A_488, %swap3A_489], %swap3A_492 {strides = array<i32>} : memref<16x1024xf32, #tpu.memory_space<vmem>>, vector<1x16xf32>,
        %get3A_493 = arith.index_cast %scan3A_154 : i32 to index
        %get3A_494 = arith.constant 320 : index
        %get3A_495 = tpu.vector_load %arg10[%get3A_493, %get3A_494] {strides = array<i32>} : memref<16x1024xf32, #tpu.memory_space<vmem>>, vector<1x16xf32>,
        %get3A_496 = vector.shape_cast %get3A_495 : vector<1x16xf32> to vector<16xf32>
        %mul3A_497 = arith.constant 3.200000e+01 : f32
        %mul3A_498 = vector.broadcast %mul3A_497 : f32 to vector<16xf32>
        %mul3A_499 = arith.mulf %get3A_496, %mul3A_498 : vector<16xf32>
        %get3A_500 = arith.index_cast %scan3A_154 : i32 to index
        %get3A_501 = arith.constant 320 : index
        %get3A_502 = tpu.vector_load %arg12[%get3A_500, %get3A_501] {strides = array<i32>} : memref<16x1024xf32, #tpu.memory_space<vmem>>, vector<1x16xf32>,
        %get3A_503 = vector.shape_cast %get3A_502 : vector<1x16xf32> to vector<16xf32>
        %add3A_504 = arith.addf %mul3A_499, %get3A_503 : vector<16xf32>
        %swap3A_505 = arith.index_cast %scan3A_154 : i32 to index
        %swap3A_506 = arith.constant 320 : index
        %swap3A_507 = tpu.vector_load %arg14[%swap3A_505, %swap3A_506] {strides = array<i32>} : memref<16x1024xf32, #tpu.memory_space<vmem>>, vector<1x16xf32>,
        %swap3A_508 = vector.shape_cast %swap3A_507 : vector<1x16xf32> to vector<16xf32>
        %swap3A_509 = vector.shape_cast %add3A_504 : vector<16xf32> to vector<1x16xf32>
        tpu.vector_store %arg14[%swap3A_505, %swap3A_506], %swap3A_509 {strides = array<i32>} : memref<16x1024xf32, #tpu.memory_space<vmem>>, vector<1x16xf32>,
        %get3A_510 = arith.index_cast %scan3A_154 : i32 to index
        %get3A_511 = arith.constant 336 : index
        %get3A_512 = tpu.vector_load %arg10[%get3A_510, %get3A_511] {strides = array<i32>} : memref<16x1024xf32, #tpu.memory_space<vmem>>, vector<1x16xf32>,
        %get3A_513 = vector.shape_cast %get3A_512 : vector<1x16xf32> to vector<16xf32>
        %mul3A_514 = arith.constant 3.200000e+01 : f32
        %mul3A_515 = vector.broadcast %mul3A_514 : f32 to vector<16xf32>
        %mul3A_516 = arith.mulf %get3A_513, %mul3A_515 : vector<16xf32>
        %get3A_517 = arith.index_cast %scan3A_154 : i32 to index
        %get3A_518 = arith.constant 336 : index
        %get3A_519 = tpu.vector_load %arg12[%get3A_517, %get3A_518] {strides = array<i32>} : memref<16x1024xf32, #tpu.memory_space<vmem>>, vector<1x16xf32>,
        %get3A_520 = vector.shape_cast %get3A_519 : vector<1x16xf32> to vector<16xf32>
        %add3A_521 = arith.addf %mul3A_516, %get3A_520 : vector<16xf32>
        %swap3A_522 = arith.index_cast %scan3A_154 : i32 to index
        %swap3A_523 = arith.constant 336 : index
        %swap3A_524 = tpu.vector_load %arg14[%swap3A_522, %swap3A_523] {strides = array<i32>} : memref<16x1024xf32, #tpu.memory_space<vmem>>, vector<1x16xf32>,
        %swap3A_525 = vector.shape_cast %swap3A_524 : vector<1x16xf32> to vector<16xf32>
        %swap3A_526 = vector.shape_cast %add3A_521 : vector<16xf32> to vector<1x16xf32>
        tpu.vector_store %arg14[%swap3A_522, %swap3A_523], %swap3A_526 {strides = array<i32>} : memref<16x1024xf32, #tpu.memory_space<vmem>>, vector<1x16xf32>,
        %get3A_527 = arith.index_cast %scan3A_154 : i32 to index
        %get3A_528 = arith.constant 352 : index
        %get3A_529 = tpu.vector_load %arg10[%get3A_527, %get3A_528] {strides = array<i32>} : memref<16x1024xf32, #tpu.memory_space<vmem>>, vector<1x16xf32>,
        %get3A_530 = vector.shape_cast %get3A_529 : vector<1x16xf32> to vector<16xf32>
        %mul3A_531 = arith.constant 3.200000e+01 : f32
        %mul3A_532 = vector.broadcast %mul3A_531 : f32 to vector<16xf32>
        %mul3A_533 = arith.mulf %get3A_530, %mul3A_532 : vector<16xf32>
        %get3A_534 = arith.index_cast %scan3A_154 : i32 to index
        %get3A_535 = arith.constant 352 : index
        %get3A_536 = tpu.vector_load %arg12[%get3A_534, %get3A_535] {strides = array<i32>} : memref<16x1024xf32, #tpu.memory_space<vmem>>, vector<1x16xf32>,
        %get3A_537 = vector.shape_cast %get3A_536 : vector<1x16xf32> to vector<16xf32>
        %add3A_538 = arith.addf %mul3A_533, %get3A_537 : vector<16xf32>
        %swap3A_539 = arith.index_cast %scan3A_154 : i32 to index
        %swap3A_540 = arith.constant 352 : index
        %swap3A_541 = tpu.vector_load %arg14[%swap3A_539, %swap3A_540] {strides = array<i32>} : memref<16x1024xf32, #tpu.memory_space<vmem>>, vector<1x16xf32>,
        %swap3A_542 = vector.shape_cast %swap3A_541 : vector<1x16xf32> to vector<16xf32>
        %swap3A_543 = vector.shape_cast %add3A_538 : vector<16xf32> to vector<1x16xf32>
        tpu.vector_store %arg14[%swap3A_539, %swap3A_540], %swap3A_543 {strides = array<i32>} : memref<16x1024xf32, #tpu.memory_space<vmem>>, vector<1x16xf32>,
        %get3A_544 = arith.index_cast %scan3A_154 : i32 to index
        %get3A_545 = arith.constant 368 : index
        %get3A_546 = tpu.vector_load %arg10[%get3A_544, %get3A_545] {strides = array<i32>} : memref<16x1024xf32, #tpu.memory_space<vmem>>, vector<1x16xf32>,
        %get3A_547 = vector.shape_cast %get3A_546 : vector<1x16xf32> to vector<16xf32>
        %mul3A_548 = arith.constant 3.200000e+01 : f32
        %mul3A_549 = vector.broadcast %mul3A_548 : f32 to vector<16xf32>
        %mul3A_550 = arith.mulf %get3A_547, %mul3A_549 : vector<16xf32>
        %get3A_551 = arith.index_cast %scan3A_154 : i32 to index
        %get3A_552 = arith.constant 368 : index
        %get3A_553 = tpu.vector_load %arg12[%get3A_551, %get3A_552] {strides = array<i32>} : memref<16x1024xf32, #tpu.memory_space<vmem>>, vector<1x16xf32>,
        %get3A_554 = vector.shape_cast %get3A_553 : vector<1x16xf32> to vector<16xf32>
        %add3A_555 = arith.addf %mul3A_550, %get3A_554 : vector<16xf32>
        %swap3A_556 = arith.index_cast %scan3A_154 : i32 to index
        %swap3A_557 = arith.constant 368 : index
        %swap3A_558 = tpu.vector_load %arg14[%swap3A_556, %swap3A_557] {strides = array<i32>} : memref<16x1024xf32, #tpu.memory_space<vmem>>, vector<1x16xf32>,
        %swap3A_559 = vector.shape_cast %swap3A_558 : vector<1x16xf32> to vector<16xf32>
        %swap3A_560 = vector.shape_cast %add3A_555 : vector<16xf32> to vector<1x16xf32>
        tpu.vector_store %arg14[%swap3A_556, %swap3A_557], %swap3A_560 {strides = array<i32>} : memref<16x1024xf32, #tpu.memory_space<vmem>>, vector<1x16xf32>,
        %get3A_561 = arith.index_cast %scan3A_154 : i32 to index
        %get3A_562 = arith.constant 384 : index
        %get3A_563 = tpu.vector_load %arg10[%get3A_561, %get3A_562] {strides = array<i32>} : memref<16x1024xf32, #tpu.memory_space<vmem>>, vector<1x16xf32>,
        %get3A_564 = vector.shape_cast %get3A_563 : vector<1x16xf32> to vector<16xf32>
        %mul3A_565 = arith.constant 3.200000e+01 : f32
        %mul3A_566 = vector.broadcast %mul3A_565 : f32 to vector<16xf32>
        %mul3A_567 = arith.mulf %get3A_564, %mul3A_566 : vector<16xf32>
        %get3A_568 = arith.index_cast %scan3A_154 : i32 to index
        %get3A_569 = arith.constant 384 : index
        %get3A_570 = tpu.vector_load %arg12[%get3A_568, %get3A_569] {strides = array<i32>} : memref<16x1024xf32, #tpu.memory_space<vmem>>, vector<1x16xf32>,
        %get3A_571 = vector.shape_cast %get3A_570 : vector<1x16xf32> to vector<16xf32>
        %add3A_572 = arith.addf %mul3A_567, %get3A_571 : vector<16xf32>
        %swap3A_573 = arith.index_cast %scan3A_154 : i32 to index
        %swap3A_574 = arith.constant 384 : index
        %swap3A_575 = tpu.vector_load %arg14[%swap3A_573, %swap3A_574] {strides = array<i32>} : memref<16x1024xf32, #tpu.memory_space<vmem>>, vector<1x16xf32>,
        %swap3A_576 = vector.shape_cast %swap3A_575 : vector<1x16xf32> to vector<16xf32>
        %swap3A_577 = vector.shape_cast %add3A_572 : vector<16xf32> to vector<1x16xf32>
        tpu.vector_store %arg14[%swap3A_573, %swap3A_574], %swap3A_577 {strides = array<i32>} : memref<16x1024xf32, #tpu.memory_space<vmem>>, vector<1x16xf32>,
        %get3A_578 = arith.index_cast %scan3A_154 : i32 to index
        %get3A_579 = arith.constant 400 : index
        %get3A_580 = tpu.vector_load %arg10[%get3A_578, %get3A_579] {strides = array<i32>} : memref<16x1024xf32, #tpu.memory_space<vmem>>, vector<1x16xf32>,
        %get3A_581 = vector.shape_cast %get3A_580 : vector<1x16xf32> to vector<16xf32>
        %mul3A_582 = arith.constant 3.200000e+01 : f32
        %mul3A_583 = vector.broadcast %mul3A_582 : f32 to vector<16xf32>
        %mul3A_584 = arith.mulf %get3A_581, %mul3A_583 : vector<16xf32>
        %get3A_585 = arith.index_cast %scan3A_154 : i32 to index
        %get3A_586 = arith.constant 400 : index
        %get3A_587 = tpu.vector_load %arg12[%get3A_585, %get3A_586] {strides = array<i32>} : memref<16x1024xf32, #tpu.memory_space<vmem>>, vector<1x16xf32>,
        %get3A_588 = vector.shape_cast %get3A_587 : vector<1x16xf32> to vector<16xf32>
        %add3A_589 = arith.addf %mul3A_584, %get3A_588 : vector<16xf32>
        %swap3A_590 = arith.index_cast %scan3A_154 : i32 to index
        %swap3A_591 = arith.constant 400 : index
        %swap3A_592 = tpu.vector_load %arg14[%swap3A_590, %swap3A_591] {strides = array<i32>} : memref<16x1024xf32, #tpu.memory_space<vmem>>, vector<1x16xf32>,
        %swap3A_593 = vector.shape_cast %swap3A_592 : vector<1x16xf32> to vector<16xf32>
        %swap3A_594 = vector.shape_cast %add3A_589 : vector<16xf32> to vector<1x16xf32>
        tpu.vector_store %arg14[%swap3A_590, %swap3A_591], %swap3A_594 {strides = array<i32>} : memref<16x1024xf32, #tpu.memory_space<vmem>>, vector<1x16xf32>,
        %get3A_595 = arith.index_cast %scan3A_154 : i32 to index
        %get3A_596 = arith.constant 416 : index
        %get3A_597 = tpu.vector_load %arg10[%get3A_595, %get3A_596] {strides = array<i32>} : memref<16x1024xf32, #tpu.memory_space<vmem>>, vector<1x16xf32>,
        %get3A_598 = vector.shape_cast %get3A_597 : vector<1x16xf32> to vector<16xf32>
        %mul3A_599 = arith.constant 3.200000e+01 : f32
        %mul3A_600 = vector.broadcast %mul3A_599 : f32 to vector<16xf32>
        %mul3A_601 = arith.mulf %get3A_598, %mul3A_600 : vector<16xf32>
        %get3A_602 = arith.index_cast %scan3A_154 : i32 to index
        %get3A_603 = arith.constant 416 : index
        %get3A_604 = tpu.vector_load %arg12[%get3A_602, %get3A_603] {strides = array<i32>} : memref<16x1024xf32, #tpu.memory_space<vmem>>, vector<1x16xf32>,
        %get3A_605 = vector.shape_cast %get3A_604 : vector<1x16xf32> to vector<16xf32>
        %add3A_606 = arith.addf %mul3A_601, %get3A_605 : vector<16xf32>
        %swap3A_607 = arith.index_cast %scan3A_154 : i32 to index
        %swap3A_608 = arith.constant 416 : index
        %swap3A_609 = tpu.vector_load %arg14[%swap3A_607, %swap3A_608] {strides = array<i32>} : memref<16x1024xf32, #tpu.memory_space<vmem>>, vector<1x16xf32>,
        %swap3A_610 = vector.shape_cast %swap3A_609 : vector<1x16xf32> to vector<16xf32>
        %swap3A_611 = vector.shape_cast %add3A_606 : vector<16xf32> to vector<1x16xf32>
        tpu.vector_store %arg14[%swap3A_607, %swap3A_608], %swap3A_611 {strides = array<i32>} : memref<16x1024xf32, #tpu.memory_space<vmem>>, vector<1x16xf32>,
        %get3A_612 = arith.index_cast %scan3A_154 : i32 to index
        %get3A_613 = arith.constant 432 : index
        %get3A_614 = tpu.vector_load %arg10[%get3A_612, %get3A_613] {strides = array<i32>} : memref<16x1024xf32, #tpu.memory_space<vmem>>, vector<1x16xf32>,
        %get3A_615 = vector.shape_cast %get3A_614 : vector<1x16xf32> to vector<16xf32>
        %mul3A_616 = arith.constant 3.200000e+01 : f32
        %mul3A_617 = vector.broadcast %mul3A_616 : f32 to vector<16xf32>
        %mul3A_618 = arith.mulf %get3A_615, %mul3A_617 : vector<16xf32>
        %get3A_619 = arith.index_cast %scan3A_154 : i32 to index
        %get3A_620 = arith.constant 432 : index
        %get3A_621 = tpu.vector_load %arg12[%get3A_619, %get3A_620] {strides = array<i32>} : memref<16x1024xf32, #tpu.memory_space<vmem>>, vector<1x16xf32>,
        %get3A_622 = vector.shape_cast %get3A_621 : vector<1x16xf32> to vector<16xf32>
        %add3A_623 = arith.addf %mul3A_618, %get3A_622 : vector<16xf32>
        %swap3A_624 = arith.index_cast %scan3A_154 : i32 to index
        %swap3A_625 = arith.constant 432 : index
        %swap3A_626 = tpu.vector_load %arg14[%swap3A_624, %swap3A_625] {strides = array<i32>} : memref<16x1024xf32, #tpu.memory_space<vmem>>, vector<1x16xf32>,
        %swap3A_627 = vector.shape_cast %swap3A_626 : vector<1x16xf32> to vector<16xf32>
        %swap3A_628 = vector.shape_cast %add3A_623 : vector<16xf32> to vector<1x16xf32>
        tpu.vector_store %arg14[%swap3A_624, %swap3A_625], %swap3A_628 {strides = array<i32>} : memref<16x1024xf32, #tpu.memory_space<vmem>>, vector<1x16xf32>,
        %get3A_629 = arith.index_cast %scan3A_154 : i32 to index
        %get3A_630 = arith.constant 448 : index
        %get3A_631 = tpu.vector_load %arg10[%get3A_629, %get3A_630] {strides = array<i32>} : memref<16x1024xf32, #tpu.memory_space<vmem>>, vector<1x16xf32>,
        %get3A_632 = vector.shape_cast %get3A_631 : vector<1x16xf32> to vector<16xf32>
        %mul3A_633 = arith.constant 3.200000e+01 : f32
        %mul3A_634 = vector.broadcast %mul3A_633 : f32 to vector<16xf32>
        %mul3A_635 = arith.mulf %get3A_632, %mul3A_634 : vector<16xf32>
        %get3A_636 = arith.index_cast %scan3A_154 : i32 to index
        %get3A_637 = arith.constant 448 : index
        %get3A_638 = tpu.vector_load %arg12[%get3A_636, %get3A_637] {strides = array<i32>} : memref<16x1024xf32, #tpu.memory_space<vmem>>, vector<1x16xf32>,
        %get3A_639 = vector.shape_cast %get3A_638 : vector<1x16xf32> to vector<16xf32>
        %add3A_640 = arith.addf %mul3A_635, %get3A_639 : vector<16xf32>
        %swap3A_641 = arith.index_cast %scan3A_154 : i32 to index
        %swap3A_642 = arith.constant 448 : index
        %swap3A_643 = tpu.vector_load %arg14[%swap3A_641, %swap3A_642] {strides = array<i32>} : memref<16x1024xf32, #tpu.memory_space<vmem>>, vector<1x16xf32>,
        %swap3A_644 = vector.shape_cast %swap3A_643 : vector<1x16xf32> to vector<16xf32>
        %swap3A_645 = vector.shape_cast %add3A_640 : vector<16xf32> to vector<1x16xf32>
        tpu.vector_store %arg14[%swap3A_641, %swap3A_642], %swap3A_645 {strides = array<i32>} : memref<16x1024xf32, #tpu.memory_space<vmem>>, vector<1x16xf32>,
        %get3A_646 = arith.index_cast %scan3A_154 : i32 to index
        %get3A_647 = arith.constant 464 : index
        %get3A_648 = tpu.vector_load %arg10[%get3A_646, %get3A_647] {strides = array<i32>} : memref<16x1024xf32, #tpu.memory_space<vmem>>, vector<1x16xf32>,
        %get3A_649 = vector.shape_cast %get3A_648 : vector<1x16xf32> to vector<16xf32>
        %mul3A_650 = arith.constant 3.200000e+01 : f32
        %mul3A_651 = vector.broadcast %mul3A_650 : f32 to vector<16xf32>
        %mul3A_652 = arith.mulf %get3A_649, %mul3A_651 : vector<16xf32>
        %get3A_653 = arith.index_cast %scan3A_154 : i32 to index
        %get3A_654 = arith.constant 464 : index
        %get3A_655 = tpu.vector_load %arg12[%get3A_653, %get3A_654] {strides = array<i32>} : memref<16x1024xf32, #tpu.memory_space<vmem>>, vector<1x16xf32>,
        %get3A_656 = vector.shape_cast %get3A_655 : vector<1x16xf32> to vector<16xf32>
        %add3A_657 = arith.addf %mul3A_652, %get3A_656 : vector<16xf32>
        %swap3A_658 = arith.index_cast %scan3A_154 : i32 to index
        %swap3A_659 = arith.constant 464 : index
        %swap3A_660 = tpu.vector_load %arg14[%swap3A_658, %swap3A_659] {strides = array<i32>} : memref<16x1024xf32, #tpu.memory_space<vmem>>, vector<1x16xf32>,
        %swap3A_661 = vector.shape_cast %swap3A_660 : vector<1x16xf32> to vector<16xf32>
        %swap3A_662 = vector.shape_cast %add3A_657 : vector<16xf32> to vector<1x16xf32>
        tpu.vector_store %arg14[%swap3A_658, %swap3A_659], %swap3A_662 {strides = array<i32>} : memref<16x1024xf32, #tpu.memory_space<vmem>>, vector<1x16xf32>,
        %get3A_663 = arith.index_cast %scan3A_154 : i32 to index
        %get3A_664 = arith.constant 480 : index
        %get3A_665 = tpu.vector_load %arg10[%get3A_663, %get3A_664] {strides = array<i32>} : memref<16x1024xf32, #tpu.memory_space<vmem>>, vector<1x16xf32>,
        %get3A_666 = vector.shape_cast %get3A_665 : vector<1x16xf32> to vector<16xf32>
        %mul3A_667 = arith.constant 3.200000e+01 : f32
        %mul3A_668 = vector.broadcast %mul3A_667 : f32 to vector<16xf32>
        %mul3A_669 = arith.mulf %get3A_666, %mul3A_668 : vector<16xf32>
        %get3A_670 = arith.index_cast %scan3A_154 : i32 to index
        %get3A_671 = arith.constant 480 : index
        %get3A_672 = tpu.vector_load %arg12[%get3A_670, %get3A_671] {strides = array<i32>} : memref<16x1024xf32, #tpu.memory_space<vmem>>, vector<1x16xf32>,
        %get3A_673 = vector.shape_cast %get3A_672 : vector<1x16xf32> to vector<16xf32>
        %add3A_674 = arith.addf %mul3A_669, %get3A_673 : vector<16xf32>
        %swap3A_675 = arith.index_cast %scan3A_154 : i32 to index
        %swap3A_676 = arith.constant 480 : index
        %swap3A_677 = tpu.vector_load %arg14[%swap3A_675, %swap3A_676] {strides = array<i32>} : memref<16x1024xf32, #tpu.memory_space<vmem>>, vector<1x16xf32>,
        %swap3A_678 = vector.shape_cast %swap3A_677 : vector<1x16xf32> to vector<16xf32>
        %swap3A_679 = vector.shape_cast %add3A_674 : vector<16xf32> to vector<1x16xf32>
        tpu.vector_store %arg14[%swap3A_675, %swap3A_676], %swap3A_679 {strides = array<i32>} : memref<16x1024xf32, #tpu.memory_space<vmem>>, vector<1x16xf32>,
        %get3A_680 = arith.index_cast %scan3A_154 : i32 to index
        %get3A_681 = arith.constant 496 : index
        %get3A_682 = tpu.vector_load %arg10[%get3A_680, %get3A_681] {strides = array<i32>} : memref<16x1024xf32, #tpu.memory_space<vmem>>, vector<1x16xf32>,
        %get3A_683 = vector.shape_cast %get3A_682 : vector<1x16xf32> to vector<16xf32>
        %mul3A_684 = arith.constant 3.200000e+01 : f32
        %mul3A_685 = vector.broadcast %mul3A_684 : f32 to vector<16xf32>
        %mul3A_686 = arith.mulf %get3A_683, %mul3A_685 : vector<16xf32>
        %get3A_687 = arith.index_cast %scan3A_154 : i32 to index
        %get3A_688 = arith.constant 496 : index
        %get3A_689 = tpu.vector_load %arg12[%get3A_687, %get3A_688] {strides = array<i32>} : memref<16x1024xf32, #tpu.memory_space<vmem>>, vector<1x16xf32>,
        %get3A_690 = vector.shape_cast %get3A_689 : vector<1x16xf32> to vector<16xf32>
        %add3A_691 = arith.addf %mul3A_686, %get3A_690 : vector<16xf32>
        %swap3A_692 = arith.index_cast %scan3A_154 : i32 to index
        %swap3A_693 = arith.constant 496 : index
        %swap3A_694 = tpu.vector_load %arg14[%swap3A_692, %swap3A_693] {strides = array<i32>} : memref<16x1024xf32, #tpu.memory_space<vmem>>, vector<1x16xf32>,
        %swap3A_695 = vector.shape_cast %swap3A_694 : vector<1x16xf32> to vector<16xf32>
        %swap3A_696 = vector.shape_cast %add3A_691 : vector<16xf32> to vector<1x16xf32>
        tpu.vector_store %arg14[%swap3A_692, %swap3A_693], %swap3A_696 {strides = array<i32>} : memref<16x1024xf32, #tpu.memory_space<vmem>>, vector<1x16xf32>,
        %get3A_697 = arith.index_cast %scan3A_154 : i32 to index
        %get3A_698 = arith.constant 512 : index
        %get3A_699 = tpu.vector_load %arg10[%get3A_697, %get3A_698] {strides = array<i32>} : memref<16x1024xf32, #tpu.memory_space<vmem>>, vector<1x16xf32>,
        %get3A_700 = vector.shape_cast %get3A_699 : vector<1x16xf32> to vector<16xf32>
        %mul3A_701 = arith.constant 3.200000e+01 : f32
        %mul3A_702 = vector.broadcast %mul3A_701 : f32 to vector<16xf32>
        %mul3A_703 = arith.mulf %get3A_700, %mul3A_702 : vector<16xf32>
        %get3A_704 = arith.index_cast %scan3A_154 : i32 to index
        %get3A_705 = arith.constant 512 : index
        %get3A_706 = tpu.vector_load %arg12[%get3A_704, %get3A_705] {strides = array<i32>} : memref<16x1024xf32, #tpu.memory_space<vmem>>, vector<1x16xf32>,
        %get3A_707 = vector.shape_cast %get3A_706 : vector<1x16xf32> to vector<16xf32>
        %add3A_708 = arith.addf %mul3A_703, %get3A_707 : vector<16xf32>
        %swap3A_709 = arith.index_cast %scan3A_154 : i32 to index
        %swap3A_710 = arith.constant 512 : index
        %swap3A_711 = tpu.vector_load %arg14[%swap3A_709, %swap3A_710] {strides = array<i32>} : memref<16x1024xf32, #tpu.memory_space<vmem>>, vector<1x16xf32>,
        %swap3A_712 = vector.shape_cast %swap3A_711 : vector<1x16xf32> to vector<16xf32>
        %swap3A_713 = vector.shape_cast %add3A_708 : vector<16xf32> to vector<1x16xf32>
        tpu.vector_store %arg14[%swap3A_709, %swap3A_710], %swap3A_713 {strides = array<i32>} : memref<16x1024xf32, #tpu.memory_space<vmem>>, vector<1x16xf32>,
        %get3A_714 = arith.index_cast %scan3A_154 : i32 to index
        %get3A_715 = arith.constant 528 : index
        %get3A_716 = tpu.vector_load %arg10[%get3A_714, %get3A_715] {strides = array<i32>} : memref<16x1024xf32, #tpu.memory_space<vmem>>, vector<1x16xf32>,
        %get3A_717 = vector.shape_cast %get3A_716 : vector<1x16xf32> to vector<16xf32>
        %mul3A_718 = arith.constant 3.200000e+01 : f32
        %mul3A_719 = vector.broadcast %mul3A_718 : f32 to vector<16xf32>
        %mul3A_720 = arith.mulf %get3A_717, %mul3A_719 : vector<16xf32>
        %get3A_721 = arith.index_cast %scan3A_154 : i32 to index
        %get3A_722 = arith.constant 528 : index
        %get3A_723 = tpu.vector_load %arg12[%get3A_721, %get3A_722] {strides = array<i32>} : memref<16x1024xf32, #tpu.memory_space<vmem>>, vector<1x16xf32>,
        %get3A_724 = vector.shape_cast %get3A_723 : vector<1x16xf32> to vector<16xf32>
        %add3A_725 = arith.addf %mul3A_720, %get3A_724 : vector<16xf32>
        %swap3A_726 = arith.index_cast %scan3A_154 : i32 to index
        %swap3A_727 = arith.constant 528 : index
        %swap3A_728 = tpu.vector_load %arg14[%swap3A_726, %swap3A_727] {strides = array<i32>} : memref<16x1024xf32, #tpu.memory_space<vmem>>, vector<1x16xf32>,
        %swap3A_729 = vector.shape_cast %swap3A_728 : vector<1x16xf32> to vector<16xf32>
        %swap3A_730 = vector.shape_cast %add3A_725 : vector<16xf32> to vector<1x16xf32>
        tpu.vector_store %arg14[%swap3A_726, %swap3A_727], %swap3A_730 {strides = array<i32>} : memref<16x1024xf32, #tpu.memory_space<vmem>>, vector<1x16xf32>,
        %get3A_731 = arith.index_cast %scan3A_154 : i32 to index
        %get3A_732 = arith.constant 544 : index
        %get3A_733 = tpu.vector_load %arg10[%get3A_731, %get3A_732] {strides = array<i32>} : memref<16x1024xf32, #tpu.memory_space<vmem>>, vector<1x16xf32>,
        %get3A_734 = vector.shape_cast %get3A_733 : vector<1x16xf32> to vector<16xf32>
        %mul3A_735 = arith.constant 3.200000e+01 : f32
        %mul3A_736 = vector.broadcast %mul3A_735 : f32 to vector<16xf32>
        %mul3A_737 = arith.mulf %get3A_734, %mul3A_736 : vector<16xf32>
        %get3A_738 = arith.index_cast %scan3A_154 : i32 to index
        %get3A_739 = arith.constant 544 : index
        %get3A_740 = tpu.vector_load %arg12[%get3A_738, %get3A_739] {strides = array<i32>} : memref<16x1024xf32, #tpu.memory_space<vmem>>, vector<1x16xf32>,
        %get3A_741 = vector.shape_cast %get3A_740 : vector<1x16xf32> to vector<16xf32>
        %add3A_742 = arith.addf %mul3A_737, %get3A_741 : vector<16xf32>
        %swap3A_743 = arith.index_cast %scan3A_154 : i32 to index
        %swap3A_744 = arith.constant 544 : index
        %swap3A_745 = tpu.vector_load %arg14[%swap3A_743, %swap3A_744] {strides = array<i32>} : memref<16x1024xf32, #tpu.memory_space<vmem>>, vector<1x16xf32>,
        %swap3A_746 = vector.shape_cast %swap3A_745 : vector<1x16xf32> to vector<16xf32>
        %swap3A_747 = vector.shape_cast %add3A_742 : vector<16xf32> to vector<1x16xf32>
        tpu.vector_store %arg14[%swap3A_743, %swap3A_744], %swap3A_747 {strides = array<i32>} : memref<16x1024xf32, #tpu.memory_space<vmem>>, vector<1x16xf32>,
        %get3A_748 = arith.index_cast %scan3A_154 : i32 to index
        %get3A_749 = arith.constant 560 : index
        %get3A_750 = tpu.vector_load %arg10[%get3A_748, %get3A_749] {strides = array<i32>} : memref<16x1024xf32, #tpu.memory_space<vmem>>, vector<1x16xf32>,
        %get3A_751 = vector.shape_cast %get3A_750 : vector<1x16xf32> to vector<16xf32>
        %mul3A_752 = arith.constant 3.200000e+01 : f32
        %mul3A_753 = vector.broadcast %mul3A_752 : f32 to vector<16xf32>
        %mul3A_754 = arith.mulf %get3A_751, %mul3A_753 : vector<16xf32>
        %get3A_755 = arith.index_cast %scan3A_154 : i32 to index
        %get3A_756 = arith.constant 560 : index
        %get3A_757 = tpu.vector_load %arg12[%get3A_755, %get3A_756] {strides = array<i32>} : memref<16x1024xf32, #tpu.memory_space<vmem>>, vector<1x16xf32>,
        %get3A_758 = vector.shape_cast %get3A_757 : vector<1x16xf32> to vector<16xf32>
        %add3A_759 = arith.addf %mul3A_754, %get3A_758 : vector<16xf32>
        %swap3A_760 = arith.index_cast %scan3A_154 : i32 to index
        %swap3A_761 = arith.constant 560 : index
        %swap3A_762 = tpu.vector_load %arg14[%swap3A_760, %swap3A_761] {strides = array<i32>} : memref<16x1024xf32, #tpu.memory_space<vmem>>, vector<1x16xf32>,
        %swap3A_763 = vector.shape_cast %swap3A_762 : vector<1x16xf32> to vector<16xf32>
        %swap3A_764 = vector.shape_cast %add3A_759 : vector<16xf32> to vector<1x16xf32>
        tpu.vector_store %arg14[%swap3A_760, %swap3A_761], %swap3A_764 {strides = array<i32>} : memref<16x1024xf32, #tpu.memory_space<vmem>>, vector<1x16xf32>,
        %get3A_765 = arith.index_cast %scan3A_154 : i32 to index
        %get3A_766 = arith.constant 576 : index
        %get3A_767 = tpu.vector_load %arg10[%get3A_765, %get3A_766] {strides = array<i32>} : memref<16x1024xf32, #tpu.memory_space<vmem>>, vector<1x16xf32>,
        %get3A_768 = vector.shape_cast %get3A_767 : vector<1x16xf32> to vector<16xf32>
        %mul3A_769 = arith.constant 3.200000e+01 : f32
        %mul3A_770 = vector.broadcast %mul3A_769 : f32 to vector<16xf32>
        %mul3A_771 = arith.mulf %get3A_768, %mul3A_770 : vector<16xf32>
        %get3A_772 = arith.index_cast %scan3A_154 : i32 to index
        %get3A_773 = arith.constant 576 : index
        %get3A_774 = tpu.vector_load %arg12[%get3A_772, %get3A_773] {strides = array<i32>} : memref<16x1024xf32, #tpu.memory_space<vmem>>, vector<1x16xf32>,
        %get3A_775 = vector.shape_cast %get3A_774 : vector<1x16xf32> to vector<16xf32>
        %add3A_776 = arith.addf %mul3A_771, %get3A_775 : vector<16xf32>
        %swap3A_777 = arith.index_cast %scan3A_154 : i32 to index
        %swap3A_778 = arith.constant 576 : index
        %swap3A_779 = tpu.vector_load %arg14[%swap3A_777, %swap3A_778] {strides = array<i32>} : memref<16x1024xf32, #tpu.memory_space<vmem>>, vector<1x16xf32>,
        %swap3A_780 = vector.shape_cast %swap3A_779 : vector<1x16xf32> to vector<16xf32>
        %swap3A_781 = vector.shape_cast %add3A_776 : vector<16xf32> to vector<1x16xf32>
        tpu.vector_store %arg14[%swap3A_777, %swap3A_778], %swap3A_781 {strides = array<i32>} : memref<16x1024xf32, #tpu.memory_space<vmem>>, vector<1x16xf32>,
        %get3A_782 = arith.index_cast %scan3A_154 : i32 to index
        %get3A_783 = arith.constant 592 : index
        %get3A_784 = tpu.vector_load %arg10[%get3A_782, %get3A_783] {strides = array<i32>} : memref<16x1024xf32, #tpu.memory_space<vmem>>, vector<1x16xf32>,
        %get3A_785 = vector.shape_cast %get3A_784 : vector<1x16xf32> to vector<16xf32>
        %mul3A_786 = arith.constant 3.200000e+01 : f32
        %mul3A_787 = vector.broadcast %mul3A_786 : f32 to vector<16xf32>
        %mul3A_788 = arith.mulf %get3A_785, %mul3A_787 : vector<16xf32>
        %get3A_789 = arith.index_cast %scan3A_154 : i32 to index
        %get3A_790 = arith.constant 592 : index
        %get3A_791 = tpu.vector_load %arg12[%get3A_789, %get3A_790] {strides = array<i32>} : memref<16x1024xf32, #tpu.memory_space<vmem>>, vector<1x16xf32>,
        %get3A_792 = vector.shape_cast %get3A_791 : vector<1x16xf32> to vector<16xf32>
        %add3A_793 = arith.addf %mul3A_788, %get3A_792 : vector<16xf32>
        %swap3A_794 = arith.index_cast %scan3A_154 : i32 to index
        %swap3A_795 = arith.constant 592 : index
        %swap3A_796 = tpu.vector_load %arg14[%swap3A_794, %swap3A_795] {strides = array<i32>} : memref<16x1024xf32, #tpu.memory_space<vmem>>, vector<1x16xf32>,
        %swap3A_797 = vector.shape_cast %swap3A_796 : vector<1x16xf32> to vector<16xf32>
        %swap3A_798 = vector.shape_cast %add3A_793 : vector<16xf32> to vector<1x16xf32>
        tpu.vector_store %arg14[%swap3A_794, %swap3A_795], %swap3A_798 {strides = array<i32>} : memref<16x1024xf32, #tpu.memory_space<vmem>>, vector<1x16xf32>,
        %get3A_799 = arith.index_cast %scan3A_154 : i32 to index
        %get3A_800 = arith.constant 608 : index
        %get3A_801 = tpu.vector_load %arg10[%get3A_799, %get3A_800] {strides = array<i32>} : memref<16x1024xf32, #tpu.memory_space<vmem>>, vector<1x16xf32>,
        %get3A_802 = vector.shape_cast %get3A_801 : vector<1x16xf32> to vector<16xf32>
        %mul3A_803 = arith.constant 3.200000e+01 : f32
        %mul3A_804 = vector.broadcast %mul3A_803 : f32 to vector<16xf32>
        %mul3A_805 = arith.mulf %get3A_802, %mul3A_804 : vector<16xf32>
        %get3A_806 = arith.index_cast %scan3A_154 : i32 to index
        %get3A_807 = arith.constant 608 : index
        %get3A_808 = tpu.vector_load %arg12[%get3A_806, %get3A_807] {strides = array<i32>} : memref<16x1024xf32, #tpu.memory_space<vmem>>, vector<1x16xf32>,
        %get3A_809 = vector.shape_cast %get3A_808 : vector<1x16xf32> to vector<16xf32>
        %add3A_810 = arith.addf %mul3A_805, %get3A_809 : vector<16xf32>
        %swap3A_811 = arith.index_cast %scan3A_154 : i32 to index
        %swap3A_812 = arith.constant 608 : index
        %swap3A_813 = tpu.vector_load %arg14[%swap3A_811, %swap3A_812] {strides = array<i32>} : memref<16x1024xf32, #tpu.memory_space<vmem>>, vector<1x16xf32>,
        %swap3A_814 = vector.shape_cast %swap3A_813 : vector<1x16xf32> to vector<16xf32>
        %swap3A_815 = vector.shape_cast %add3A_810 : vector<16xf32> to vector<1x16xf32>
        tpu.vector_store %arg14[%swap3A_811, %swap3A_812], %swap3A_815 {strides = array<i32>} : memref<16x1024xf32, #tpu.memory_space<vmem>>, vector<1x16xf32>,
        %get3A_816 = arith.index_cast %scan3A_154 : i32 to index
        %get3A_817 = arith.constant 624 : index
        %get3A_818 = tpu.vector_load %arg10[%get3A_816, %get3A_817] {strides = array<i32>} : memref<16x1024xf32, #tpu.memory_space<vmem>>, vector<1x16xf32>,
        %get3A_819 = vector.shape_cast %get3A_818 : vector<1x16xf32> to vector<16xf32>
        %mul3A_820 = arith.constant 3.200000e+01 : f32
        %mul3A_821 = vector.broadcast %mul3A_820 : f32 to vector<16xf32>
        %mul3A_822 = arith.mulf %get3A_819, %mul3A_821 : vector<16xf32>
        %get3A_823 = arith.index_cast %scan3A_154 : i32 to index
        %get3A_824 = arith.constant 624 : index
        %get3A_825 = tpu.vector_load %arg12[%get3A_823, %get3A_824] {strides = array<i32>} : memref<16x1024xf32, #tpu.memory_space<vmem>>, vector<1x16xf32>,
        %get3A_826 = vector.shape_cast %get3A_825 : vector<1x16xf32> to vector<16xf32>
        %add3A_827 = arith.addf %mul3A_822, %get3A_826 : vector<16xf32>
        %swap3A_828 = arith.index_cast %scan3A_154 : i32 to index
        %swap3A_829 = arith.constant 624 : index
        %swap3A_830 = tpu.vector_load %arg14[%swap3A_828, %swap3A_829] {strides = array<i32>} : memref<16x1024xf32, #tpu.memory_space<vmem>>, vector<1x16xf32>,
        %swap3A_831 = vector.shape_cast %swap3A_830 : vector<1x16xf32> to vector<16xf32>
        %swap3A_832 = vector.shape_cast %add3A_827 : vector<16xf32> to vector<1x16xf32>
        tpu.vector_store %arg14[%swap3A_828, %swap3A_829], %swap3A_832 {strides = array<i32>} : memref<16x1024xf32, #tpu.memory_space<vmem>>, vector<1x16xf32>,
        %get3A_833 = arith.index_cast %scan3A_154 : i32 to index
        %get3A_834 = arith.constant 640 : index
        %get3A_835 = tpu.vector_load %arg10[%get3A_833, %get3A_834] {strides = array<i32>} : memref<16x1024xf32, #tpu.memory_space<vmem>>, vector<1x16xf32>,
        %get3A_836 = vector.shape_cast %get3A_835 : vector<1x16xf32> to vector<16xf32>
        %mul3A_837 = arith.constant 3.200000e+01 : f32
        %mul3A_838 = vector.broadcast %mul3A_837 : f32 to vector<16xf32>
        %mul3A_839 = arith.mulf %get3A_836, %mul3A_838 : vector<16xf32>
        %get3A_840 = arith.index_cast %scan3A_154 : i32 to index
        %get3A_841 = arith.constant 640 : index
        %get3A_842 = tpu.vector_load %arg12[%get3A_840, %get3A_841] {strides = array<i32>} : memref<16x1024xf32, #tpu.memory_space<vmem>>, vector<1x16xf32>,
        %get3A_843 = vector.shape_cast %get3A_842 : vector<1x16xf32> to vector<16xf32>
        %add3A_844 = arith.addf %mul3A_839, %get3A_843 : vector<16xf32>
        %swap3A_845 = arith.index_cast %scan3A_154 : i32 to index
        %swap3A_846 = arith.constant 640 : index
        %swap3A_847 = tpu.vector_load %arg14[%swap3A_845, %swap3A_846] {strides = array<i32>} : memref<16x1024xf32, #tpu.memory_space<vmem>>, vector<1x16xf32>,
        %swap3A_848 = vector.shape_cast %swap3A_847 : vector<1x16xf32> to vector<16xf32>
        %swap3A_849 = vector.shape_cast %add3A_844 : vector<16xf32> to vector<1x16xf32>
        tpu.vector_store %arg14[%swap3A_845, %swap3A_846], %swap3A_849 {strides = array<i32>} : memref<16x1024xf32, #tpu.memory_space<vmem>>, vector<1x16xf32>,
        %get3A_850 = arith.index_cast %scan3A_154 : i32 to index
        %get3A_851 = arith.constant 656 : index
        %get3A_852 = tpu.vector_load %arg10[%get3A_850, %get3A_851] {strides = array<i32>} : memref<16x1024xf32, #tpu.memory_space<vmem>>, vector<1x16xf32>,
        %get3A_853 = vector.shape_cast %get3A_852 : vector<1x16xf32> to vector<16xf32>
        %mul3A_854 = arith.constant 3.200000e+01 : f32
        %mul3A_855 = vector.broadcast %mul3A_854 : f32 to vector<16xf32>
        %mul3A_856 = arith.mulf %get3A_853, %mul3A_855 : vector<16xf32>
        %get3A_857 = arith.index_cast %scan3A_154 : i32 to index
        %get3A_858 = arith.constant 656 : index
        %get3A_859 = tpu.vector_load %arg12[%get3A_857, %get3A_858] {strides = array<i32>} : memref<16x1024xf32, #tpu.memory_space<vmem>>, vector<1x16xf32>,
        %get3A_860 = vector.shape_cast %get3A_859 : vector<1x16xf32> to vector<16xf32>
        %add3A_861 = arith.addf %mul3A_856, %get3A_860 : vector<16xf32>
        %swap3A_862 = arith.index_cast %scan3A_154 : i32 to index
        %swap3A_863 = arith.constant 656 : index
        %swap3A_864 = tpu.vector_load %arg14[%swap3A_862, %swap3A_863] {strides = array<i32>} : memref<16x1024xf32, #tpu.memory_space<vmem>>, vector<1x16xf32>,
        %swap3A_865 = vector.shape_cast %swap3A_864 : vector<1x16xf32> to vector<16xf32>
        %swap3A_866 = vector.shape_cast %add3A_861 : vector<16xf32> to vector<1x16xf32>
        tpu.vector_store %arg14[%swap3A_862, %swap3A_863], %swap3A_866 {strides = array<i32>} : memref<16x1024xf32, #tpu.memory_space<vmem>>, vector<1x16xf32>,
        %get3A_867 = arith.index_cast %scan3A_154 : i32 to index
        %get3A_868 = arith.constant 672 : index
        %get3A_869 = tpu.vector_load %arg10[%get3A_867, %get3A_868] {strides = array<i32>} : memref<16x1024xf32, #tpu.memory_space<vmem>>, vector<1x16xf32>,
        %get3A_870 = vector.shape_cast %get3A_869 : vector<1x16xf32> to vector<16xf32>
        %mul3A_871 = arith.constant 3.200000e+01 : f32
        %mul3A_872 = vector.broadcast %mul3A_871 : f32 to vector<16xf32>
        %mul3A_873 = arith.mulf %get3A_870, %mul3A_872 : vector<16xf32>
        %get3A_874 = arith.index_cast %scan3A_154 : i32 to index
        %get3A_875 = arith.constant 672 : index
        %get3A_876 = tpu.vector_load %arg12[%get3A_874, %get3A_875] {strides = array<i32>} : memref<16x1024xf32, #tpu.memory_space<vmem>>, vector<1x16xf32>,
        %get3A_877 = vector.shape_cast %get3A_876 : vector<1x16xf32> to vector<16xf32>
        %add3A_878 = arith.addf %mul3A_873, %get3A_877 : vector<16xf32>
        %swap3A_879 = arith.index_cast %scan3A_154 : i32 to index
        %swap3A_880 = arith.constant 672 : index
        %swap3A_881 = tpu.vector_load %arg14[%swap3A_879, %swap3A_880] {strides = array<i32>} : memref<16x1024xf32, #tpu.memory_space<vmem>>, vector<1x16xf32>,
        %swap3A_882 = vector.shape_cast %swap3A_881 : vector<1x16xf32> to vector<16xf32>
        %swap3A_883 = vector.shape_cast %add3A_878 : vector<16xf32> to vector<1x16xf32>
        tpu.vector_store %arg14[%swap3A_879, %swap3A_880], %swap3A_883 {strides = array<i32>} : memref<16x1024xf32, #tpu.memory_space<vmem>>, vector<1x16xf32>,
        %get3A_884 = arith.index_cast %scan3A_154 : i32 to index
        %get3A_885 = arith.constant 688 : index
        %get3A_886 = tpu.vector_load %arg10[%get3A_884, %get3A_885] {strides = array<i32>} : memref<16x1024xf32, #tpu.memory_space<vmem>>, vector<1x16xf32>,
        %get3A_887 = vector.shape_cast %get3A_886 : vector<1x16xf32> to vector<16xf32>
        %mul3A_888 = arith.constant 3.200000e+01 : f32
        %mul3A_889 = vector.broadcast %mul3A_888 : f32 to vector<16xf32>
        %mul3A_890 = arith.mulf %get3A_887, %mul3A_889 : vector<16xf32>
        %get3A_891 = arith.index_cast %scan3A_154 : i32 to index
        %get3A_892 = arith.constant 688 : index
        %get3A_893 = tpu.vector_load %arg12[%get3A_891, %get3A_892] {strides = array<i32>} : memref<16x1024xf32, #tpu.memory_space<vmem>>, vector<1x16xf32>,
        %get3A_894 = vector.shape_cast %get3A_893 : vector<1x16xf32> to vector<16xf32>
        %add3A_895 = arith.addf %mul3A_890, %get3A_894 : vector<16xf32>
        %swap3A_896 = arith.index_cast %scan3A_154 : i32 to index
        %swap3A_897 = arith.constant 688 : index
        %swap3A_898 = tpu.vector_load %arg14[%swap3A_896, %swap3A_897] {strides = array<i32>} : memref<16x1024xf32, #tpu.memory_space<vmem>>, vector<1x16xf32>,
        %swap3A_899 = vector.shape_cast %swap3A_898 : vector<1x16xf32> to vector<16xf32>
        %swap3A_900 = vector.shape_cast %add3A_895 : vector<16xf32> to vector<1x16xf32>
        tpu.vector_store %arg14[%swap3A_896, %swap3A_897], %swap3A_900 {strides = array<i32>} : memref<16x1024xf32, #tpu.memory_space<vmem>>, vector<1x16xf32>,
        %get3A_901 = arith.index_cast %scan3A_154 : i32 to index
        %get3A_902 = arith.constant 704 : index
        %get3A_903 = tpu.vector_load %arg10[%get3A_901, %get3A_902] {strides = array<i32>} : memref<16x1024xf32, #tpu.memory_space<vmem>>, vector<1x16xf32>,
        %get3A_904 = vector.shape_cast %get3A_903 : vector<1x16xf32> to vector<16xf32>
        %mul3A_905 = arith.constant 3.200000e+01 : f32
        %mul3A_906 = vector.broadcast %mul3A_905 : f32 to vector<16xf32>
        %mul3A_907 = arith.mulf %get3A_904, %mul3A_906 : vector<16xf32>
        %get3A_908 = arith.index_cast %scan3A_154 : i32 to index
        %get3A_909 = arith.constant 704 : index
        %get3A_910 = tpu.vector_load %arg12[%get3A_908, %get3A_909] {strides = array<i32>} : memref<16x1024xf32, #tpu.memory_space<vmem>>, vector<1x16xf32>,
        %get3A_911 = vector.shape_cast %get3A_910 : vector<1x16xf32> to vector<16xf32>
        %add3A_912 = arith.addf %mul3A_907, %get3A_911 : vector<16xf32>
        %swap3A_913 = arith.index_cast %scan3A_154 : i32 to index
        %swap3A_914 = arith.constant 704 : index
        %swap3A_915 = tpu.vector_load %arg14[%swap3A_913, %swap3A_914] {strides = array<i32>} : memref<16x1024xf32, #tpu.memory_space<vmem>>, vector<1x16xf32>,
        %swap3A_916 = vector.shape_cast %swap3A_915 : vector<1x16xf32> to vector<16xf32>
        %swap3A_917 = vector.shape_cast %add3A_912 : vector<16xf32> to vector<1x16xf32>
        tpu.vector_store %arg14[%swap3A_913, %swap3A_914], %swap3A_917 {strides = array<i32>} : memref<16x1024xf32, #tpu.memory_space<vmem>>, vector<1x16xf32>,
        %get3A_918 = arith.index_cast %scan3A_154 : i32 to index
        %get3A_919 = arith.constant 720 : index
        %get3A_920 = tpu.vector_load %arg10[%get3A_918, %get3A_919] {strides = array<i32>} : memref<16x1024xf32, #tpu.memory_space<vmem>>, vector<1x16xf32>,
        %get3A_921 = vector.shape_cast %get3A_920 : vector<1x16xf32> to vector<16xf32>
        %mul3A_922 = arith.constant 3.200000e+01 : f32
        %mul3A_923 = vector.broadcast %mul3A_922 : f32 to vector<16xf32>
        %mul3A_924 = arith.mulf %get3A_921, %mul3A_923 : vector<16xf32>
        %get3A_925 = arith.index_cast %scan3A_154 : i32 to index
        %get3A_926 = arith.constant 720 : index
        %get3A_927 = tpu.vector_load %arg12[%get3A_925, %get3A_926] {strides = array<i32>} : memref<16x1024xf32, #tpu.memory_space<vmem>>, vector<1x16xf32>,
        %get3A_928 = vector.shape_cast %get3A_927 : vector<1x16xf32> to vector<16xf32>
        %add3A_929 = arith.addf %mul3A_924, %get3A_928 : vector<16xf32>
        %swap3A_930 = arith.index_cast %scan3A_154 : i32 to index
        %swap3A_931 = arith.constant 720 : index
        %swap3A_932 = tpu.vector_load %arg14[%swap3A_930, %swap3A_931] {strides = array<i32>} : memref<16x1024xf32, #tpu.memory_space<vmem>>, vector<1x16xf32>,
        %swap3A_933 = vector.shape_cast %swap3A_932 : vector<1x16xf32> to vector<16xf32>
        %swap3A_934 = vector.shape_cast %add3A_929 : vector<16xf32> to vector<1x16xf32>
        tpu.vector_store %arg14[%swap3A_930, %swap3A_931], %swap3A_934 {strides = array<i32>} : memref<16x1024xf32, #tpu.memory_space<vmem>>, vector<1x16xf32>,
        %get3A_935 = arith.index_cast %scan3A_154 : i32 to index
        %get3A_936 = arith.constant 736 : index
        %get3A_937 = tpu.vector_load %arg10[%get3A_935, %get3A_936] {strides = array<i32>} : memref<16x1024xf32, #tpu.memory_space<vmem>>, vector<1x16xf32>,
        %get3A_938 = vector.shape_cast %get3A_937 : vector<1x16xf32> to vector<16xf32>
        %mul3A_939 = arith.constant 3.200000e+01 : f32
        %mul3A_940 = vector.broadcast %mul3A_939 : f32 to vector<16xf32>
        %mul3A_941 = arith.mulf %get3A_938, %mul3A_940 : vector<16xf32>
        %get3A_942 = arith.index_cast %scan3A_154 : i32 to index
        %get3A_943 = arith.constant 736 : index
        %get3A_944 = tpu.vector_load %arg12[%get3A_942, %get3A_943] {strides = array<i32>} : memref<16x1024xf32, #tpu.memory_space<vmem>>, vector<1x16xf32>,
        %get3A_945 = vector.shape_cast %get3A_944 : vector<1x16xf32> to vector<16xf32>
        %add3A_946 = arith.addf %mul3A_941, %get3A_945 : vector<16xf32>
        %swap3A_947 = arith.index_cast %scan3A_154 : i32 to index
        %swap3A_948 = arith.constant 736 : index
        %swap3A_949 = tpu.vector_load %arg14[%swap3A_947, %swap3A_948] {strides = array<i32>} : memref<16x1024xf32, #tpu.memory_space<vmem>>, vector<1x16xf32>,
        %swap3A_950 = vector.shape_cast %swap3A_949 : vector<1x16xf32> to vector<16xf32>
        %swap3A_951 = vector.shape_cast %add3A_946 : vector<16xf32> to vector<1x16xf32>
        tpu.vector_store %arg14[%swap3A_947, %swap3A_948], %swap3A_951 {strides = array<i32>} : memref<16x1024xf32, #tpu.memory_space<vmem>>, vector<1x16xf32>,
        %get3A_952 = arith.index_cast %scan3A_154 : i32 to index
        %get3A_953 = arith.constant 752 : index
        %get3A_954 = tpu.vector_load %arg10[%get3A_952, %get3A_953] {strides = array<i32>} : memref<16x1024xf32, #tpu.memory_space<vmem>>, vector<1x16xf32>,
        %get3A_955 = vector.shape_cast %get3A_954 : vector<1x16xf32> to vector<16xf32>
        %mul3A_956 = arith.constant 3.200000e+01 : f32
        %mul3A_957 = vector.broadcast %mul3A_956 : f32 to vector<16xf32>
        %mul3A_958 = arith.mulf %get3A_955, %mul3A_957 : vector<16xf32>
        %get3A_959 = arith.index_cast %scan3A_154 : i32 to index
        %get3A_960 = arith.constant 752 : index
        %get3A_961 = tpu.vector_load %arg12[%get3A_959, %get3A_960] {strides = array<i32>} : memref<16x1024xf32, #tpu.memory_space<vmem>>, vector<1x16xf32>,
        %get3A_962 = vector.shape_cast %get3A_961 : vector<1x16xf32> to vector<16xf32>
        %add3A_963 = arith.addf %mul3A_958, %get3A_962 : vector<16xf32>
        %swap3A_964 = arith.index_cast %scan3A_154 : i32 to index
        %swap3A_965 = arith.constant 752 : index
        %swap3A_966 = tpu.vector_load %arg14[%swap3A_964, %swap3A_965] {strides = array<i32>} : memref<16x1024xf32, #tpu.memory_space<vmem>>, vector<1x16xf32>,
        %swap3A_967 = vector.shape_cast %swap3A_966 : vector<1x16xf32> to vector<16xf32>
        %swap3A_968 = vector.shape_cast %add3A_963 : vector<16xf32> to vector<1x16xf32>
        tpu.vector_store %arg14[%swap3A_964, %swap3A_965], %swap3A_968 {strides = array<i32>} : memref<16x1024xf32, #tpu.memory_space<vmem>>, vector<1x16xf32>,
        %get3A_969 = arith.index_cast %scan3A_154 : i32 to index
        %get3A_970 = arith.constant 768 : index
        %get3A_971 = tpu.vector_load %arg10[%get3A_969, %get3A_970] {strides = array<i32>} : memref<16x1024xf32, #tpu.memory_space<vmem>>, vector<1x16xf32>,
        %get3A_972 = vector.shape_cast %get3A_971 : vector<1x16xf32> to vector<16xf32>
        %mul3A_973 = arith.constant 3.200000e+01 : f32
        %mul3A_974 = vector.broadcast %mul3A_973 : f32 to vector<16xf32>
        %mul3A_975 = arith.mulf %get3A_972, %mul3A_974 : vector<16xf32>
        %get3A_976 = arith.index_cast %scan3A_154 : i32 to index
        %get3A_977 = arith.constant 768 : index
        %get3A_978 = tpu.vector_load %arg12[%get3A_976, %get3A_977] {strides = array<i32>} : memref<16x1024xf32, #tpu.memory_space<vmem>>, vector<1x16xf32>,
        %get3A_979 = vector.shape_cast %get3A_978 : vector<1x16xf32> to vector<16xf32>
        %add3A_980 = arith.addf %mul3A_975, %get3A_979 : vector<16xf32>
        %swap3A_981 = arith.index_cast %scan3A_154 : i32 to index
        %swap3A_982 = arith.constant 768 : index
        %swap3A_983 = tpu.vector_load %arg14[%swap3A_981, %swap3A_982] {strides = array<i32>} : memref<16x1024xf32, #tpu.memory_space<vmem>>, vector<1x16xf32>,
        %swap3A_984 = vector.shape_cast %swap3A_983 : vector<1x16xf32> to vector<16xf32>
        %swap3A_985 = vector.shape_cast %add3A_980 : vector<16xf32> to vector<1x16xf32>
        tpu.vector_store %arg14[%swap3A_981, %swap3A_982], %swap3A_985 {strides = array<i32>} : memref<16x1024xf32, #tpu.memory_space<vmem>>, vector<1x16xf32>,
        %get3A_986 = arith.index_cast %scan3A_154 : i32 to index
        %get3A_987 = arith.constant 784 : index
        %get3A_988 = tpu.vector_load %arg10[%get3A_986, %get3A_987] {strides = array<i32>} : memref<16x1024xf32, #tpu.memory_space<vmem>>, vector<1x16xf32>,
        %get3A_989 = vector.shape_cast %get3A_988 : vector<1x16xf32> to vector<16xf32>
        %mul3A_990 = arith.constant 3.200000e+01 : f32
        %mul3A_991 = vector.broadcast %mul3A_990 : f32 to vector<16xf32>
        %mul3A_992 = arith.mulf %get3A_989, %mul3A_991 : vector<16xf32>
        %get3A_993 = arith.index_cast %scan3A_154 : i32 to index
        %get3A_994 = arith.constant 784 : index
        %get3A_995 = tpu.vector_load %arg12[%get3A_993, %get3A_994] {strides = array<i32>} : memref<16x1024xf32, #tpu.memory_space<vmem>>, vector<1x16xf32>,
        %get3A_996 = vector.shape_cast %get3A_995 : vector<1x16xf32> to vector<16xf32>
        %add3A_997 = arith.addf %mul3A_992, %get3A_996 : vector<16xf32>
        %swap3A_998 = arith.index_cast %scan3A_154 : i32 to index
        %swap3A_999 = arith.constant 784 : index
        %swap3A_1000 = tpu.vector_load %arg14[%swap3A_998, %swap3A_999] {strides = array<i32>} : memref<16x1024xf32, #tpu.memory_space<vmem>>, vector<1x16xf32>,
        %swap3A_1001 = vector.shape_cast %swap3A_1000 : vector<1x16xf32> to vector<16xf32>
        %swap3A_1002 = vector.shape_cast %add3A_997 : vector<16xf32> to vector<1x16xf32>
        tpu.vector_store %arg14[%swap3A_998, %swap3A_999], %swap3A_1002 {strides = array<i32>} : memref<16x1024xf32, #tpu.memory_space<vmem>>, vector<1x16xf32>,
        %get3A_1003 = arith.index_cast %scan3A_154 : i32 to index
        %get3A_1004 = arith.constant 800 : index
        %get3A_1005 = tpu.vector_load %arg10[%get3A_1003, %get3A_1004] {strides = array<i32>} : memref<16x1024xf32, #tpu.memory_space<vmem>>, vector<1x16xf32>,
        %get3A_1006 = vector.shape_cast %get3A_1005 : vector<1x16xf32> to vector<16xf32>
        %mul3A_1007 = arith.constant 3.200000e+01 : f32
        %mul3A_1008 = vector.broadcast %mul3A_1007 : f32 to vector<16xf32>
        %mul3A_1009 = arith.mulf %get3A_1006, %mul3A_1008 : vector<16xf32>
        %get3A_1010 = arith.index_cast %scan3A_154 : i32 to index
        %get3A_1011 = arith.constant 800 : index
        %get3A_1012 = tpu.vector_load %arg12[%get3A_1010, %get3A_1011] {strides = array<i32>} : memref<16x1024xf32, #tpu.memory_space<vmem>>, vector<1x16xf32>,
        %get3A_1013 = vector.shape_cast %get3A_1012 : vector<1x16xf32> to vector<16xf32>
        %add3A_1014 = arith.addf %mul3A_1009, %get3A_1013 : vector<16xf32>
        %swap3A_1015 = arith.index_cast %scan3A_154 : i32 to index
        %swap3A_1016 = arith.constant 800 : index
        %swap3A_1017 = tpu.vector_load %arg14[%swap3A_1015, %swap3A_1016] {strides = array<i32>} : memref<16x1024xf32, #tpu.memory_space<vmem>>, vector<1x16xf32>,
        %swap3A_1018 = vector.shape_cast %swap3A_1017 : vector<1x16xf32> to vector<16xf32>
        %swap3A_1019 = vector.shape_cast %add3A_1014 : vector<16xf32> to vector<1x16xf32>
        tpu.vector_store %arg14[%swap3A_1015, %swap3A_1016], %swap3A_1019 {strides = array<i32>} : memref<16x1024xf32, #tpu.memory_space<vmem>>, vector<1x16xf32>,
        %get3A_1020 = arith.index_cast %scan3A_154 : i32 to index
        %get3A_1021 = arith.constant 816 : index
        %get3A_1022 = tpu.vector_load %arg10[%get3A_1020, %get3A_1021] {strides = array<i32>} : memref<16x1024xf32, #tpu.memory_space<vmem>>, vector<1x16xf32>,
        %get3A_1023 = vector.shape_cast %get3A_1022 : vector<1x16xf32> to vector<16xf32>
        %mul3A_1024 = arith.constant 3.200000e+01 : f32
        %mul3A_1025 = vector.broadcast %mul3A_1024 : f32 to vector<16xf32>
        %mul3A_1026 = arith.mulf %get3A_1023, %mul3A_1025 : vector<16xf32>
        %get3A_1027 = arith.index_cast %scan3A_154 : i32 to index
        %get3A_1028 = arith.constant 816 : index
        %get3A_1029 = tpu.vector_load %arg12[%get3A_1027, %get3A_1028] {strides = array<i32>} : memref<16x1024xf32, #tpu.memory_space<vmem>>, vector<1x16xf32>,
        %get3A_1030 = vector.shape_cast %get3A_1029 : vector<1x16xf32> to vector<16xf32>
        %add3A_1031 = arith.addf %mul3A_1026, %get3A_1030 : vector<16xf32>
        %swap3A_1032 = arith.index_cast %scan3A_154 : i32 to index
        %swap3A_1033 = arith.constant 816 : index
        %swap3A_1034 = tpu.vector_load %arg14[%swap3A_1032, %swap3A_1033] {strides = array<i32>} : memref<16x1024xf32, #tpu.memory_space<vmem>>, vector<1x16xf32>,
        %swap3A_1035 = vector.shape_cast %swap3A_1034 : vector<1x16xf32> to vector<16xf32>
        %swap3A_1036 = vector.shape_cast %add3A_1031 : vector<16xf32> to vector<1x16xf32>
        tpu.vector_store %arg14[%swap3A_1032, %swap3A_1033], %swap3A_1036 {strides = array<i32>} : memref<16x1024xf32, #tpu.memory_space<vmem>>, vector<1x16xf32>,
        %get3A_1037 = arith.index_cast %scan3A_154 : i32 to index
        %get3A_1038 = arith.constant 832 : index
        %get3A_1039 = tpu.vector_load %arg10[%get3A_1037, %get3A_1038] {strides = array<i32>} : memref<16x1024xf32, #tpu.memory_space<vmem>>, vector<1x16xf32>,
        %get3A_1040 = vector.shape_cast %get3A_1039 : vector<1x16xf32> to vector<16xf32>
        %mul3A_1041 = arith.constant 3.200000e+01 : f32
        %mul3A_1042 = vector.broadcast %mul3A_1041 : f32 to vector<16xf32>
        %mul3A_1043 = arith.mulf %get3A_1040, %mul3A_1042 : vector<16xf32>
        %get3A_1044 = arith.index_cast %scan3A_154 : i32 to index
        %get3A_1045 = arith.constant 832 : index
        %get3A_1046 = tpu.vector_load %arg12[%get3A_1044, %get3A_1045] {strides = array<i32>} : memref<16x1024xf32, #tpu.memory_space<vmem>>, vector<1x16xf32>,
        %get3A_1047 = vector.shape_cast %get3A_1046 : vector<1x16xf32> to vector<16xf32>
        %add3A_1048 = arith.addf %mul3A_1043, %get3A_1047 : vector<16xf32>
        %swap3A_1049 = arith.index_cast %scan3A_154 : i32 to index
        %swap3A_1050 = arith.constant 832 : index
        %swap3A_1051 = tpu.vector_load %arg14[%swap3A_1049, %swap3A_1050] {strides = array<i32>} : memref<16x1024xf32, #tpu.memory_space<vmem>>, vector<1x16xf32>,
        %swap3A_1052 = vector.shape_cast %swap3A_1051 : vector<1x16xf32> to vector<16xf32>
        %swap3A_1053 = vector.shape_cast %add3A_1048 : vector<16xf32> to vector<1x16xf32>
        tpu.vector_store %arg14[%swap3A_1049, %swap3A_1050], %swap3A_1053 {strides = array<i32>} : memref<16x1024xf32, #tpu.memory_space<vmem>>, vector<1x16xf32>,
        %get3A_1054 = arith.index_cast %scan3A_154 : i32 to index
        %get3A_1055 = arith.constant 848 : index
        %get3A_1056 = tpu.vector_load %arg10[%get3A_1054, %get3A_1055] {strides = array<i32>} : memref<16x1024xf32, #tpu.memory_space<vmem>>, vector<1x16xf32>,
        %get3A_1057 = vector.shape_cast %get3A_1056 : vector<1x16xf32> to vector<16xf32>
        %mul3A_1058 = arith.constant 3.200000e+01 : f32
        %mul3A_1059 = vector.broadcast %mul3A_1058 : f32 to vector<16xf32>
        %mul3A_1060 = arith.mulf %get3A_1057, %mul3A_1059 : vector<16xf32>
        %get3A_1061 = arith.index_cast %scan3A_154 : i32 to index
        %get3A_1062 = arith.constant 848 : index
        %get3A_1063 = tpu.vector_load %arg12[%get3A_1061, %get3A_1062] {strides = array<i32>} : memref<16x1024xf32, #tpu.memory_space<vmem>>, vector<1x16xf32>,
        %get3A_1064 = vector.shape_cast %get3A_1063 : vector<1x16xf32> to vector<16xf32>
        %add3A_1065 = arith.addf %mul3A_1060, %get3A_1064 : vector<16xf32>
        %swap3A_1066 = arith.index_cast %scan3A_154 : i32 to index
        %swap3A_1067 = arith.constant 848 : index
        %swap3A_1068 = tpu.vector_load %arg14[%swap3A_1066, %swap3A_1067] {strides = array<i32>} : memref<16x1024xf32, #tpu.memory_space<vmem>>, vector<1x16xf32>,
        %swap3A_1069 = vector.shape_cast %swap3A_1068 : vector<1x16xf32> to vector<16xf32>
        %swap3A_1070 = vector.shape_cast %add3A_1065 : vector<16xf32> to vector<1x16xf32>
        tpu.vector_store %arg14[%swap3A_1066, %swap3A_1067], %swap3A_1070 {strides = array<i32>} : memref<16x1024xf32, #tpu.memory_space<vmem>>, vector<1x16xf32>,
        %get3A_1071 = arith.index_cast %scan3A_154 : i32 to index
        %get3A_1072 = arith.constant 864 : index
        %get3A_1073 = tpu.vector_load %arg10[%get3A_1071, %get3A_1072] {strides = array<i32>} : memref<16x1024xf32, #tpu.memory_space<vmem>>, vector<1x16xf32>,
        %get3A_1074 = vector.shape_cast %get3A_1073 : vector<1x16xf32> to vector<16xf32>
        %mul3A_1075 = arith.constant 3.200000e+01 : f32
        %mul3A_1076 = vector.broadcast %mul3A_1075 : f32 to vector<16xf32>
        %mul3A_1077 = arith.mulf %get3A_1074, %mul3A_1076 : vector<16xf32>
        %get3A_1078 = arith.index_cast %scan3A_154 : i32 to index
        %get3A_1079 = arith.constant 864 : index
        %get3A_1080 = tpu.vector_load %arg12[%get3A_1078, %get3A_1079] {strides = array<i32>} : memref<16x1024xf32, #tpu.memory_space<vmem>>, vector<1x16xf32>,
        %get3A_1081 = vector.shape_cast %get3A_1080 : vector<1x16xf32> to vector<16xf32>
        %add3A_1082 = arith.addf %mul3A_1077, %get3A_1081 : vector<16xf32>
        %swap3A_1083 = arith.index_cast %scan3A_154 : i32 to index
        %swap3A_1084 = arith.constant 864 : index
        %swap3A_1085 = tpu.vector_load %arg14[%swap3A_1083, %swap3A_1084] {strides = array<i32>} : memref<16x1024xf32, #tpu.memory_space<vmem>>, vector<1x16xf32>,
        %swap3A_1086 = vector.shape_cast %swap3A_1085 : vector<1x16xf32> to vector<16xf32>
        %swap3A_1087 = vector.shape_cast %add3A_1082 : vector<16xf32> to vector<1x16xf32>
        tpu.vector_store %arg14[%swap3A_1083, %swap3A_1084], %swap3A_1087 {strides = array<i32>} : memref<16x1024xf32, #tpu.memory_space<vmem>>, vector<1x16xf32>,
        %get3A_1088 = arith.index_cast %scan3A_154 : i32 to index
        %get3A_1089 = arith.constant 880 : index
        %get3A_1090 = tpu.vector_load %arg10[%get3A_1088, %get3A_1089] {strides = array<i32>} : memref<16x1024xf32, #tpu.memory_space<vmem>>, vector<1x16xf32>,
        %get3A_1091 = vector.shape_cast %get3A_1090 : vector<1x16xf32> to vector<16xf32>
        %mul3A_1092 = arith.constant 3.200000e+01 : f32
        %mul3A_1093 = vector.broadcast %mul3A_1092 : f32 to vector<16xf32>
        %mul3A_1094 = arith.mulf %get3A_1091, %mul3A_1093 : vector<16xf32>
        %get3A_1095 = arith.index_cast %scan3A_154 : i32 to index
        %get3A_1096 = arith.constant 880 : index
        %get3A_1097 = tpu.vector_load %arg12[%get3A_1095, %get3A_1096] {strides = array<i32>} : memref<16x1024xf32, #tpu.memory_space<vmem>>, vector<1x16xf32>,
        %get3A_1098 = vector.shape_cast %get3A_1097 : vector<1x16xf32> to vector<16xf32>
        %add3A_1099 = arith.addf %mul3A_1094, %get3A_1098 : vector<16xf32>
        %swap3A_1100 = arith.index_cast %scan3A_154 : i32 to index
        %swap3A_1101 = arith.constant 880 : index
        %swap3A_1102 = tpu.vector_load %arg14[%swap3A_1100, %swap3A_1101] {strides = array<i32>} : memref<16x1024xf32, #tpu.memory_space<vmem>>, vector<1x16xf32>,
        %swap3A_1103 = vector.shape_cast %swap3A_1102 : vector<1x16xf32> to vector<16xf32>
        %swap3A_1104 = vector.shape_cast %add3A_1099 : vector<16xf32> to vector<1x16xf32>
        tpu.vector_store %arg14[%swap3A_1100, %swap3A_1101], %swap3A_1104 {strides = array<i32>} : memref<16x1024xf32, #tpu.memory_space<vmem>>, vector<1x16xf32>,
        %get3A_1105 = arith.index_cast %scan3A_154 : i32 to index
        %get3A_1106 = arith.constant 896 : index
        %get3A_1107 = tpu.vector_load %arg10[%get3A_1105, %get3A_1106] {strides = array<i32>} : memref<16x1024xf32, #tpu.memory_space<vmem>>, vector<1x16xf32>,
        %get3A_1108 = vector.shape_cast %get3A_1107 : vector<1x16xf32> to vector<16xf32>
        %mul3A_1109 = arith.constant 3.200000e+01 : f32
        %mul3A_1110 = vector.broadcast %mul3A_1109 : f32 to vector<16xf32>
        %mul3A_1111 = arith.mulf %get3A_1108, %mul3A_1110 : vector<16xf32>
        %get3A_1112 = arith.index_cast %scan3A_154 : i32 to index
        %get3A_1113 = arith.constant 896 : index
        %get3A_1114 = tpu.vector_load %arg12[%get3A_1112, %get3A_1113] {strides = array<i32>} : memref<16x1024xf32, #tpu.memory_space<vmem>>, vector<1x16xf32>,
        %get3A_1115 = vector.shape_cast %get3A_1114 : vector<1x16xf32> to vector<16xf32>
        %add3A_1116 = arith.addf %mul3A_1111, %get3A_1115 : vector<16xf32>
        %swap3A_1117 = arith.index_cast %scan3A_154 : i32 to index
        %swap3A_1118 = arith.constant 896 : index
        %swap3A_1119 = tpu.vector_load %arg14[%swap3A_1117, %swap3A_1118] {strides = array<i32>} : memref<16x1024xf32, #tpu.memory_space<vmem>>, vector<1x16xf32>,
        %swap3A_1120 = vector.shape_cast %swap3A_1119 : vector<1x16xf32> to vector<16xf32>
        %swap3A_1121 = vector.shape_cast %add3A_1116 : vector<16xf32> to vector<1x16xf32>
        tpu.vector_store %arg14[%swap3A_1117, %swap3A_1118], %swap3A_1121 {strides = array<i32>} : memref<16x1024xf32, #tpu.memory_space<vmem>>, vector<1x16xf32>,
        %get3A_1122 = arith.index_cast %scan3A_154 : i32 to index
        %get3A_1123 = arith.constant 912 : index
        %get3A_1124 = tpu.vector_load %arg10[%get3A_1122, %get3A_1123] {strides = array<i32>} : memref<16x1024xf32, #tpu.memory_space<vmem>>, vector<1x16xf32>,
        %get3A_1125 = vector.shape_cast %get3A_1124 : vector<1x16xf32> to vector<16xf32>
        %mul3A_1126 = arith.constant 3.200000e+01 : f32
        %mul3A_1127 = vector.broadcast %mul3A_1126 : f32 to vector<16xf32>
        %mul3A_1128 = arith.mulf %get3A_1125, %mul3A_1127 : vector<16xf32>
        %get3A_1129 = arith.index_cast %scan3A_154 : i32 to index
        %get3A_1130 = arith.constant 912 : index
        %get3A_1131 = tpu.vector_load %arg12[%get3A_1129, %get3A_1130] {strides = array<i32>} : memref<16x1024xf32, #tpu.memory_space<vmem>>, vector<1x16xf32>,
        %get3A_1132 = vector.shape_cast %get3A_1131 : vector<1x16xf32> to vector<16xf32>
        %add3A_1133 = arith.addf %mul3A_1128, %get3A_1132 : vector<16xf32>
        %swap3A_1134 = arith.index_cast %scan3A_154 : i32 to index
        %swap3A_1135 = arith.constant 912 : index
        %swap3A_1136 = tpu.vector_load %arg14[%swap3A_1134, %swap3A_1135] {strides = array<i32>} : memref<16x1024xf32, #tpu.memory_space<vmem>>, vector<1x16xf32>,
        %swap3A_1137 = vector.shape_cast %swap3A_1136 : vector<1x16xf32> to vector<16xf32>
        %swap3A_1138 = vector.shape_cast %add3A_1133 : vector<16xf32> to vector<1x16xf32>
        tpu.vector_store %arg14[%swap3A_1134, %swap3A_1135], %swap3A_1138 {strides = array<i32>} : memref<16x1024xf32, #tpu.memory_space<vmem>>, vector<1x16xf32>,
        %get3A_1139 = arith.index_cast %scan3A_154 : i32 to index
        %get3A_1140 = arith.constant 928 : index
        %get3A_1141 = tpu.vector_load %arg10[%get3A_1139, %get3A_1140] {strides = array<i32>} : memref<16x1024xf32, #tpu.memory_space<vmem>>, vector<1x16xf32>,
        %get3A_1142 = vector.shape_cast %get3A_1141 : vector<1x16xf32> to vector<16xf32>
        %mul3A_1143 = arith.constant 3.200000e+01 : f32
        %mul3A_1144 = vector.broadcast %mul3A_1143 : f32 to vector<16xf32>
        %mul3A_1145 = arith.mulf %get3A_1142, %mul3A_1144 : vector<16xf32>
        %get3A_1146 = arith.index_cast %scan3A_154 : i32 to index
        %get3A_1147 = arith.constant 928 : index
        %get3A_1148 = tpu.vector_load %arg12[%get3A_1146, %get3A_1147] {strides = array<i32>} : memref<16x1024xf32, #tpu.memory_space<vmem>>, vector<1x16xf32>,
        %get3A_1149 = vector.shape_cast %get3A_1148 : vector<1x16xf32> to vector<16xf32>
        %add3A_1150 = arith.addf %mul3A_1145, %get3A_1149 : vector<16xf32>
        %swap3A_1151 = arith.index_cast %scan3A_154 : i32 to index
        %swap3A_1152 = arith.constant 928 : index
        %swap3A_1153 = tpu.vector_load %arg14[%swap3A_1151, %swap3A_1152] {strides = array<i32>} : memref<16x1024xf32, #tpu.memory_space<vmem>>, vector<1x16xf32>,
        %swap3A_1154 = vector.shape_cast %swap3A_1153 : vector<1x16xf32> to vector<16xf32>
        %swap3A_1155 = vector.shape_cast %add3A_1150 : vector<16xf32> to vector<1x16xf32>
        tpu.vector_store %arg14[%swap3A_1151, %swap3A_1152], %swap3A_1155 {strides = array<i32>} : memref<16x1024xf32, #tpu.memory_space<vmem>>, vector<1x16xf32>,
        %get3A_1156 = arith.index_cast %scan3A_154 : i32 to index
        %get3A_1157 = arith.constant 944 : index
        %get3A_1158 = tpu.vector_load %arg10[%get3A_1156, %get3A_1157] {strides = array<i32>} : memref<16x1024xf32, #tpu.memory_space<vmem>>, vector<1x16xf32>,
        %get3A_1159 = vector.shape_cast %get3A_1158 : vector<1x16xf32> to vector<16xf32>
        %mul3A_1160 = arith.constant 3.200000e+01 : f32
        %mul3A_1161 = vector.broadcast %mul3A_1160 : f32 to vector<16xf32>
        %mul3A_1162 = arith.mulf %get3A_1159, %mul3A_1161 : vector<16xf32>
        %get3A_1163 = arith.index_cast %scan3A_154 : i32 to index
        %get3A_1164 = arith.constant 944 : index
        %get3A_1165 = tpu.vector_load %arg12[%get3A_1163, %get3A_1164] {strides = array<i32>} : memref<16x1024xf32, #tpu.memory_space<vmem>>, vector<1x16xf32>,
        %get3A_1166 = vector.shape_cast %get3A_1165 : vector<1x16xf32> to vector<16xf32>
        %add3A_1167 = arith.addf %mul3A_1162, %get3A_1166 : vector<16xf32>
        %swap3A_1168 = arith.index_cast %scan3A_154 : i32 to index
        %swap3A_1169 = arith.constant 944 : index
        %swap3A_1170 = tpu.vector_load %arg14[%swap3A_1168, %swap3A_1169] {strides = array<i32>} : memref<16x1024xf32, #tpu.memory_space<vmem>>, vector<1x16xf32>,
        %swap3A_1171 = vector.shape_cast %swap3A_1170 : vector<1x16xf32> to vector<16xf32>
        %swap3A_1172 = vector.shape_cast %add3A_1167 : vector<16xf32> to vector<1x16xf32>
        tpu.vector_store %arg14[%swap3A_1168, %swap3A_1169], %swap3A_1172 {strides = array<i32>} : memref<16x1024xf32, #tpu.memory_space<vmem>>, vector<1x16xf32>,
        %get3A_1173 = arith.index_cast %scan3A_154 : i32 to index
        %get3A_1174 = arith.constant 960 : index
        %get3A_1175 = tpu.vector_load %arg10[%get3A_1173, %get3A_1174] {strides = array<i32>} : memref<16x1024xf32, #tpu.memory_space<vmem>>, vector<1x16xf32>,
        %get3A_1176 = vector.shape_cast %get3A_1175 : vector<1x16xf32> to vector<16xf32>
        %mul3A_1177 = arith.constant 3.200000e+01 : f32
        %mul3A_1178 = vector.broadcast %mul3A_1177 : f32 to vector<16xf32>
        %mul3A_1179 = arith.mulf %get3A_1176, %mul3A_1178 : vector<16xf32>
        %get3A_1180 = arith.index_cast %scan3A_154 : i32 to index
        %get3A_1181 = arith.constant 960 : index
        %get3A_1182 = tpu.vector_load %arg12[%get3A_1180, %get3A_1181] {strides = array<i32>} : memref<16x1024xf32, #tpu.memory_space<vmem>>, vector<1x16xf32>,
        %get3A_1183 = vector.shape_cast %get3A_1182 : vector<1x16xf32> to vector<16xf32>
        %add3A_1184 = arith.addf %mul3A_1179, %get3A_1183 : vector<16xf32>
        %swap3A_1185 = arith.index_cast %scan3A_154 : i32 to index
        %swap3A_1186 = arith.constant 960 : index
        %swap3A_1187 = tpu.vector_load %arg14[%swap3A_1185, %swap3A_1186] {strides = array<i32>} : memref<16x1024xf32, #tpu.memory_space<vmem>>, vector<1x16xf32>,
        %swap3A_1188 = vector.shape_cast %swap3A_1187 : vector<1x16xf32> to vector<16xf32>
        %swap3A_1189 = vector.shape_cast %add3A_1184 : vector<16xf32> to vector<1x16xf32>
        tpu.vector_store %arg14[%swap3A_1185, %swap3A_1186], %swap3A_1189 {strides = array<i32>} : memref<16x1024xf32, #tpu.memory_space<vmem>>, vector<1x16xf32>,
        %get3A_1190 = arith.index_cast %scan3A_154 : i32 to index
        %get3A_1191 = arith.constant 976 : index
        %get3A_1192 = tpu.vector_load %arg10[%get3A_1190, %get3A_1191] {strides = array<i32>} : memref<16x1024xf32, #tpu.memory_space<vmem>>, vector<1x16xf32>,
        %get3A_1193 = vector.shape_cast %get3A_1192 : vector<1x16xf32> to vector<16xf32>
        %mul3A_1194 = arith.constant 3.200000e+01 : f32
        %mul3A_1195 = vector.broadcast %mul3A_1194 : f32 to vector<16xf32>
        %mul3A_1196 = arith.mulf %get3A_1193, %mul3A_1195 : vector<16xf32>
        %get3A_1197 = arith.index_cast %scan3A_154 : i32 to index
        %get3A_1198 = arith.constant 976 : index
        %get3A_1199 = tpu.vector_load %arg12[%get3A_1197, %get3A_1198] {strides = array<i32>} : memref<16x1024xf32, #tpu.memory_space<vmem>>, vector<1x16xf32>,
        %get3A_1200 = vector.shape_cast %get3A_1199 : vector<1x16xf32> to vector<16xf32>
        %add3A_1201 = arith.addf %mul3A_1196, %get3A_1200 : vector<16xf32>
        %swap3A_1202 = arith.index_cast %scan3A_154 : i32 to index
        %swap3A_1203 = arith.constant 976 : index
        %swap3A_1204 = tpu.vector_load %arg14[%swap3A_1202, %swap3A_1203] {strides = array<i32>} : memref<16x1024xf32, #tpu.memory_space<vmem>>, vector<1x16xf32>,
        %swap3A_1205 = vector.shape_cast %swap3A_1204 : vector<1x16xf32> to vector<16xf32>
        %swap3A_1206 = vector.shape_cast %add3A_1201 : vector<16xf32> to vector<1x16xf32>
        tpu.vector_store %arg14[%swap3A_1202, %swap3A_1203], %swap3A_1206 {strides = array<i32>} : memref<16x1024xf32, #tpu.memory_space<vmem>>, vector<1x16xf32>,
        %get3A_1207 = arith.index_cast %scan3A_154 : i32 to index
        %get3A_1208 = arith.constant 992 : index
        %get3A_1209 = tpu.vector_load %arg10[%get3A_1207, %get3A_1208] {strides = array<i32>} : memref<16x1024xf32, #tpu.memory_space<vmem>>, vector<1x16xf32>,
        %get3A_1210 = vector.shape_cast %get3A_1209 : vector<1x16xf32> to vector<16xf32>
        %mul3A_1211 = arith.constant 3.200000e+01 : f32
        %mul3A_1212 = vector.broadcast %mul3A_1211 : f32 to vector<16xf32>
        %mul3A_1213 = arith.mulf %get3A_1210, %mul3A_1212 : vector<16xf32>
        %get3A_1214 = arith.index_cast %scan3A_154 : i32 to index
        %get3A_1215 = arith.constant 992 : index
        %get3A_1216 = tpu.vector_load %arg12[%get3A_1214, %get3A_1215] {strides = array<i32>} : memref<16x1024xf32, #tpu.memory_space<vmem>>, vector<1x16xf32>,
        %get3A_1217 = vector.shape_cast %get3A_1216 : vector<1x16xf32> to vector<16xf32>
        %add3A_1218 = arith.addf %mul3A_1213, %get3A_1217 : vector<16xf32>
        %swap3A_1219 = arith.index_cast %scan3A_154 : i32 to index
        %swap3A_1220 = arith.constant 992 : index
        %swap3A_1221 = tpu.vector_load %arg14[%swap3A_1219, %swap3A_1220] {strides = array<i32>} : memref<16x1024xf32, #tpu.memory_space<vmem>>, vector<1x16xf32>,
        %swap3A_1222 = vector.shape_cast %swap3A_1221 : vector<1x16xf32> to vector<16xf32>
        %swap3A_1223 = vector.shape_cast %add3A_1218 : vector<16xf32> to vector<1x16xf32>
        tpu.vector_store %arg14[%swap3A_1219, %swap3A_1220], %swap3A_1223 {strides = array<i32>} : memref<16x1024xf32, #tpu.memory_space<vmem>>, vector<1x16xf32>,
        %get3A_1224 = arith.index_cast %scan3A_154 : i32 to index
        %get3A_1225 = arith.constant 1008 : index
        %get3A_1226 = tpu.vector_load %arg10[%get3A_1224, %get3A_1225] {strides = array<i32>} : memref<16x1024xf32, #tpu.memory_space<vmem>>, vector<1x16xf32>,
        %get3A_1227 = vector.shape_cast %get3A_1226 : vector<1x16xf32> to vector<16xf32>
        %mul3A_1228 = arith.constant 3.200000e+01 : f32
        %mul3A_1229 = vector.broadcast %mul3A_1228 : f32 to vector<16xf32>
        %mul3A_1230 = arith.mulf %get3A_1227, %mul3A_1229 : vector<16xf32>
        %get3A_1231 = arith.index_cast %scan3A_154 : i32 to index
        %get3A_1232 = arith.constant 1008 : index
        %get3A_1233 = tpu.vector_load %arg12[%get3A_1231, %get3A_1232] {strides = array<i32>} : memref<16x1024xf32, #tpu.memory_space<vmem>>, vector<1x16xf32>,
        %get3A_1234 = vector.shape_cast %get3A_1233 : vector<1x16xf32> to vector<16xf32>
        %add3A_1235 = arith.addf %mul3A_1230, %get3A_1234 : vector<16xf32>
        %swap3A_1236 = arith.index_cast %scan3A_154 : i32 to index
        %swap3A_1237 = arith.constant 1008 : index
        %swap3A_1238 = tpu.vector_load %arg14[%swap3A_1236, %swap3A_1237] {strides = array<i32>} : memref<16x1024xf32, #tpu.memory_space<vmem>>, vector<1x16xf32>,
        %swap3A_1239 = vector.shape_cast %swap3A_1238 : vector<1x16xf32> to vector<16xf32>
        %swap3A_1240 = vector.shape_cast %add3A_1235 : vector<16xf32> to vector<1x16xf32>
        tpu.vector_store %arg14[%swap3A_1236, %swap3A_1237], %swap3A_1240 {strides = array<i32>} : memref<16x1024xf32, #tpu.memory_space<vmem>>, vector<1x16xf32>,
      }
      %scan3A_141 = arith.constant 16 : i32
      %mul3A_142 = arith.constant 16 : i32
      %mul3A_143 = arith.muli %add3A_120, %mul3A_142 : i32
      %add3A_144 = arith.addi %mul3A_2, %mul3A_143 : i32
      %dma_start3A_145 = arith.constant 0 : i32
      %dma_start3A_146 = tpu.memref_slice %arg6[%add3A_144, %dma_start3A_145] : memref<8192x1024xf32, #tpu.memory_space<hbm>> -> memref<16x1024xf32, #tpu.memory_space<hbm>>
      %dma_start3A_147 = arith.constant 0 : i32
      %dma_start3A_148 = tpu.memref_slice %arg6[%add3A_144, %dma_start3A_147] : memref<8192x1024xf32, #tpu.memory_space<hbm>> -> memref<16x1024xf32, #tpu.memory_space<hbm>>
      tpu.enqueue_dma source(%arg14 : memref<16x1024xf32, #tpu.memory_space<vmem>>) target(%dma_start3A_148 : memref<16x1024xf32, #tpu.memory_space<hbm>>) target_semaphore(%arg18 : memref<!tpu.dma_semaphore, #tpu.memory_space<semaphore_mem>>)
      %lt3A_149 = arith.constant 7 : i32
      %lt3A_150 = arith.cmpi slt, %scan3A_82, %lt3A_149 : i32
      %convert_element_type3A_151 = arith.extui %lt3A_150 : i1 to i32
      %cond3A_152 = arith.constant 0 : i32
      %cond3A_153 = arith.cmpi ne, %convert_element_type3A_151, %cond3A_152 : i32
      scf.if %cond3A_153 {
        %add3A_154 = arith.constant 2 : i32
        %add3A_155 = arith.addi %add3A_120, %add3A_154 : i32
        %mul3A_156 = arith.constant 16 : i32
        %mul3A_157 = arith.muli %add3A_155, %mul3A_156 : i32
        %dma_start3A_158 = tpu.memref_slice %arg7[%mul3A_157] : memref<256xi32, #tpu.memory_space<vmem>> -> memref<16xi32, #tpu.memory_space<vmem>>
        %dma_start3A_159 = arith.constant 0 : i32
        %dma_start3A_160 = arith.constant 0 : i32
        %dma_start3A_161 = tpu.memref_slice %arg4[%dma_start3A_159, %dma_start3A_160] : memref<250880x1024xf32, #tpu.memory_space<hbm>> -> memref<250880x1024xf32, #tpu.memory_space<hbm>>
        tpu.enqueue_indirect_dma source(%dma_start3A_161 : memref<250880x1024xf32, #tpu.memory_space<hbm>>) target(%arg10 : memref<16x1024xf32, #tpu.memory_space<vmem>>) offsets(%dma_start3A_158 : memref<16xi32, #tpu.memory_space<vmem>>) semaphore(%arg16 : memref<!tpu.dma_semaphore, #tpu.memory_space<semaphore_mem>>)
        %dma_start3A_162 = tpu.memref_slice %arg8[%mul3A_157] : memref<256xi32, #tpu.memory_space<vmem>> -> memref<16xi32, #tpu.memory_space<vmem>>
        %dma_start3A_163 = arith.constant 0 : i32
        %dma_start3A_164 = arith.constant 0 : i32
        %dma_start3A_165 = tpu.memref_slice %arg5[%dma_start3A_163, %dma_start3A_164] : memref<2050x1024xf32, #tpu.memory_space<hbm>> -> memref<2050x1024xf32, #tpu.memory_space<hbm>>
        tpu.enqueue_indirect_dma source(%dma_start3A_165 : memref<2050x1024xf32, #tpu.memory_space<hbm>>) target(%arg12 : memref<16x1024xf32, #tpu.memory_space<vmem>>) offsets(%dma_start3A_162 : memref<16xi32, #tpu.memory_space<vmem>>) semaphore(%arg16 : memref<!tpu.dma_semaphore, #tpu.memory_space<semaphore_mem>>)
      } else {
      }
    }
    %scan3A_73 = arith.constant 8 : i32
    %dma_wait3A_74 = arith.constant 0 : i32
    %dma_wait3A_75 = tpu.memref_slice %arg6[%mul3A_2, %dma_wait3A_74] : memref<8192x1024xf32, #tpu.memory_space<hbm>> -> memref<16x1024xf32, #tpu.memory_space<hbm>>
    %dma_wait3A_76 = arith.constant 0 : i32
    %dma_wait3A_77 = tpu.memref_slice %arg6[%mul3A_2, %dma_wait3A_76] : memref<8192x1024xf32, #tpu.memory_space<hbm>> -> memref<16x1024xf32, #tpu.memory_space<hbm>>
    tpu.wait_dma2 semaphore(%arg17 : memref<!tpu.dma_semaphore, #tpu.memory_space<semaphore_mem>>) src(%arg13 : memref<16x1024xf32, #tpu.memory_space<vmem>>) dst(%dma_wait3A_77 : memref<16x1024xf32, #tpu.memory_space<hbm>>)
    %dma_wait3A_78 = arith.constant 0 : i32
    %dma_wait3A_79 = tpu.memref_slice %arg6[%mul3A_2, %dma_wait3A_78] : memref<8192x1024xf32, #tpu.memory_space<hbm>> -> memref<16x1024xf32, #tpu.memory_space<hbm>>
    %dma_wait3A_80 = arith.constant 0 : i32
    %dma_wait3A_81 = tpu.memref_slice %arg6[%mul3A_2, %dma_wait3A_80] : memref<8192x1024xf32, #tpu.memory_space<hbm>> -> memref<16x1024xf32, #tpu.memory_space<hbm>>
    tpu.wait_dma2 semaphore(%arg18 : memref<!tpu.dma_semaphore, #tpu.memory_space<semaphore_mem>>) src(%arg14 : memref<16x1024xf32, #tpu.memory_space<vmem>>) dst(%dma_wait3A_81 : memref<16x1024xf32, #tpu.memory_space<hbm>>)
    return
  }
}

</mosaic_0001>

<sc_bundles>
// kernel: kernel.3.cloned.1.call-start
scs
__scs_entry_jumppad:
0x0: {  	(pc) =	sbr.rel $0x88, $3  }
0x1: {  	(tag) =	ssettag $0x0;
	lr =	simm.s32 $0x1  }
0x2: {  	[smem:$0x3F9D] =	sst lr;
	_ =	strace $0xD0000000  }
0x3: {  	_ = 	snop  }
0x4: {  	_ = 	snop  }
0x5: {  	_ = 	snop  }
0x6: {  	_ = 	snop  }
0x7: {  	_ = 	snop  }
__scs_overlays_trampoline_lowered:
0x8: {  	[smem:$0x3FAC] =	sst s0  }
0x9: {  	[smem:$0x3FAD] =	sst s1  }
0xa: {  	[smem:$0x3FAE] =	sst s2  }
0xb: {  	[smem:$0x3FAF] =	sst s3  }
0xc: {  	[smem:$0x3FB0] =	sst s4  }
0xd: {  	[smem:$0x3FB1] =	sst s5  }
0xe: {  	[smem:$0x3FB2] =	sst s6  }
0xf: {  	[smem:$0x3FB3] =	sst s7  }
0x10: {  	[smem:$0x3FB4] =	sst s8  }
0x11: {  	[smem:$0x3FB5] =	sst s9;
	s0 =	simm.s32 @!p0 $0x0  }
0x12: {  	s1 =	sld [smem:$0x3F9B];
	s0 =	simm.s32 @p0 $0x1  }
0x13: {  	[smem:$0x3FB6] =	sst s0;
	s0 =	simm.s32 @!p1 $0x0  }
0x14: {  	s2 =	sld [smem:$0x3F9A];
	s0 =	simm.s32 @p1 $0x1  }
0x15: {  	[smem:$0x3FB7] =	sst s0;
	s0 =	simm.s32 @!p2 $0x0  }
0x16: {  	s3 =	sld [smem:$0x3FDB];
	s0 =	simm.s32 @p2 $0x1  }
0x17: {  	s4 =	simm.s32 $0x1BF5;
	[smem:$0x3FB9] =	sst s0  }
0x18: {  	s0 =	sld [smem:$0x3F9C];
	_ =	swait.ge [sflag:s4], $0x0  }
0x19: {  	s7 =	sld [smem:$0x3F9D]  }
0x1a: {  	s8 =	sadd.s32 $0xFFFFE003, lr  }
0x1b: {  	s9 =	sadd.s32 $0xFFFFFEF7, lr;
	s5 =	simm.s32 $0xFFFFFFFF;
	p2 =	slt.u32 s8, $0xFFFFF086  }
0x1c: {  	p1 =	slt.u32 s9, $0xF7A;
	s5 =	simm.s32 @!p2 $0x0  }
0x1d: {  	s5 =	simm.s32 @p1 $0x1;
	p0 =	seq.s32 s7, s2  }
0x1e: {  	s7 =	smul.u32 @!p0 $0xF7A, s2;
	p2 =	seq.s32 @!p0 s5, $0x0  }
0x1f: {  	s9 =	smul.u32 $0xF7A, s1;
	s8 =	simm.s32 @!p0 $0x1BF5;
	p2 =	por !p2, p0  }
0x20: {  	[sflag:s8] =	ssyncset.s32 @!p0 $0xFFFFF086;
	s6 =	sadd.s32 @!p0 s3, s7;
	s7 =	simm.s32 @!p0 $0x108  }
0x21: {  	s3 =	sadd.s32 s3, s9;
	s6 =	sadd.s32 @!p0 $0x88, s6;
	s7 =	simm.s32 @p2 $0x1082  }
0x22: {  	[simem:s7], [sflag:s8] =	dma.local @!p0 [hbm:s6], $0xF7A  }
0x23: {  	s9 =	sor.u32 $0xD0000000, s2;
	s6 =	simm.s32 $0x108;
	_ =	swait.ge @!p0 [sflag:s8], $0x0  }
0x24: {  	s3 =	sadd.s32 $0x88, s3;
	s6 =	simm.s32 @!p1 $0x1082;
	[sflag:s4] =	ssyncset.s32 $0xFFFFF086  }
0x25: {  	[simem:s6], [sflag:s4] =	dma.local [hbm:s3], $0xF7A  }
0x26: {  	[smem:$0x3F9D] =	sst s1;
	(tag) =	ssettag s2;
	_ =	strace s9  }
0x27: {  	s1 =	sld [smem:$0x3FAD]  }
0x28: {  	s2 =	sld [smem:$0x3FAE]  }
0x29: {  	s4 =	sld [smem:$0x3FB0]  }
0x2a: {  	p0 =	seq.s32 s5, $0x0;
	s5 =	sld [smem:$0x3FB1]  }
0x2b: {  	s6 =	sld [smem:$0x3FB2]  }
0x2c: {  	s7 =	sld [smem:$0x3FB3]  }
0x2d: {  	s3 =	simm.s32 $0x108;
	s8 =	sld [smem:$0x3FB4]  }
0x2e: {  	s3 =	simm.s32 @!p0 $0x1082;
	s9 =	sld [smem:$0x3FB5]  }
0x2f: {  	lr =	sadd.s32 s0, s3;
	s0 =	sld [smem:$0x3FAC]  }
0x30: {  	s3 =	sld [smem:$0x3FAF]  }
0x31: {  	[smem:$0x3FB8] =	sst s10  }
0x32: {  	s10 =	sld [smem:$0x3FB6];
	_ =	sdelay $0x3  }
0x33: {  	p0 =	seq.s32 s10, $0x1;
	s10 =	sld [smem:$0x3FB8];
	_ =	sdelay $0x3  }
0x34: {  	[smem:$0x3FB8] =	sst s10  }
0x35: {  	s10 =	sld [smem:$0x3FB7];
	_ =	sdelay $0x3  }
0x36: {  	p1 =	seq.s32 s10, $0x1;
	s10 =	sld [smem:$0x3FB8];
	_ =	sdelay $0x3  }
0x37: {  	[smem:$0x3FB8] =	sst s10  }
0x38: {  	s10 =	sld [smem:$0x3FB9]  }
0x39: {  	_ = 	snop;
	(pc) =	sbr.ind lr, $3  }
0x3a: {  	_ = 	snop  }
0x3b: {  	_ = 	snop  }
0x3c: {  	p2 =	seq.s32 s10, $0x1;
	s10 =	sld [smem:$0x3FB8]  }
0x3d: {  	_ =	shalt  }
0x3e: {  	_ =	shalt  }
0x3f: {  	_ =	shalt  }
0x40: {  	_ =	shalt  }
0x41: {  	_ =	shalt  }
0x42: {  	_ =	shalt  }
0x43: {  	_ =	shalt  }
0x44: {  	_ =	shalt  }
0x45: {  	_ =	shalt  }
0x46: {  	_ =	shalt  }
0x47: {  	_ =	shalt  }
0x48: {  	_ =	shalt  }
0x49: {  	_ =	shalt  }
0x4a: {  	_ =	shalt  }
0x4b: {  	_ =	shalt  }
0x4c: {  	_ =	shalt  }
0x4d: {  	_ =	shalt  }
0x4e: {  	_ =	shalt  }
0x4f: {  	_ =	shalt  }
0x50: {  	_ =	shalt  }
0x51: {  	_ =	shalt  }
0x52: {  	_ =	shalt  }
0x53: {  	_ =	shalt  }
0x54: {  	_ =	shalt  }
0x55: {  	_ =	shalt  }
0x56: {  	_ =	shalt  }
0x57: {  	_ =	shalt  }
0x58: {  	_ =	shalt  }
0x59: {  	_ =	shalt  }
0x5a: {  	_ =	shalt  }
0x5b: {  	_ =	shalt  }
0x5c: {  	_ =	shalt  }
0x5d: {  	_ =	shalt  }
0x5e: {  	_ =	shalt  }
0x5f: {  	_ =	shalt  }
0x60: {  	_ =	shalt  }
0x61: {  	_ =	shalt  }
0x62: {  	_ =	shalt  }
0x63: {  	_ =	shalt  }
0x64: {  	_ =	shalt  }
0x65: {  	_ =	shalt  }
0x66: {  	_ =	shalt  }
0x67: {  	_ =	shalt  }
0x68: {  	_ =	shalt  }
0x69: {  	_ =	shalt  }
0x6a: {  	_ =	shalt  }
0x6b: {  	_ =	shalt  }
0x6c: {  	_ =	shalt  }
0x6d: {  	_ =	shalt  }
0x6e: {  	_ =	shalt  }
0x6f: {  	_ =	shalt  }
0x70: {  	_ =	shalt  }
0x71: {  	_ =	shalt  }
0x72: {  	_ =	shalt  }
0x73: {  	_ =	shalt  }
0x74: {  	_ =	shalt  }
0x75: {  	_ =	shalt  }
0x76: {  	_ =	shalt  }
0x77: {  	_ =	shalt  }
0x78: {  	_ =	shalt  }
0x79: {  	_ =	shalt  }
0x7a: {  	_ =	shalt  }
0x7b: {  	_ =	shalt  }
0x7c: {  	_ =	shalt  }
0x7d: {  	_ =	shalt  }
0x7e: {  	_ =	shalt  }
0x7f: {  	_ =	shalt  }
0x80: {  	_ =	shalt  }
0x81: {  	_ =	shalt  }
0x82: {  	_ =	shalt  }
0x83: {  	_ =	shalt  }
0x84: {  	_ =	shalt  }
0x85: {  	_ =	shalt  }
0x86: {  	_ =	shalt  }
0x87: {  	_ =	shalt  }
.Lfunc_end0:
.L_simem_size_0:
called_computation_lowered:
.L_overlay_start_0:
0x88: {  	s2 =	sld [smem:$0x3FD9]  }
0x89: {  	s3 =	sld [smem:$0x3FFE];
	_ =	sdelay $0x1  }
0x8a: {  	s1 =	srdreg.scid  }
0x8b: {  	s0 =	sand.u32 $0x1, s1  }
0x8c: {  	s18 =	sshll.u32 s0, $0xA;
	s2 =	sadd.s32 s3, s2  }
0x8d: {  	s2 =	sadd.s32 s2, s18  }
0x8e: {  	[smem:$0x3FC4] =	sst s2  }
0x8f: {  	_ = 	snop  }
0x90: {  	s2 =	sld [smem:$0x3FC9]  }
0x91: {  	s19 =	sld [smem:$0x3FC8]  }
0x92: {  	s4 =	sld [smem:$0x3FC7]  }
0x93: {  	s5 =	sld [smem:$0x3FC6]  }
0x94: {  	s6 =	sld [smem:$0x3FD0];
	(tm) =	ssettm $0x1  }
0x95: {  	s7 =	sld [smem:$0x3FFB];
	_ =	sdelay $0x3  }
0x96: {  	_ =	strace s7  }
0x97: {  	s7 =	sld [smem:$0x3FFC];
	_ =	sdelay $0x3  }
0x98: {  	_ =	strace s7  }
0x99: {  	s7 =	sld [smem:$0x3FFD];
	_ =	sdelay $0x3  }
0x9a: {  	_ =	strace s7  }
0x9b: {  	_ =	strace $0x8FFFFFFF  }
0x9c: {  	s20 =	sld [smem:$0x3FDB];
	_ =	sdelay $0x1  }
0x9d: {  	s8 =	simm.s32 $_scs_section_size  }
0x9e: {  	s9 =	simm.s32 $_size__tile_overlayer_lowered;
	s10 =	simm.s32 $_tile_overlayer_lowered  }
0x9f: {  	s23 =	simm.s32 $0x1BFF;
	s22 =	sshll.u32 s10, $0x1;
	s7 =	sadd.s32 s8, s20  }
0xa0: {  	s11 =	simm.s32 $0x0;
	s21 =	sshll.u32 s9, $0x1;
	s9 =	sadd.s32 s22, s7  }
0xa1: {  	[timem:s11], [sflag:s23] =	dma.local [hbm:s9], s21  }
0xa2: {  	_ =	swait.ge [sflag:s23], s21  }
0xa3: {  	s8 =	ssub.s32 $0x0, s21;
	[sflag:s23] =	ssyncset.done $0x0  }
0xa4: {  	[sflag:s23] =	ssyncadd.s32 s8;
	_ =	sdelay $0x1  }
0xa5: {  	s24 =	simm.s32 $0x1B8B  }
0xa6: {  	_ =	swait.ge [sflag:s24], $0x1  }
0xa7: {  	[sflag:s24] =	ssyncset.done $0x0  }
0xa8: {  	s25 =	simm.s32 $0x1B8E;
	[sflag:s24] =	ssyncadd.s32 $0xFFFFFFFF  }
0xa9: {  	s26 =	simm.s32 $execute0_lowered;
	[smem:$0x3FD2] =	sst s25  }
0xaa: {  	s8 =	sshll.u32 s26, $0x1;
	_ =	strace $0x80000046;
	[dreg:$0x1] =	wrdreg $0xFFFFFFFF  }
0xab: {  	s28 =	simm.s32 $_size_execute0_lowered;
	s7 =	sadd.s32 s7, s8;
	[dreg:$0x0] =	wrdreg $0x0  }
0xac: {  	s8 =	sshll.u32 s28, $0x1;
	[dreg:$0x2] =	wrdreg s7  }
0xad: {  	[dreg:$0x3] =	wrdreg s8  }
0xae: {  	[dreg:$0x4] =	wrdreg $0xC0  }
0xaf: {  	_ =	task [dreg:s11], $0x5FFFF  }
0xb0: {  	[dreg:$0x1] =	wrdreg $0xFFFFFFFF  }
0xb1: {  	[dreg:$0x0] =	wrdreg $0x60  }
0xb2: {  	[dreg:$0x2] =	wrdreg s2  }
0xb3: {  	[dreg:$0x3] =	wrdreg s19  }
0xb4: {  	[dreg:$0x4] =	wrdreg s4  }
0xb5: {  	[dreg:$0x5] =	wrdreg s5  }
0xb6: {  	[dreg:$0x6] =	wrdreg s6  }
0xb7: {  	[dreg:$0x7] =	wrdreg $0x9  }
0xb8: {  	_ =	task.clear_ibuf [dreg:s11], $0x8FFFF;
	_ =	strace $0x90000046  }
0xb9: {  	s29 =	simm.s32 $0x9;
	_ =	strace $0x80000048  }
0xba: {  	_ =	swait.ge [sflag:s29], $0x1  }
0xbb: {  	[sflag:s29] =	ssyncadd.s32 $0xFFFFFFFF  }
0xbc: {  	_ =	strace $0x90000048  }
0xbd: {  	_ =	sfence  }
0xbe: {  	s30 =	sld [smem:$0x0];
	_ =	sdelay $0x2  }
0xbf: {  	s31 =	sshll.u32 s1, $0xD;
	s1 =	sshrl.u32 s1, $0x2  }
0xc0: {  	s3 =	sand.u32 $0x4000, s31;
	s1 =	sadd.s32 s1, s30  }
0xc1: {  	s0 =	sor.u32 s3, s0;
	s1 =	sshll.u32 s1, $0x11  }
0xc2: {  	s0 =	sor.u32 s1, s0  }
0xc3: {  	s0 =	sadd.s32 $0x8F2B, s0  }
0xc4: {  	[sflag:s0] =	ssyncadd.remote.s32 $0x1  }
0xc5: {  	_ =	sfence.sel $0xFFFF  }
0xc6: {  	[dreg:$0x0] =	wrdreg $0xFFFFFFFF;
	(pc) =	sbr.abs _section_cstart, $3  }
0xc7: {  	[dreg:$0x1] =	wrdreg $0xFFFFFFFF  }
0xc8: {  	_ =	task.clear_ibuf [dreg:s11], $0x2FFFF;
	_ =	strace $0x9FFFFFFF  }
0xc9: {  	(tm) =	ssettm $0x7FFFFFFF  }
tec
execute0_lowered:
.L_overlay_start_1:
0x0: {  	(tag) =	ssettag $0x1  }
0x1: {  	s0 =	rddreg [dreg:$0x0]  }
0x2: {  	s2 =	rddreg [dreg:$0x1]  }
0x3: {  	s1 =	rddreg [dreg:$0x2]  }
0x4: {  	s3 =	rddreg [dreg:$0x3]  }
0x5: {  	s5 =	rddreg [dreg:$0x4];
	s6 =	srdreg.scid  }
0x6: {  	s9 =	stileid.u32;
	s4 =	simm.s32 $0x0;
	s18 =	simm.s32 $0x1  }
0x7: {  	s19 =	simm.s32 $0x2;
	s31 =	simm.s32 $0xCA00;
	s17 =	simm.s32 $0xE200  }
0x8: {  	s20 =	simm.s32 $0xEA00;
	s15 =	simm.s32 $0xF200;
	s14 =	simm.s32 $0x14200  }
0x9: {  	s16 =	simm.s32 $0x4;
	s22 =	simm.s32 $0x0;
	s6 =	sand.u32 $0x1, s6  }
0xa: {  	s7 =	sshll.u32 s9, $0x1;
	[smem:$0x7FF] =	sst s4;
	s9 =	sshll.u32 s9, $0x2  }
0xb: {  	s11 =	sadd.s32 $0x200, s3;
	s12 =	sadd.s32 $0x300, s3;
	s7 =	sor.u32 s6, s7  }
0xc: {  	s6 =	ssub.s32 $0x2, s6;
	_ =	strace $0x80000047;
	s8 =	sshll.u32 s7, $0x7  }
0xd: {  	s10 =	sshrl.u32 s6, $0x1;
	s13 =	sshll.u32 s7, $0xF;
	s7 =	sadd.s32 $0x100, s1  }
0xe: {  	s8 =	sor.u32 s9, s8;
	s6 =	ssub.s32 s6, s10;
	s9 =	sadd.s32 $0x300, s1  }
.Ltmp0:
0xf: {  	s10 =	sadd.s32 $0x100, s3;
	s13 =	sadd.s32 s5, s13;
	(pc) =	sbr.rel .LBB2_1-.Ltmp0, $4  }
0x10: {  	s5 =	simm.s32 $0xFA00;
	s28 =	sand.u32 $0x3B0, s8;
	s30 =	smax.u32 s6, $0x1  }
0x11: {  	v2 =	vlaneseq.u32;
	s8 =	sadd.s32 $0x200, s1;
	s0 =	sadd.s32 s0, s28;
	[dreg:$0x8] =	wrdreg s30  }
0x12: {  	vm0 =	vmmov $0xffff;
	v1 =	vshrl.u32 v2, $0x3;
	s6 =	simm.s32 $0x10200;
	s29 =	sadd.s32 s2, s28;
	[dreg:$0x6] =	wrdreg s0  }
0x13: {  	v0 =	vand.u32 $0x7, v2;
	v2 =	vor.u32 $0x8, v2;
	v1 =	vmul.u32 $0x8, v1;
	s2 =	simm.s32 $0xDA00;
	[dreg:$0x7] =	wrdreg s29;
	s0 =	simm.s32 $0xD200  }
.LBB2_8:
0x14: {  	s21 =	simm.s32 $0x3  }
0x15: {  	_ =	swait.ge [sflag:s21], $0x4000  }
0x16: {  	[sflag:s21] =	ssyncset.done $0x0  }
0x17: {  	[sflag:s21] =	ssyncadd.s32 $0xFFFFC000  }
0x18: {  	_ =	swait.ge [sflag:s16], $0x4000  }
0x19: {  	s22 =	rddreg [dreg:$0x9]  }
0x1a: {  	s30 =	rddreg [dreg:$0x8];
	s22 =	sadd.s32 $0x1, s22  }
0x1b: {  	p0 =	sne.s32 s22, s30  }
.Ltmp1:
0x1c: {  	_ = 	snop;
	(pc) =	sbr.rel @!p0 .LBB2_9-.Ltmp1, $3  }
0x1d: {  	_ =	sdelay $0x1  }
0x1e: {  	[sflag:s16] =	ssyncset.done $0x0  }
0x1f: {  	[sflag:s16] =	ssyncadd.s32 $0xFFFFC000  }
.LBB2_1:
0x20: {  	[dreg:$0x9] =	wrdreg s22  }
0x21: {  	s21 =	rddreg [dreg:$0x6];
	s29 =	simm.s32 $0x80;
	s23 =	simm.s32 $0x200  }
0x22: {  	[tilespmem:s4], [sflag:$0x1] =	stream.strided.gather [hbm4b:s21+s29], $0x100, s23, s29, $0x38;
	[tilespmem:$0x18200] =	vst v63  }
0x23: {  	s30 =	rddreg [dreg:$0x7];
	s24 =	simm.s32 $0x100  }
0x24: {  	[tilespmem:s24], [sflag:$0x2] =	stream.strided.gather [hbm4b:s30+s29], $0x100, s23, s29, $0x38;
	[tilespmem:$0x18200] =	vst v63  }
0x25: {  	_ =	swait.ge [sflag:s18], $0x100  }
0x26: {  	[sflag:s18] =	ssyncset.done $0x0  }
0x27: {  	[sflag:s18] =	ssyncadd.s32 $0xFFFFFF00  }
0x28: {  	_ =	swait.ge [sflag:s19], $0x100  }
0x29: {  	[sflag:s19] =	ssyncset.done $0x0  }
0x2a: {  	[sflag:s19] =	ssyncadd.s32 $0xFFFFFF00  }
0x2b: {  	v3 =	vld [tilespmem:$0x0];
	_ =	sdelay $0x4  }
0x2c: {  	v4 =	vshll.u32 v3, $0x3  }
0x2d: {  	v3 =	vand.u32 $0x7, v3;
	v4 =	vand.u32 $0xFFFFFFC0, v4  }
0x2e: {  	v3 =	vor.u32 v3, v4  }
0x2f: {  	v4 =	vperm.xlane v3, v0;
	_ =	sdelay $0x1  }
0x30: {  	v4 =	vadd.s32 v1, v4;
	_ =	sdelay $0x4  }
0x31: {  	[tilespmem:s23], [sflag:$0x1] =	stream.indirect_vreg.gather [hbm4b:s1+s4], $0x80, v4, vm0, $0xb8;
	[tilespmem:$0x18200] =	vst v63  }
0x32: {  	s22 =	simm.s32 $0xA00;
	v3 =	vperm.xlane v3, v2  }
0x33: {  	[tilespmem:s22], [sflag:$0x1] =	stream.indirect_vreg.gather [hbm4b:s7+s4], $0x80, v4, vm0, $0xb8;
	[tilespmem:$0x18200] =	vst v63  }
0x34: {  	v3 =	vadd.s32 v1, v3;
	s23 =	simm.s32 $0x1200  }
0x35: {  	[tilespmem:s23], [sflag:$0x1] =	stream.indirect_vreg.gather [hbm4b:s8+s4], $0x80, v4, vm0, $0xb8;
	[tilespmem:$0x18200] =	vst v63  }
0x36: {  	s24 =	simm.s32 $0x1A00  }
0x37: {  	[tilespmem:s24], [sflag:$0x1] =	stream.indirect_vreg.gather [hbm4b:s9+s4], $0x80, v4, vm0, $0xb8;
	[tilespmem:$0x18200] =	vst v63  }
0x38: {  	s25 =	simm.s32 $0x2200  }
0x39: {  	[tilespmem:s25], [sflag:$0x1] =	stream.indirect_vreg.gather [hbm4b:s1+s4], $0x80, v3, vm0, $0xb8;
	[tilespmem:$0x18200] =	vst v63  }
0x3a: {  	s26 =	simm.s32 $0x2A00  }
0x3b: {  	[tilespmem:s26], [sflag:$0x1] =	stream.indirect_vreg.gather [hbm4b:s7+s4], $0x80, v3, vm0, $0xb8;
	[tilespmem:$0x18200] =	vst v63  }
0x3c: {  	s28 =	simm.s32 $0x3200  }
0x3d: {  	[tilespmem:s28], [sflag:$0x1] =	stream.indirect_vreg.gather [hbm4b:s8+s4], $0x80, v3, vm0, $0xb8;
	[tilespmem:$0x18200] =	vst v63  }
0x3e: {  	s29 =	simm.s32 $0x3A00  }
0x3f: {  	[tilespmem:s29], [sflag:$0x1] =	stream.indirect_vreg.gather [hbm4b:s9+s4], $0x80, v3, vm0, $0xb8;
	[tilespmem:$0x18200] =	vst v63  }
0x40: {  	v3 =	vld [tilespmem:$0x100];
	_ =	sdelay $0x4  }
0x41: {  	v61 =	vshll.u32 v3, $0x3  }
0x42: {  	v3 =	vand.u32 $0x7, v3;
	v4 =	vand.u32 $0xFFFFFFC0, v61  }
0x43: {  	v3 =	vor.u32 v3, v4  }
0x44: {  	v4 =	vperm.xlane v3, v0;
	_ =	sdelay $0x1  }
0x45: {  	v4 =	vadd.s32 v1, v4;
	_ =	sdelay $0x3  }
0x46: {  	s30 =	simm.s32 $0x8200  }
0x47: {  	[tilespmem:s30], [sflag:$0x1] =	stream.indirect_vreg.gather [hbm4b:s3+s4], $0x80, v4, vm0, $0xb8;
	[tilespmem:$0x18200] =	vst v63  }
0x48: {  	s22 =	simm.s32 $0x8A00;
	v3 =	vperm.xlane v3, v2  }
0x49: {  	[tilespmem:s22], [sflag:$0x1] =	stream.indirect_vreg.gather [hbm4b:s10+s4], $0x80, v4, vm0, $0xb8;
	[tilespmem:$0x18200] =	vst v63  }
0x4a: {  	s23 =	simm.s32 $0x9200;
	v3 =	vadd.s32 v1, v3  }
0x4b: {  	[tilespmem:s23], [sflag:$0x1] =	stream.indirect_vreg.gather [hbm4b:s11+s4], $0x80, v4, vm0, $0xb8;
	[tilespmem:$0x18200] =	vst v63  }
0x4c: {  	s24 =	simm.s32 $0x9A00  }
0x4d: {  	[tilespmem:s24], [sflag:$0x1] =	stream.indirect_vreg.gather [hbm4b:s12+s4], $0x80, v4, vm0, $0xb8;
	[tilespmem:$0x18200] =	vst v63  }
0x4e: {  	s25 =	simm.s32 $0xA200  }
0x4f: {  	[tilespmem:s25], [sflag:$0x1] =	stream.indirect_vreg.gather [hbm4b:s3+s4], $0x80, v3, vm0, $0xb8;
	[tilespmem:$0x18200] =	vst v63  }
0x50: {  	s26 =	simm.s32 $0xAA00  }
0x51: {  	[tilespmem:s26], [sflag:$0x1] =	stream.indirect_vreg.gather [hbm4b:s10+s4], $0x80, v3, vm0, $0xb8;
	[tilespmem:$0x18200] =	vst v63  }
0x52: {  	s28 =	simm.s32 $0xB200  }
0x53: {  	[tilespmem:s28], [sflag:$0x1] =	stream.indirect_vreg.gather [hbm4b:s11+s4], $0x80, v3, vm0, $0xb8;
	[tilespmem:$0x18200] =	vst v63  }
0x54: {  	s29 =	simm.s32 $0xBA00  }
0x55: {  	[tilespmem:s29], [sflag:$0x1] =	stream.indirect_vreg.gather [hbm4b:s12+s4], $0x80, v3, vm0, $0xb8;
	[tilespmem:$0x18200] =	vst v63  }
0x56: {  	v3 =	vld [tilespmem:$0x10];
	_ =	sdelay $0x4  }
0x57: {  	v62 =	vshll.u32 v3, $0x3  }
0x58: {  	v3 =	vand.u32 $0x7, v3;
	v4 =	vand.u32 $0xFFFFFFC0, v62  }
0x59: {  	v3 =	vor.u32 v3, v4  }
0x5a: {  	v4 =	vperm.xlane v3, v0;
	_ =	sdelay $0x1  }
0x5b: {  	v4 =	vadd.s32 v1, v4;
	_ =	sdelay $0x3  }
0x5c: {  	s30 =	simm.s32 $0x4200  }
0x5d: {  	[tilespmem:s30], [sflag:$0x2] =	stream.indirect_vreg.gather [hbm4b:s1+s4], $0x80, v4, vm0, $0xb8;
	[tilespmem:$0x18200] =	vst v63  }
0x5e: {  	s22 =	simm.s32 $0x4A00;
	v3 =	vperm.xlane v3, v2  }
0x5f: {  	[tilespmem:s22], [sflag:$0x2] =	stream.indirect_vreg.gather [hbm4b:s7+s4], $0x80, v4, vm0, $0xb8;
	[tilespmem:$0x18200] =	vst v63  }
0x60: {  	s23 =	simm.s32 $0x5200;
	v3 =	vadd.s32 v1, v3  }
0x61: {  	[tilespmem:s23], [sflag:$0x2] =	stream.indirect_vreg.gather [hbm4b:s8+s4], $0x80, v4, vm0, $0xb8;
	[tilespmem:$0x18200] =	vst v63  }
0x62: {  	s24 =	simm.s32 $0x5A00  }
0x63: {  	[tilespmem:s24], [sflag:$0x2] =	stream.indirect_vreg.gather [hbm4b:s9+s4], $0x80, v4, vm0, $0xb8;
	[tilespmem:$0x18200] =	vst v63  }
0x64: {  	s25 =	simm.s32 $0x6200  }
0x65: {  	[tilespmem:s25], [sflag:$0x2] =	stream.indirect_vreg.gather [hbm4b:s1+s4], $0x80, v3, vm0, $0xb8;
	[tilespmem:$0x18200] =	vst v63  }
0x66: {  	s26 =	simm.s32 $0x6A00  }
0x67: {  	[tilespmem:s26], [sflag:$0x2] =	stream.indirect_vreg.gather [hbm4b:s7+s4], $0x80, v3, vm0, $0xb8;
	[tilespmem:$0x18200] =	vst v63  }
0x68: {  	s28 =	simm.s32 $0x7200  }
0x69: {  	[tilespmem:s28], [sflag:$0x2] =	stream.indirect_vreg.gather [hbm4b:s8+s4], $0x80, v3, vm0, $0xb8;
	[tilespmem:$0x18200] =	vst v63  }
0x6a: {  	s29 =	simm.s32 $0x7A00  }
0x6b: {  	[tilespmem:s29], [sflag:$0x2] =	stream.indirect_vreg.gather [hbm4b:s9+s4], $0x80, v3, vm0, $0xb8;
	[tilespmem:$0x18200] =	vst v63  }
0x6c: {  	v3 =	vld [tilespmem:$0x110];
	_ =	sdelay $0x4  }
0x6d: {  	v63 =	vshll.u32 v3, $0x3  }
0x6e: {  	v3 =	vand.u32 $0x7, v3;
	v4 =	vand.u32 $0xFFFFFFC0, v63  }
0x6f: {  	v3 =	vor.u32 v3, v4  }
0x70: {  	v4 =	vperm.xlane v3, v0;
	_ =	sdelay $0x1  }
0x71: {  	v4 =	vadd.s32 v1, v4;
	_ =	sdelay $0x3  }
0x72: {  	s30 =	simm.s32 $0xC200  }
0x73: {  	[tilespmem:s30], [sflag:$0x2] =	stream.indirect_vreg.gather [hbm4b:s3+s4], $0x80, v4, vm0, $0xb8;
	[tilespmem:$0x18200] =	vst v63  }
0x74: {  	v3 =	vperm.xlane v3, v2  }
0x75: {  	[tilespmem:s31], [sflag:$0x2] =	stream.indirect_vreg.gather [hbm4b:s10+s4], $0x80, v4, vm0, $0xb8;
	[tilespmem:$0x18200] =	vst v63  }
0x76: {  	v3 =	vadd.s32 v1, v3  }
0x77: {  	[tilespmem:s0], [sflag:$0x2] =	stream.indirect_vreg.gather [hbm4b:s11+s4], $0x80, v4, vm0, $0xb8;
	[tilespmem:$0x18200] =	vst v63  }
0x78: {  	_ = 	snop  }
0x79: {  	[tilespmem:s2], [sflag:$0x2] =	stream.indirect_vreg.gather [hbm4b:s12+s4], $0x80, v4, vm0, $0xb8;
	[tilespmem:$0x18200] =	vst v63  }
0x7a: {  	_ = 	snop  }
0x7b: {  	[tilespmem:s17], [sflag:$0x2] =	stream.indirect_vreg.gather [hbm4b:s3+s4], $0x80, v3, vm0, $0xb8;
	[tilespmem:$0x18200] =	vst v63  }
0x7c: {  	_ = 	snop  }
0x7d: {  	[tilespmem:s20], [sflag:$0x2] =	stream.indirect_vreg.gather [hbm4b:s10+s4], $0x80, v3, vm0, $0xb8;
	[tilespmem:$0x18200] =	vst v63  }
0x7e: {  	_ = 	snop  }
0x7f: {  	[tilespmem:s15], [sflag:$0x2] =	stream.indirect_vreg.gather [hbm4b:s11+s4], $0x80, v3, vm0, $0xb8;
	[tilespmem:$0x18200] =	vst v63  }
0x80: {  	s21 =	simm.s32 $0x0  }
0x81: {  	[tilespmem:s5], [sflag:$0x2] =	stream.indirect_vreg.gather [hbm4b:s12+s4], $0x80, v3, vm0, $0xb8;
	[tilespmem:$0x18200] =	vst v63  }
.LBB2_2:
0x82: {  	p0 =	seq.s32 s21, $0x0  }
0x83: {  	s22 =	simm.s32 @!p0 $0x3  }
0x84: {  	_ =	swait.ge @!p0 [sflag:s22], $0x4000  }
0x85: {  	[sflag:s22] =	ssyncset.done @!p0 $0x0  }
0x86: {  	[sflag:s22] =	ssyncadd.s32 @!p0 $0xFFFFC000  }
0x87: {  	_ =	swait.ge [sflag:s18], $0x4000  }
0x88: {  	[sflag:s18] =	ssyncset.done $0x0  }
0x89: {  	[sflag:s18] =	ssyncadd.s32 $0xFFFFC000  }
0x8a: {  	s23 =	simm.s32 $0x0;
	_ =	swait.ge [sflag:s18], $0x4000  }
0x8b: {  	s24 =	simm.s32 $0xFFFFC000;
	s25 =	simm.s32 $0x0;
	[sflag:s18] =	ssyncset.done $0x0  }
0x8c: {  	s26 =	simm.s32 $0x0;
	s22 =	sshll.u32 s21, $0x5;
	[sflag:s18] =	ssyncadd.s32 $0xFFFFC000  }
.LBB2_3:
0x8d: {  	s28 =	sadd.s32 $0x4000, s24  }
0x8e: {  	s29 =	sand.u32 $0x380, s26;
	s28 =	sand.u32 $0x2000, s28  }
0x8f: {  	s28 =	sor.u32 s29, s28  }
0x90: {  	v3 =	vld [tilespmem:s28+$0x200]  }
0x91: {  	v4 =	vld [tilespmem:s28+$0x8200]  }
0x92: {  	v5 =	vld [tilespmem:s28+$0x210]  }
0x93: {  	v6 =	vld [tilespmem:s28+$0x8210]  }
0x94: {  	v7 =	vld [tilespmem:s28+$0x220]  }
0x95: {  	v8 =	vld [tilespmem:s28+$0x8220]  }
0x96: {  	v9 =	vld [tilespmem:s28+$0x230]  }
0x97: {  	v10 =	vld [tilespmem:s28+$0x8230]  }
0x98: {  	v11 =	vld [tilespmem:s28+$0x240]  }
0x99: {  	v12 =	vld [tilespmem:s28+$0x8240]  }
0x9a: {  	v13 =	vld [tilespmem:s28+$0x250]  }
0x9b: {  	v14 =	vld [tilespmem:s28+$0x8250]  }
0x9c: {  	v15 =	vld [tilespmem:s28+$0x260]  }
0x9d: {  	v16 =	vld [tilespmem:s28+$0x8260]  }
0x9e: {  	v17 =	vld [tilespmem:s28+$0x270]  }
0x9f: {  	v18 =	vld [tilespmem:s28+$0x8270]  }
0xa0: {  	v19 =	vld [tilespmem:s28+$0x600]  }
0xa1: {  	v20 =	vld [tilespmem:s28+$0x8600]  }
0xa2: {  	v21 =	vld [tilespmem:s28+$0x610]  }
0xa3: {  	v22 =	vld [tilespmem:s28+$0x8610]  }
0xa4: {  	v23 =	vld [tilespmem:s28+$0x620]  }
0xa5: {  	v24 =	vld [tilespmem:s28+$0x8620]  }
0xa6: {  	v25 =	vld [tilespmem:s28+$0x630]  }
0xa7: {  	v26 =	vld [tilespmem:s28+$0x8630]  }
0xa8: {  	v27 =	vld [tilespmem:s28+$0x640]  }
0xa9: {  	v28 =	vld [tilespmem:s28+$0x8640]  }
0xaa: {  	v29 =	vld [tilespmem:s28+$0x650]  }
0xab: {  	v30 =	vld [tilespmem:s28+$0x8650]  }
0xac: {  	v31 =	vld [tilespmem:s28+$0x660]  }
0xad: {  	v32 =	vld [tilespmem:s28+$0x8660]  }
0xae: {  	v33 =	vld [tilespmem:s28+$0x670]  }
0xaf: {  	v34 =	vld [tilespmem:s28+$0x8670]  }
0xb0: {  	v35 =	vld [tilespmem:s28+$0xA00]  }
0xb1: {  	v36 =	vld [tilespmem:s28+$0x8A00]  }
0xb2: {  	v37 =	vld [tilespmem:s28+$0xA10]  }
0xb3: {  	v38 =	vld [tilespmem:s28+$0x8A10]  }
0xb4: {  	v39 =	vld [tilespmem:s28+$0xA20]  }
0xb5: {  	v40 =	vld [tilespmem:s28+$0x8A20]  }
0xb6: {  	v41 =	vld [tilespmem:s28+$0xA30]  }
0xb7: {  	v42 =	vld [tilespmem:s28+$0x8A30]  }
0xb8: {  	v43 =	vld [tilespmem:s28+$0xA40]  }
0xb9: {  	v44 =	vld [tilespmem:s28+$0x8A40]  }
0xba: {  	v45 =	vld [tilespmem:s28+$0xA50]  }
0xbb: {  	v46 =	vld [tilespmem:s28+$0x8A50]  }
0xbc: {  	v47 =	vld [tilespmem:s28+$0xA60]  }
0xbd: {  	v48 =	vld [tilespmem:s28+$0x8A60]  }
0xbe: {  	v49 =	vld [tilespmem:s28+$0xA70]  }
0xbf: {  	v50 =	vld [tilespmem:s28+$0x8A70]  }
0xc0: {  	v51 =	vld [tilespmem:s28+$0xE00]  }
0xc1: {  	v52 =	vld [tilespmem:s28+$0x8E00]  }
0xc2: {  	v53 =	vld [tilespmem:s28+$0xE10]  }
0xc3: {  	v54 =	vld [tilespmem:s28+$0x8E10]  }
0xc4: {  	v55 =	vld [tilespmem:s28+$0xE20]  }
0xc5: {  	v56 =	vld [tilespmem:s28+$0x8E20]  }
0xc6: {  	v57 =	vld [tilespmem:s28+$0xE30]  }
0xc7: {  	v58 =	vld [tilespmem:s28+$0x8E30]  }
0xc8: {  	v59 =	vld [tilespmem:s28+$0xE40]  }
0xc9: {  	v60 =	vld [tilespmem:s28+$0x8E40]  }
0xca: {  	v61 =	vld [tilespmem:s28+$0xE50];
	v3 =	vmul.f32 $3.200000000e+01, v3  }
0xcb: {  	v62 =	vld [tilespmem:s28+$0x8E50];
	v5 =	vmul.f32 $3.200000000e+01, v5  }
0xcc: {  	v63 =	vld [tilespmem:s28+$0xE60];
	v3 =	vadd.f32 v4, v3;
	v4 =	vmul.f32 $3.200000000e+01, v7  }
0xcd: {  	v7 =	vld [tilespmem:s28+$0x8E60];
	v5 =	vadd.f32 v6, v5;
	v6 =	vmul.f32 $3.200000000e+01, v9  }
0xce: {  	v13 =	vmul.f32 $3.200000000e+01, v13;
	v9 =	vld [tilespmem:s28+$0xE70];
	[tilespmem:s28+$0x10200] =	vst v3;
	v3 =	vadd.f32 v8, v4;
	v4 =	vmul.f32 $3.200000000e+01, v11  }
0xcf: {  	v8 =	vld [tilespmem:s28+$0x8E70];
	[tilespmem:s28+$0x10210] =	vst v5;
	v5 =	vadd.f32 v10, v6;
	v6 =	vmul.f32 $3.200000000e+01, v17;
	v17 =	vmul.f32 $3.200000000e+01, v19  }
0xd0: {  	v10 =	vld [tilespmem:s28+$0x1200];
	v19 =	vmul.f32 $3.200000000e+01, v21;
	v21 =	vmul.f32 $3.200000000e+01, v23  }
0xd1: {  	v11 =	vld [tilespmem:s28+$0x9200];
	v23 =	vmul.f32 $3.200000000e+01, v25;
	v25 =	vmul.f32 $3.200000000e+01, v27;
	[tilespmem:s28+$0x10220] =	vst v3;
	v3 =	vadd.f32 v12, v4  }
0xd2: {  	v27 =	vmul.f32 $3.200000000e+01, v29;
	v4 =	vmul.f32 $3.200000000e+01, v15;
	[tilespmem:s28+$0x10230] =	vst v5;
	v5 =	vadd.f32 v14, v13;
	v12 =	vld [tilespmem:s28+$0x1210]  }
0xd3: {  	v29 =	vmul.f32 $3.200000000e+01, v31;
	v31 =	vmul.f32 $3.200000000e+01, v33;
	v13 =	vld [tilespmem:s28+$0x9210];
	v18 =	vadd.f32 v18, v6;
	[tilespmem:s28+$0x10240] =	vst v3  }
0xd4: {  	v33 =	vmul.f32 $3.200000000e+01, v35;
	v35 =	vmul.f32 $3.200000000e+01, v37;
	v14 =	vld [tilespmem:s28+$0x1220];
	v3 =	vadd.f32 v16, v4;
	[tilespmem:s28+$0x10250] =	vst v5  }
0xd5: {  	v37 =	vmul.f32 $3.200000000e+01, v39;
	v39 =	vmul.f32 $3.200000000e+01, v41;
	v15 =	vld [tilespmem:s28+$0x9220];
	v22 =	vadd.f32 v22, v19;
	[tilespmem:s28+$0x10270] =	vst v18  }
0xd6: {  	v41 =	vmul.f32 $3.200000000e+01, v43;
	v43 =	vmul.f32 $3.200000000e+01, v45;
	v19 =	vld [tilespmem:s28+$0x9240];
	[tilespmem:s28+$0x10260] =	vst v3;
	v3 =	vadd.f32 v20, v17  }
0xd7: {  	v45 =	vmul.f32 $3.200000000e+01, v47;
	v47 =	vmul.f32 $3.200000000e+01, v49;
	v26 =	vadd.f32 v26, v23;
	v23 =	vld [tilespmem:s28+$0x9260];
	[tilespmem:s28+$0x10610] =	vst v22  }
0xd8: {  	v49 =	vmul.f32 $3.200000000e+01, v51;
	v30 =	vadd.f32 v30, v27;
	v27 =	vld [tilespmem:s28+$0x9600];
	[tilespmem:s28+$0x10600] =	vst v3;
	v3 =	vadd.f32 v24, v21  }
0xd9: {  	v51 =	vmul.f32 $3.200000000e+01, v53;
	v53 =	vmul.f32 $3.200000000e+01, v55;
	v34 =	vadd.f32 v34, v31;
	v31 =	vld [tilespmem:s28+$0x9620];
	[tilespmem:s28+$0x10630] =	vst v26  }
0xda: {  	v55 =	vmul.f32 $3.200000000e+01, v57;
	v38 =	vadd.f32 v38, v35;
	v35 =	vld [tilespmem:s28+$0x9640];
	[tilespmem:s28+$0x10620] =	vst v3;
	v3 =	vadd.f32 v28, v25  }
0xdb: {  	v46 =	vadd.f32 v46, v43;
	v43 =	vld [tilespmem:s28+$0x1660];
	[tilespmem:s28+$0x10650] =	vst v30  }
0xdc: {  	v57 =	vmul.f32 $3.200000000e+01, v59;
	v59 =	vadd.f32 v58, v55;
	v55 =	vld [tilespmem:s28+$0x9A00];
	[tilespmem:s28+$0x10640] =	vst v3;
	v3 =	vadd.f32 v32, v29  }
0xdd: {  	v58 =	vld [tilespmem:s28+$0x1A10];
	[tilespmem:s28+$0x10670] =	vst v34  }
0xde: {  	v16 =	vld [tilespmem:s28+$0x1230];
	[tilespmem:s28+$0x10660] =	vst v3;
	v3 =	vadd.f32 v36, v33  }
0xdf: {  	v42 =	vadd.f32 v42, v39;
	v18 =	vld [tilespmem:s28+$0x1240];
	[tilespmem:s28+$0x10A10] =	vst v38  }
0xe0: {  	v22 =	vld [tilespmem:s28+$0x1260];
	[tilespmem:s28+$0x10A00] =	vst v3;
	v3 =	vadd.f32 v40, v37  }
0xe1: {  	v26 =	vld [tilespmem:s28+$0x1600];
	[tilespmem:s28+$0x10A30] =	vst v42  }
0xe2: {  	v30 =	vld [tilespmem:s28+$0x1620];
	[tilespmem:s28+$0x10A20] =	vst v3;
	v3 =	vadd.f32 v44, v41  }
0xe3: {  	v50 =	vadd.f32 v50, v47;
	[tilespmem:s28+$0x10A50] =	vst v46;
	v34 =	vld [tilespmem:s28+$0x1640]  }
0xe4: {  	v38 =	vld [tilespmem:s28+$0x1650];
	[tilespmem:s28+$0x10A40] =	vst v3;
	v3 =	vadd.f32 v48, v45  }
0xe5: {  	v54 =	vadd.f32 v54, v51;
	[tilespmem:s28+$0x10A70] =	vst v50;
	v50 =	vld [tilespmem:s28+$0x9670]  }
0xe6: {  	v17 =	vld [tilespmem:s28+$0x9230];
	[tilespmem:s28+$0x10A60] =	vst v3;
	v3 =	vadd.f32 v52, v49  }
0xe7: {  	[tilespmem:s28+$0x10E10] =	vst v54;
	v20 =	vld [tilespmem:s28+$0x1250];
	v42 =	vmul.f32 $3.200000000e+01, v12  }
0xe8: {  	v28 =	vld [tilespmem:s28+$0x1610];
	[tilespmem:s28+$0x10E00] =	vst v3;
	v3 =	vadd.f32 v56, v53  }
0xe9: {  	[tilespmem:s28+$0x10E30] =	vst v59;
	v21 =	vld [tilespmem:s28+$0x9250];
	v46 =	vadd.f32 v13, v42;
	v47 =	vmul.f32 $3.200000000e+01, v16  }
0xea: {  	v63 =	vmul.f32 $3.200000000e+01, v63;
	v29 =	vld [tilespmem:s28+$0x9610];
	[tilespmem:s28+$0x10E20] =	vst v3;
	v3 =	vadd.f32 v60, v57  }
0xeb: {  	v61 =	vmul.f32 $3.200000000e+01, v61;
	v24 =	vld [tilespmem:s28+$0x1270];
	[tilespmem:s28+$0x11210] =	vst v46;
	v51 =	vadd.f32 v17, v47  }
0xec: {  	v39 =	vmul.f32 $3.200000000e+01, v10;
	v25 =	vld [tilespmem:s28+$0x9270];
	[tilespmem:s28+$0x10E40] =	vst v3;
	v3 =	vadd.f32 v7, v63  }
0xed: {  	v32 =	vld [tilespmem:s28+$0x1630];
	[tilespmem:s28+$0x11230] =	vst v51;
	v36 =	vadd.f32 v62, v61;
	v62 =	vmul.f32 $3.200000000e+01, v28  }
0xee: {  	v44 =	vmul.f32 $3.200000000e+01, v14;
	v48 =	vld [tilespmem:s28+$0x1670];
	[tilespmem:s28+$0x10E60] =	vst v3;
	v3 =	vadd.f32 v11, v39  }
0xef: {  	v59 =	vmul.f32 $3.200000000e+01, v26;
	v33 =	vld [tilespmem:s28+$0x9630];
	v37 =	vmul.f32 $3.200000000e+01, v9;
	[tilespmem:s28+$0x10E50] =	vst v36;
	v26 =	vadd.f32 v29, v62  }
0xf0: {  	v28 =	vld [tilespmem:s28+$0x1A30];
	v49 =	vmul.f32 $3.200000000e+01, v18;
	[tilespmem:s28+$0x11200] =	vst v3;
	v3 =	vadd.f32 v15, v44  }
0xf1: {  	v54 =	vmul.f32 $3.200000000e+01, v22;
	v40 =	vld [tilespmem:s28+$0x9650];
	v41 =	vadd.f32 v8, v37;
	[tilespmem:s28+$0x11610] =	vst v26;
	v52 =	vmul.f32 $3.200000000e+01, v20  }
0xf2: {  	v29 =	vmul.f32 $3.200000000e+01, v34;
	v34 =	vmul.f32 $3.200000000e+01, v43;
	v43 =	vld [tilespmem:s28+$0x1A60];
	[tilespmem:s28+$0x11220] =	vst v3;
	v3 =	vadd.f32 v19, v49  }
0xf3: {  	v45 =	vld [tilespmem:s28+$0x9660];
	[tilespmem:s28+$0x10E70] =	vst v41;
	v56 =	vadd.f32 v21, v52;
	v37 =	vmul.f32 $3.200000000e+01, v48  }
0xf4: {  	v60 =	vld [tilespmem:s28+$0x9A10];
	[tilespmem:s28+$0x11240] =	vst v3;
	v3 =	vadd.f32 v23, v54  }
0xf5: {  	v53 =	vld [tilespmem:s28+$0x1A00];
	v57 =	vmul.f32 $3.200000000e+01, v24;
	[tilespmem:s28+$0x11250] =	vst v56;
	v41 =	vadd.f32 v50, v37  }
0xf6: {  	v24 =	vmul.f32 $3.200000000e+01, v30;
	v30 =	vld [tilespmem:s28+$0x9A30];
	[tilespmem:s28+$0x11260] =	vst v3;
	v3 =	vadd.f32 v27, v59  }
0xf7: {  	v42 =	vmul.f32 $3.200000000e+01, v58;
	v61 =	vadd.f32 v25, v57;
	v63 =	vld [tilespmem:s28+$0x1A20];
	[tilespmem:s28+$0x11670] =	vst v41  }
0xf8: {  	v25 =	vld [tilespmem:s28+$0x9A20];
	v27 =	vmul.f32 $3.200000000e+01, v32;
	[tilespmem:s28+$0x11600] =	vst v3;
	v3 =	vadd.f32 v31, v24  }
0xf9: {  	v47 =	vmul.f32 $3.200000000e+01, v28;
	[tilespmem:s28+$0x11270] =	vst v61;
	v46 =	vadd.f32 v60, v42;
	v32 =	vmul.f32 $3.200000000e+01, v38;
	v38 =	vld [tilespmem:s28+$0x1A50]  }
0xfa: {  	v31 =	vadd.f32 v33, v27;
	v33 =	vld [tilespmem:s28+$0x1A40];
	[tilespmem:s28+$0x11620] =	vst v3;
	v3 =	vadd.f32 v35, v29  }
0xfb: {  	v51 =	vadd.f32 v30, v47;
	[tilespmem:s28+$0x11A10] =	vst v46;
	v36 =	vadd.f32 v40, v32;
	v40 =	vld [tilespmem:s28+$0x9A50]  }
0xfc: {  	v39 =	vmul.f32 $3.200000000e+01, v53;
	[tilespmem:s28+$0x11640] =	vst v3;
	v3 =	vadd.f32 v45, v34;
	v45 =	vld [tilespmem:s28+$0x1A70]  }
0xfd: {  	[tilespmem:s28+$0x11A30] =	vst v51;
	v35 =	vld [tilespmem:s28+$0x9A40]  }
0xfe: {  	v50 =	vld [tilespmem:s28+$0x9A70];
	v44 =	vmul.f32 $3.200000000e+01, v63;
	[tilespmem:s28+$0x11660] =	vst v3;
	v3 =	vadd.f32 v55, v39  }
0xff: {  	v48 =	vld [tilespmem:s28+$0x9A60];
	[tilespmem:s28+$0x11630] =	vst v31;
	v52 =	vmul.f32 $3.200000000e+01, v38  }
0x100: {  	v49 =	vmul.f32 $3.200000000e+01, v33;
	[tilespmem:s28+$0x11A00] =	vst v3;
	v3 =	vadd.f32 v25, v44  }
0x101: {  	[tilespmem:s28+$0x11650] =	vst v36;
	v54 =	vadd.f32 v40, v52;
	v55 =	vmul.f32 $3.200000000e+01, v45  }
0x102: {  	v53 =	vmul.f32 $3.200000000e+01, v43;
	[tilespmem:s28+$0x11A20] =	vst v3;
	v3 =	vadd.f32 v35, v49  }
0x103: {  	s30 =	sand.u32 $0x7, s23;
	[tilespmem:s28+$0x11A50] =	vst v54;
	v56 =	vadd.f32 v50, v55  }
0x104: {  	s29 =	sshll.u32 s30, $0x7;
	[tilespmem:s28+$0x11A40] =	vst v3;
	v3 =	vadd.f32 v48, v53  }
0x105: {  	s29 =	sadd.s32 s29, s25;
	[tilespmem:s28+$0x11A70] =	vst v56  }
0x106: {  	s30 =	sor.u32 $0x1C00, s29;
	[tilespmem:s28+$0x11A60] =	vst v3  }
0x107: {  	v3 =	vld [tilespmem:s30+$0x200];
	_ =	sdelay $0x1  }
0x108: {  	v4 =	vld [tilespmem:s30+$0x8200];
	_ =	sdelay $0x2  }
0x109: {  	v3 =	vmul.f32 $3.200000000e+01, v3;
	_ =	sdelay $0x1  }
0x10a: {  	v3 =	vadd.f32 v4, v3;
	_ =	sdelay $0x1  }
0x10b: {  	[tilespmem:s30+$0x10200] =	vst v3;
	s30 =	sor.u32 $0x1C10, s29  }
0x10c: {  	v3 =	vld [tilespmem:s30+$0x200];
	_ =	sdelay $0x1  }
0x10d: {  	v57 =	vld [tilespmem:s30+$0x8200];
	_ =	sdelay $0x2  }
0x10e: {  	v3 =	vmul.f32 $3.200000000e+01, v3;
	_ =	sdelay $0x1  }
0x10f: {  	v3 =	vadd.f32 v57, v3;
	_ =	sdelay $0x1  }
0x110: {  	[tilespmem:s30+$0x10200] =	vst v3;
	s30 =	sor.u32 $0x1C20, s29  }
0x111: {  	v3 =	vld [tilespmem:s30+$0x200];
	_ =	sdelay $0x1  }
0x112: {  	v58 =	vld [tilespmem:s30+$0x8200];
	_ =	sdelay $0x2  }
0x113: {  	v3 =	vmul.f32 $3.200000000e+01, v3;
	_ =	sdelay $0x1  }
0x114: {  	v3 =	vadd.f32 v58, v3;
	_ =	sdelay $0x1  }
0x115: {  	[tilespmem:s30+$0x10200] =	vst v3;
	s30 =	sor.u32 $0x1C30, s29  }
0x116: {  	v3 =	vld [tilespmem:s30+$0x200];
	_ =	sdelay $0x1  }
0x117: {  	v59 =	vld [tilespmem:s30+$0x8200];
	_ =	sdelay $0x2  }
0x118: {  	v3 =	vmul.f32 $3.200000000e+01, v3;
	_ =	sdelay $0x1  }
0x119: {  	v3 =	vadd.f32 v59, v3;
	_ =	sdelay $0x1  }
0x11a: {  	[tilespmem:s30+$0x10200] =	vst v3;
	s30 =	sor.u32 $0x1C40, s29  }
0x11b: {  	v3 =	vld [tilespmem:s30+$0x200];
	_ =	sdelay $0x1  }
0x11c: {  	v60 =	vld [tilespmem:s30+$0x8200];
	_ =	sdelay $0x2  }
0x11d: {  	v3 =	vmul.f32 $3.200000000e+01, v3;
	_ =	sdelay $0x1  }
0x11e: {  	v3 =	vadd.f32 v60, v3;
	_ =	sdelay $0x1  }
0x11f: {  	[tilespmem:s30+$0x10200] =	vst v3;
	s30 =	sor.u32 $0x1C50, s29  }
0x120: {  	v3 =	vld [tilespmem:s30+$0x200];
	_ =	sdelay $0x1  }
0x121: {  	v61 =	vld [tilespmem:s30+$0x8200];
	_ =	sdelay $0x2  }
0x122: {  	v3 =	vmul.f32 $3.200000000e+01, v3;
	_ =	sdelay $0x1  }
0x123: {  	v3 =	vadd.f32 v61, v3;
	_ =	sdelay $0x1  }
0x124: {  	[tilespmem:s30+$0x10200] =	vst v3;
	s30 =	sor.u32 $0x1C60, s29  }
0x125: {  	v3 =	vld [tilespmem:s30+$0x200];
	_ =	sdelay $0x1  }
0x126: {  	v62 =	vld [tilespmem:s30+$0x8200];
	_ =	sdelay $0x2  }
0x127: {  	v3 =	vmul.f32 $3.200000000e+01, v3;
	_ =	sdelay $0x1  }
0x128: {  	v3 =	vadd.f32 v62, v3;
	_ =	sdelay $0x1  }
0x129: {  	[tilespmem:s30+$0x10200] =	vst v3;
	s30 =	sor.u32 $0x1C70, s29  }
0x12a: {  	v3 =	vld [tilespmem:s30+$0x200];
	_ =	sdelay $0x1  }
0x12b: {  	v63 =	vld [tilespmem:s30+$0x8200];
	_ =	sdelay $0x1  }
0x12c: {  	p0 =	sne.s32 s26, $0x780  }
.Ltmp2:
0x12d: {  	v3 =	vmul.f32 $3.200000000e+01, v3;
	(pc) =	sbr.rel @p0 .LBB2_3-.Ltmp2, $4  }
0x12e: {  	_ = 	snop  }
0x12f: {  	v3 =	vadd.f32 v63, v3  }
0x130: {  	s23 =	sadd.s32 $0x1, s23  }
0x131: {  	s24 =	sadd.s32 $0x400, s24;
	s26 =	sadd.s32 $0x80, s26;
	s25 =	sadd.s32 $0x400, s25;
	[tilespmem:s30+$0x10200] =	vst v3  }
0x132: {  	s23 =	sshll.u32 s21, $0xC  }
0x133: {  	p0 =	seq.s32 s21, $0x7;
	s23 =	sadd.s32 s23, s13  }
0x134: {  	[hbm4b:s23+s4] =	stream.linear.scatter [tilespmem:s6], [sflag:$0x3], $0x4000, $0x38;
	[tilespmem:$0x18200] =	vst v63  }
0x135: {  	v3 =	vld @!p0 [tilespmem:s22+$0x20];
	_ =	sdelay $0x4  }
0x136: {  	v4 =	vshll.u32 @!p0 v3, $0x3  }
0x137: {  	v5 =	vlaneseq.u32 @!p0;
	v3 =	vand.u32 @!p0 $0x7, v3;
	v4 =	vand.u32 @!p0 $0xFFFFFFC0, v4  }
0x138: {  	v6 =	vshrl.u32 @!p0 v5, $0x3;
	v3 =	vor.u32 @!p0 v3, v4;
	v4 =	vand.u32 @!p0 $0x7, v5  }
0x139: {  	v6 =	vmul.u32 @!p0 $0x8, v6;
	v7 =	vperm.xlane @!p0 v3, v4;
	_ =	sdelay $0x1  }
0x13a: {  	v7 =	vadd.s32 @!p0 v6, v7;
	_ =	sdelay $0x3  }
0x13b: {  	vm1 =	vmmov @!p0 $0xffff;
	s24 =	simm.s32 @!p0 $0x0;
	s25 =	simm.s32 @!p0 $0x200  }
0x13c: {  	v5 =	vor.u32 @!p0 $0x8, v5;
	[tilespmem:s25], [sflag:$0x1] =	stream.indirect_vreg.gather @!p0 [hbm4b:s1+s24], $0x80, v7, vm1, $0xb8;
	[tilespmem:$0x18200] =	vst v63  }
0x13d: {  	v3 =	vperm.xlane @!p0 v3, v5;
	s25 =	simm.s32 @!p0 $0xA00  }
0x13e: {  	[tilespmem:s25], [sflag:$0x1] =	stream.indirect_vreg.gather @!p0 [hbm4b:s7+s24], $0x80, v7, vm1, $0xb8;
	[tilespmem:$0x18200] =	vst v63  }
0x13f: {  	v3 =	vadd.s32 @!p0 v6, v3;
	s25 =	simm.s32 @!p0 $0x1200  }
0x140: {  	[tilespmem:s25], [sflag:$0x1] =	stream.indirect_vreg.gather @!p0 [hbm4b:s8+s24], $0x80, v7, vm1, $0xb8;
	[tilespmem:$0x18200] =	vst v63  }
0x141: {  	s25 =	simm.s32 @!p0 $0x1A00  }
0x142: {  	[tilespmem:s25], [sflag:$0x1] =	stream.indirect_vreg.gather @!p0 [hbm4b:s9+s24], $0x80, v7, vm1, $0xb8;
	[tilespmem:$0x18200] =	vst v63  }
0x143: {  	s25 =	simm.s32 @!p0 $0x2200  }
0x144: {  	[tilespmem:s25], [sflag:$0x1] =	stream.indirect_vreg.gather @!p0 [hbm4b:s1+s24], $0x80, v3, vm1, $0xb8;
	[tilespmem:$0x18200] =	vst v63  }
0x145: {  	s25 =	simm.s32 @!p0 $0x2A00  }
0x146: {  	[tilespmem:s25], [sflag:$0x1] =	stream.indirect_vreg.gather @!p0 [hbm4b:s7+s24], $0x80, v3, vm1, $0xb8;
	[tilespmem:$0x18200] =	vst v63  }
0x147: {  	s25 =	simm.s32 @!p0 $0x3200  }
0x148: {  	[tilespmem:s25], [sflag:$0x1] =	stream.indirect_vreg.gather @!p0 [hbm4b:s8+s24], $0x80, v3, vm1, $0xb8;
	[tilespmem:$0x18200] =	vst v63  }
0x149: {  	s25 =	simm.s32 @!p0 $0x3A00  }
0x14a: {  	[tilespmem:s25], [sflag:$0x1] =	stream.indirect_vreg.gather @!p0 [hbm4b:s9+s24], $0x80, v3, vm1, $0xb8;
	[tilespmem:$0x18200] =	vst v63  }
0x14b: {  	v3 =	vld @!p0 [tilespmem:s22+$0x120];
	_ =	sdelay $0x4  }
0x14c: {  	v7 =	vshll.u32 @!p0 v3, $0x3  }
0x14d: {  	v3 =	vand.u32 @!p0 $0x7, v3;
	v7 =	vand.u32 @!p0 $0xFFFFFFC0, v7  }
0x14e: {  	v3 =	vor.u32 @!p0 v3, v7  }
0x14f: {  	v4 =	vperm.xlane @!p0 v3, v4;
	_ =	sdelay $0x1  }
0x150: {  	v4 =	vadd.s32 @!p0 v6, v4;
	_ =	sdelay $0x3  }
0x151: {  	s25 =	simm.s32 @!p0 $0x8200  }
0x152: {  	[tilespmem:s25], [sflag:$0x1] =	stream.indirect_vreg.gather @!p0 [hbm4b:s3+s24], $0x80, v4, vm1, $0xb8;
	[tilespmem:$0x18200] =	vst v63  }
0x153: {  	v3 =	vperm.xlane @!p0 v3, v5;
	s25 =	simm.s32 @!p0 $0x8A00  }
0x154: {  	[tilespmem:s25], [sflag:$0x1] =	stream.indirect_vreg.gather @!p0 [hbm4b:s10+s24], $0x80, v4, vm1, $0xb8;
	[tilespmem:$0x18200] =	vst v63  }
0x155: {  	v3 =	vadd.s32 @!p0 v6, v3;
	s25 =	simm.s32 @!p0 $0x9200  }
0x156: {  	[tilespmem:s25], [sflag:$0x1] =	stream.indirect_vreg.gather @!p0 [hbm4b:s11+s24], $0x80, v4, vm1, $0xb8;
	[tilespmem:$0x18200] =	vst v63  }
0x157: {  	s25 =	simm.s32 @!p0 $0x9A00  }
0x158: {  	[tilespmem:s25], [sflag:$0x1] =	stream.indirect_vreg.gather @!p0 [hbm4b:s12+s24], $0x80, v4, vm1, $0xb8;
	[tilespmem:$0x18200] =	vst v63  }
0x159: {  	s25 =	simm.s32 @!p0 $0xA200  }
0x15a: {  	[tilespmem:s25], [sflag:$0x1] =	stream.indirect_vreg.gather @!p0 [hbm4b:s3+s24], $0x80, v3, vm1, $0xb8;
	[tilespmem:$0x18200] =	vst v63  }
0x15b: {  	s25 =	simm.s32 @!p0 $0xAA00  }
0x15c: {  	[tilespmem:s25], [sflag:$0x1] =	stream.indirect_vreg.gather @!p0 [hbm4b:s10+s24], $0x80, v3, vm1, $0xb8;
	[tilespmem:$0x18200] =	vst v63  }
0x15d: {  	p1 =	seq.s32 @!p0 s21, $0x0;
	s25 =	simm.s32 @!p0 $0xB200  }
0x15e: {  	[tilespmem:s25], [sflag:$0x1] =	stream.indirect_vreg.gather @!p0 [hbm4b:s11+s24], $0x80, v3, vm1, $0xb8;
	[tilespmem:$0x18200] =	vst v63  }
0x15f: {  	p1 =	por p0, !p1;
	s25 =	simm.s32 @!p0 $0xBA00  }
0x160: {  	[tilespmem:s25], [sflag:$0x1] =	stream.indirect_vreg.gather @!p0 [hbm4b:s12+s24], $0x80, v3, vm1, $0xb8;
	[tilespmem:$0x18200] =	vst v63  }
0x161: {  	_ =	swait.ge @p1 [sflag:s16], $0x4000  }
0x162: {  	[sflag:s16] =	ssyncset.done @p1 $0x0  }
0x163: {  	[sflag:s16] =	ssyncadd.s32 @p1 $0xFFFFC000  }
0x164: {  	_ =	swait.ge [sflag:s19], $0x4000  }
0x165: {  	[sflag:s19] =	ssyncset.done $0x0  }
0x166: {  	[sflag:s19] =	ssyncadd.s32 $0xFFFFC000  }
0x167: {  	_ =	swait.ge [sflag:s19], $0x4000  }
0x168: {  	s26 =	simm.s32 $0x0;
	s28 =	simm.s32 $0x0;
	[sflag:s19] =	ssyncset.done $0x0  }
0x169: {  	s24 =	simm.s32 $0x0;
	s25 =	simm.s32 $0xFFFFC000;
	[sflag:s19] =	ssyncadd.s32 $0xFFFFC000  }
.LBB2_5:
0x16a: {  	s29 =	sadd.s32 $0x4000, s25  }
0x16b: {  	s30 =	sand.u32 $0x380, s28;
	s29 =	sand.u32 $0x2000, s29  }
0x16c: {  	s29 =	sor.u32 s30, s29  }
0x16d: {  	v3 =	vld [tilespmem:s29+$0x4200]  }
0x16e: {  	v4 =	vld [tilespmem:s29+$0xC200]  }
0x16f: {  	v5 =	vld [tilespmem:s29+$0x4210]  }
0x170: {  	v6 =	vld [tilespmem:s29+$0xC210]  }
0x171: {  	v7 =	vld [tilespmem:s29+$0x4220]  }
0x172: {  	v8 =	vld [tilespmem:s29+$0xC220]  }
0x173: {  	v9 =	vld [tilespmem:s29+$0x4230]  }
0x174: {  	v10 =	vld [tilespmem:s29+$0xC230]  }
0x175: {  	v11 =	vld [tilespmem:s29+$0x4240]  }
0x176: {  	v12 =	vld [tilespmem:s29+$0xC240]  }
0x177: {  	v13 =	vld [tilespmem:s29+$0x4250]  }
0x178: {  	v14 =	vld [tilespmem:s29+$0xC250]  }
0x179: {  	v15 =	vld [tilespmem:s29+$0x4260]  }
0x17a: {  	v16 =	vld [tilespmem:s29+$0xC260]  }
0x17b: {  	v17 =	vld [tilespmem:s29+$0x4270]  }
0x17c: {  	v18 =	vld [tilespmem:s29+$0xC270]  }
0x17d: {  	v19 =	vld [tilespmem:s29+$0x4600]  }
0x17e: {  	v20 =	vld [tilespmem:s29+$0xC600]  }
0x17f: {  	v21 =	vld [tilespmem:s29+$0x4610]  }
0x180: {  	v22 =	vld [tilespmem:s29+$0xC610]  }
0x181: {  	v23 =	vld [tilespmem:s29+$0x4620]  }
0x182: {  	v24 =	vld [tilespmem:s29+$0xC620]  }
0x183: {  	v25 =	vld [tilespmem:s29+$0x4630]  }
0x184: {  	v26 =	vld [tilespmem:s29+$0xC630]  }
0x185: {  	v27 =	vld [tilespmem:s29+$0x4640]  }
0x186: {  	v28 =	vld [tilespmem:s29+$0xC640]  }
0x187: {  	v29 =	vld [tilespmem:s29+$0x4650]  }
0x188: {  	v30 =	vld [tilespmem:s29+$0xC650]  }
0x189: {  	v31 =	vld [tilespmem:s29+$0x4660]  }
0x18a: {  	v32 =	vld [tilespmem:s29+$0xC660]  }
0x18b: {  	v33 =	vld [tilespmem:s29+$0x4670]  }
0x18c: {  	v34 =	vld [tilespmem:s29+$0xC670]  }
0x18d: {  	v35 =	vld [tilespmem:s29+$0x4A00]  }
0x18e: {  	v36 =	vld [tilespmem:s29+$0xCA00]  }
0x18f: {  	v37 =	vld [tilespmem:s29+$0x4A10]  }
0x190: {  	v38 =	vld [tilespmem:s29+$0xCA10]  }
0x191: {  	v39 =	vld [tilespmem:s29+$0x4A20]  }
0x192: {  	v40 =	vld [tilespmem:s29+$0xCA20]  }
0x193: {  	v41 =	vld [tilespmem:s29+$0x4A30]  }
0x194: {  	v42 =	vld [tilespmem:s29+$0xCA30]  }
0x195: {  	v43 =	vld [tilespmem:s29+$0x4A40]  }
0x196: {  	v44 =	vld [tilespmem:s29+$0xCA40]  }
0x197: {  	v45 =	vld [tilespmem:s29+$0x4A50]  }
0x198: {  	v46 =	vld [tilespmem:s29+$0xCA50]  }
0x199: {  	v47 =	vld [tilespmem:s29+$0x4A60]  }
0x19a: {  	v48 =	vld [tilespmem:s29+$0xCA60]  }
0x19b: {  	v49 =	vld [tilespmem:s29+$0x4A70]  }
0x19c: {  	v50 =	vld [tilespmem:s29+$0xCA70]  }
0x19d: {  	v51 =	vld [tilespmem:s29+$0x4E00]  }
0x19e: {  	v52 =	vld [tilespmem:s29+$0xCE00]  }
0x19f: {  	v53 =	vld [tilespmem:s29+$0x4E10]  }
0x1a0: {  	v54 =	vld [tilespmem:s29+$0xCE10]  }
0x1a1: {  	v55 =	vld [tilespmem:s29+$0x4E20]  }
0x1a2: {  	v56 =	vld [tilespmem:s29+$0xCE20]  }
0x1a3: {  	v57 =	vld [tilespmem:s29+$0x4E30]  }
0x1a4: {  	v58 =	vld [tilespmem:s29+$0xCE30]  }
0x1a5: {  	v59 =	vld [tilespmem:s29+$0x4E40]  }
0x1a6: {  	v60 =	vld [tilespmem:s29+$0xCE40]  }
0x1a7: {  	v61 =	vld [tilespmem:s29+$0x4E50];
	v3 =	vmul.f32 $3.200000000e+01, v3  }
0x1a8: {  	v62 =	vld [tilespmem:s29+$0xCE50];
	v5 =	vmul.f32 $3.200000000e+01, v5  }
0x1a9: {  	v63 =	vld [tilespmem:s29+$0x4E60];
	v3 =	vadd.f32 v4, v3;
	v4 =	vmul.f32 $3.200000000e+01, v7  }
0x1aa: {  	v7 =	vld [tilespmem:s29+$0xCE60];
	v5 =	vadd.f32 v6, v5;
	v6 =	vmul.f32 $3.200000000e+01, v9  }
0x1ab: {  	v13 =	vmul.f32 $3.200000000e+01, v13;
	v9 =	vld [tilespmem:s29+$0x4E70];
	[tilespmem:s29+$0x14200] =	vst v3;
	v3 =	vadd.f32 v8, v4;
	v4 =	vmul.f32 $3.200000000e+01, v11  }
0x1ac: {  	v8 =	vld [tilespmem:s29+$0xCE70];
	[tilespmem:s29+$0x14210] =	vst v5;
	v5 =	vadd.f32 v10, v6;
	v6 =	vmul.f32 $3.200000000e+01, v17;
	v17 =	vmul.f32 $3.200000000e+01, v19  }
0x1ad: {  	v10 =	vld [tilespmem:s29+$0x5200];
	v19 =	vmul.f32 $3.200000000e+01, v21;
	v21 =	vmul.f32 $3.200000000e+01, v23  }
0x1ae: {  	v11 =	vld [tilespmem:s29+$0xD200];
	v23 =	vmul.f32 $3.200000000e+01, v25;
	v25 =	vmul.f32 $3.200000000e+01, v27;
	[tilespmem:s29+$0x14220] =	vst v3;
	v3 =	vadd.f32 v12, v4  }
0x1af: {  	v27 =	vmul.f32 $3.200000000e+01, v29;
	v4 =	vmul.f32 $3.200000000e+01, v15;
	[tilespmem:s29+$0x14230] =	vst v5;
	v5 =	vadd.f32 v14, v13;
	v12 =	vld [tilespmem:s29+$0x5210]  }
0x1b0: {  	v29 =	vmul.f32 $3.200000000e+01, v31;
	v31 =	vmul.f32 $3.200000000e+01, v33;
	v13 =	vld [tilespmem:s29+$0xD210];
	v18 =	vadd.f32 v18, v6;
	[tilespmem:s29+$0x14240] =	vst v3  }
0x1b1: {  	v33 =	vmul.f32 $3.200000000e+01, v35;
	v35 =	vmul.f32 $3.200000000e+01, v37;
	v14 =	vld [tilespmem:s29+$0x5220];
	v3 =	vadd.f32 v16, v4;
	[tilespmem:s29+$0x14250] =	vst v5  }
0x1b2: {  	v37 =	vmul.f32 $3.200000000e+01, v39;
	v39 =	vmul.f32 $3.200000000e+01, v41;
	v15 =	vld [tilespmem:s29+$0xD220];
	v22 =	vadd.f32 v22, v19;
	[tilespmem:s29+$0x14270] =	vst v18  }
0x1b3: {  	v41 =	vmul.f32 $3.200000000e+01, v43;
	v43 =	vmul.f32 $3.200000000e+01, v45;
	v19 =	vld [tilespmem:s29+$0xD240];
	[tilespmem:s29+$0x14260] =	vst v3;
	v3 =	vadd.f32 v20, v17  }
0x1b4: {  	v45 =	vmul.f32 $3.200000000e+01, v47;
	v47 =	vmul.f32 $3.200000000e+01, v49;
	v26 =	vadd.f32 v26, v23;
	v23 =	vld [tilespmem:s29+$0xD260];
	[tilespmem:s29+$0x14610] =	vst v22  }
0x1b5: {  	v49 =	vmul.f32 $3.200000000e+01, v51;
	v30 =	vadd.f32 v30, v27;
	v27 =	vld [tilespmem:s29+$0xD600];
	[tilespmem:s29+$0x14600] =	vst v3;
	v3 =	vadd.f32 v24, v21  }
0x1b6: {  	v51 =	vmul.f32 $3.200000000e+01, v53;
	v53 =	vmul.f32 $3.200000000e+01, v55;
	v34 =	vadd.f32 v34, v31;
	v31 =	vld [tilespmem:s29+$0xD620];
	[tilespmem:s29+$0x14630] =	vst v26  }
0x1b7: {  	v55 =	vmul.f32 $3.200000000e+01, v57;
	v38 =	vadd.f32 v38, v35;
	v35 =	vld [tilespmem:s29+$0xD640];
	[tilespmem:s29+$0x14620] =	vst v3;
	v3 =	vadd.f32 v28, v25  }
0x1b8: {  	v46 =	vadd.f32 v46, v43;
	v43 =	vld [tilespmem:s29+$0x5660];
	[tilespmem:s29+$0x14650] =	vst v30  }
0x1b9: {  	v57 =	vmul.f32 $3.200000000e+01, v59;
	v59 =	vadd.f32 v58, v55;
	v55 =	vld [tilespmem:s29+$0xDA00];
	[tilespmem:s29+$0x14640] =	vst v3;
	v3 =	vadd.f32 v32, v29  }
0x1ba: {  	v58 =	vld [tilespmem:s29+$0x5A10];
	[tilespmem:s29+$0x14670] =	vst v34  }
0x1bb: {  	v16 =	vld [tilespmem:s29+$0x5230];
	[tilespmem:s29+$0x14660] =	vst v3;
	v3 =	vadd.f32 v36, v33  }
0x1bc: {  	v42 =	vadd.f32 v42, v39;
	v18 =	vld [tilespmem:s29+$0x5240];
	[tilespmem:s29+$0x14A10] =	vst v38  }
0x1bd: {  	v22 =	vld [tilespmem:s29+$0x5260];
	[tilespmem:s29+$0x14A00] =	vst v3;
	v3 =	vadd.f32 v40, v37  }
0x1be: {  	v26 =	vld [tilespmem:s29+$0x5600];
	[tilespmem:s29+$0x14A30] =	vst v42  }
0x1bf: {  	v30 =	vld [tilespmem:s29+$0x5620];
	[tilespmem:s29+$0x14A20] =	vst v3;
	v3 =	vadd.f32 v44, v41  }
0x1c0: {  	v50 =	vadd.f32 v50, v47;
	[tilespmem:s29+$0x14A50] =	vst v46;
	v34 =	vld [tilespmem:s29+$0x5640]  }
0x1c1: {  	v38 =	vld [tilespmem:s29+$0x5650];
	[tilespmem:s29+$0x14A40] =	vst v3;
	v3 =	vadd.f32 v48, v45  }
0x1c2: {  	v54 =	vadd.f32 v54, v51;
	[tilespmem:s29+$0x14A70] =	vst v50;
	v50 =	vld [tilespmem:s29+$0xD670]  }
0x1c3: {  	v17 =	vld [tilespmem:s29+$0xD230];
	[tilespmem:s29+$0x14A60] =	vst v3;
	v3 =	vadd.f32 v52, v49  }
0x1c4: {  	[tilespmem:s29+$0x14E10] =	vst v54;
	v20 =	vld [tilespmem:s29+$0x5250];
	v42 =	vmul.f32 $3.200000000e+01, v12  }
0x1c5: {  	v28 =	vld [tilespmem:s29+$0x5610];
	[tilespmem:s29+$0x14E00] =	vst v3;
	v3 =	vadd.f32 v56, v53  }
0x1c6: {  	[tilespmem:s29+$0x14E30] =	vst v59;
	v21 =	vld [tilespmem:s29+$0xD250];
	v46 =	vadd.f32 v13, v42;
	v47 =	vmul.f32 $3.200000000e+01, v16  }
0x1c7: {  	v63 =	vmul.f32 $3.200000000e+01, v63;
	v29 =	vld [tilespmem:s29+$0xD610];
	[tilespmem:s29+$0x14E20] =	vst v3;
	v3 =	vadd.f32 v60, v57  }
0x1c8: {  	v61 =	vmul.f32 $3.200000000e+01, v61;
	v24 =	vld [tilespmem:s29+$0x5270];
	[tilespmem:s29+$0x15210] =	vst v46;
	v51 =	vadd.f32 v17, v47  }
0x1c9: {  	v39 =	vmul.f32 $3.200000000e+01, v10;
	v25 =	vld [tilespmem:s29+$0xD270];
	[tilespmem:s29+$0x14E40] =	vst v3;
	v3 =	vadd.f32 v7, v63  }
0x1ca: {  	v32 =	vld [tilespmem:s29+$0x5630];
	[tilespmem:s29+$0x15230] =	vst v51;
	v36 =	vadd.f32 v62, v61;
	v62 =	vmul.f32 $3.200000000e+01, v28  }
0x1cb: {  	v44 =	vmul.f32 $3.200000000e+01, v14;
	v48 =	vld [tilespmem:s29+$0x5670];
	[tilespmem:s29+$0x14E60] =	vst v3;
	v3 =	vadd.f32 v11, v39  }
0x1cc: {  	v59 =	vmul.f32 $3.200000000e+01, v26;
	v33 =	vld [tilespmem:s29+$0xD630];
	v37 =	vmul.f32 $3.200000000e+01, v9;
	[tilespmem:s29+$0x14E50] =	vst v36;
	v26 =	vadd.f32 v29, v62  }
0x1cd: {  	v28 =	vld [tilespmem:s29+$0x5A30];
	v49 =	vmul.f32 $3.200000000e+01, v18;
	[tilespmem:s29+$0x15200] =	vst v3;
	v3 =	vadd.f32 v15, v44  }
0x1ce: {  	v54 =	vmul.f32 $3.200000000e+01, v22;
	v40 =	vld [tilespmem:s29+$0xD650];
	v41 =	vadd.f32 v8, v37;
	[tilespmem:s29+$0x15610] =	vst v26;
	v52 =	vmul.f32 $3.200000000e+01, v20  }
0x1cf: {  	v29 =	vmul.f32 $3.200000000e+01, v34;
	v34 =	vmul.f32 $3.200000000e+01, v43;
	v43 =	vld [tilespmem:s29+$0x5A60];
	[tilespmem:s29+$0x15220] =	vst v3;
	v3 =	vadd.f32 v19, v49  }
0x1d0: {  	v45 =	vld [tilespmem:s29+$0xD660];
	[tilespmem:s29+$0x14E70] =	vst v41;
	v56 =	vadd.f32 v21, v52;
	v37 =	vmul.f32 $3.200000000e+01, v48  }
0x1d1: {  	v60 =	vld [tilespmem:s29+$0xDA10];
	[tilespmem:s29+$0x15240] =	vst v3;
	v3 =	vadd.f32 v23, v54  }
0x1d2: {  	v53 =	vld [tilespmem:s29+$0x5A00];
	v57 =	vmul.f32 $3.200000000e+01, v24;
	[tilespmem:s29+$0x15250] =	vst v56;
	v41 =	vadd.f32 v50, v37  }
0x1d3: {  	v24 =	vmul.f32 $3.200000000e+01, v30;
	v30 =	vld [tilespmem:s29+$0xDA30];
	[tilespmem:s29+$0x15260] =	vst v3;
	v3 =	vadd.f32 v27, v59  }
0x1d4: {  	v42 =	vmul.f32 $3.200000000e+01, v58;
	v61 =	vadd.f32 v25, v57;
	v63 =	vld [tilespmem:s29+$0x5A20];
	[tilespmem:s29+$0x15670] =	vst v41  }
0x1d5: {  	v25 =	vld [tilespmem:s29+$0xDA20];
	v27 =	vmul.f32 $3.200000000e+01, v32;
	[tilespmem:s29+$0x15600] =	vst v3;
	v3 =	vadd.f32 v31, v24  }
0x1d6: {  	v47 =	vmul.f32 $3.200000000e+01, v28;
	[tilespmem:s29+$0x15270] =	vst v61;
	v46 =	vadd.f32 v60, v42;
	v32 =	vmul.f32 $3.200000000e+01, v38;
	v38 =	vld [tilespmem:s29+$0x5A50]  }
0x1d7: {  	v31 =	vadd.f32 v33, v27;
	v33 =	vld [tilespmem:s29+$0x5A40];
	[tilespmem:s29+$0x15620] =	vst v3;
	v3 =	vadd.f32 v35, v29  }
0x1d8: {  	v51 =	vadd.f32 v30, v47;
	[tilespmem:s29+$0x15A10] =	vst v46;
	v36 =	vadd.f32 v40, v32;
	v40 =	vld [tilespmem:s29+$0xDA50]  }
0x1d9: {  	v39 =	vmul.f32 $3.200000000e+01, v53;
	[tilespmem:s29+$0x15640] =	vst v3;
	v3 =	vadd.f32 v45, v34;
	v45 =	vld [tilespmem:s29+$0x5A70]  }
0x1da: {  	[tilespmem:s29+$0x15A30] =	vst v51;
	v35 =	vld [tilespmem:s29+$0xDA40]  }
0x1db: {  	v50 =	vld [tilespmem:s29+$0xDA70];
	v44 =	vmul.f32 $3.200000000e+01, v63;
	[tilespmem:s29+$0x15660] =	vst v3;
	v3 =	vadd.f32 v55, v39  }
0x1dc: {  	v48 =	vld [tilespmem:s29+$0xDA60];
	[tilespmem:s29+$0x15630] =	vst v31;
	v52 =	vmul.f32 $3.200000000e+01, v38  }
0x1dd: {  	v49 =	vmul.f32 $3.200000000e+01, v33;
	[tilespmem:s29+$0x15A00] =	vst v3;
	v3 =	vadd.f32 v25, v44  }
0x1de: {  	[tilespmem:s29+$0x15650] =	vst v36;
	v54 =	vadd.f32 v40, v52;
	v55 =	vmul.f32 $3.200000000e+01, v45  }
0x1df: {  	v53 =	vmul.f32 $3.200000000e+01, v43;
	[tilespmem:s29+$0x15A20] =	vst v3;
	v3 =	vadd.f32 v35, v49  }
0x1e0: {  	s30 =	sand.u32 $0x7, s24;
	[tilespmem:s29+$0x15A50] =	vst v54;
	v56 =	vadd.f32 v50, v55  }
0x1e1: {  	s30 =	sshll.u32 s30, $0x7;
	[tilespmem:s29+$0x15A40] =	vst v3;
	v3 =	vadd.f32 v48, v53  }
0x1e2: {  	s30 =	sadd.s32 s30, s26;
	[tilespmem:s29+$0x15A70] =	vst v56  }
0x1e3: {  	[tilespmem:s29+$0x15A60] =	vst v3;
	s29 =	sor.u32 $0x1C00, s30  }
0x1e4: {  	v3 =	vld [tilespmem:s29+$0x4200];
	_ =	sdelay $0x1  }
0x1e5: {  	v4 =	vld [tilespmem:s29+$0xC200];
	_ =	sdelay $0x2  }
0x1e6: {  	v3 =	vmul.f32 $3.200000000e+01, v3;
	_ =	sdelay $0x1  }
0x1e7: {  	v3 =	vadd.f32 v4, v3;
	_ =	sdelay $0x1  }
0x1e8: {  	[tilespmem:s29+$0x14200] =	vst v3;
	s29 =	sor.u32 $0x1C10, s30  }
0x1e9: {  	v3 =	vld [tilespmem:s29+$0x4200];
	_ =	sdelay $0x1  }
0x1ea: {  	v57 =	vld [tilespmem:s29+$0xC200];
	_ =	sdelay $0x2  }
0x1eb: {  	v3 =	vmul.f32 $3.200000000e+01, v3;
	_ =	sdelay $0x1  }
0x1ec: {  	v3 =	vadd.f32 v57, v3;
	_ =	sdelay $0x1  }
0x1ed: {  	[tilespmem:s29+$0x14200] =	vst v3;
	s29 =	sor.u32 $0x1C20, s30  }
0x1ee: {  	v3 =	vld [tilespmem:s29+$0x4200];
	_ =	sdelay $0x1  }
0x1ef: {  	v58 =	vld [tilespmem:s29+$0xC200];
	_ =	sdelay $0x2  }
0x1f0: {  	v3 =	vmul.f32 $3.200000000e+01, v3;
	_ =	sdelay $0x1  }
0x1f1: {  	v3 =	vadd.f32 v58, v3;
	_ =	sdelay $0x1  }
0x1f2: {  	[tilespmem:s29+$0x14200] =	vst v3;
	s29 =	sor.u32 $0x1C30, s30  }
0x1f3: {  	v3 =	vld [tilespmem:s29+$0x4200];
	_ =	sdelay $0x1  }
0x1f4: {  	v59 =	vld [tilespmem:s29+$0xC200];
	_ =	sdelay $0x2  }
0x1f5: {  	v3 =	vmul.f32 $3.200000000e+01, v3;
	_ =	sdelay $0x1  }
0x1f6: {  	v3 =	vadd.f32 v59, v3;
	_ =	sdelay $0x1  }
0x1f7: {  	[tilespmem:s29+$0x14200] =	vst v3;
	s29 =	sor.u32 $0x1C40, s30  }
0x1f8: {  	v3 =	vld [tilespmem:s29+$0x4200];
	_ =	sdelay $0x1  }
0x1f9: {  	v60 =	vld [tilespmem:s29+$0xC200];
	_ =	sdelay $0x2  }
0x1fa: {  	v3 =	vmul.f32 $3.200000000e+01, v3;
	_ =	sdelay $0x1  }
0x1fb: {  	v3 =	vadd.f32 v60, v3;
	_ =	sdelay $0x1  }
0x1fc: {  	[tilespmem:s29+$0x14200] =	vst v3;
	s29 =	sor.u32 $0x1C50, s30  }
0x1fd: {  	v3 =	vld [tilespmem:s29+$0x4200];
	_ =	sdelay $0x1  }
0x1fe: {  	v61 =	vld [tilespmem:s29+$0xC200];
	_ =	sdelay $0x2  }
0x1ff: {  	v3 =	vmul.f32 $3.200000000e+01, v3;
	_ =	sdelay $0x1  }
0x200: {  	v3 =	vadd.f32 v61, v3;
	_ =	sdelay $0x1  }
0x201: {  	[tilespmem:s29+$0x14200] =	vst v3;
	s29 =	sor.u32 $0x1C60, s30  }
0x202: {  	v3 =	vld [tilespmem:s29+$0x4200];
	_ =	sdelay $0x1  }
0x203: {  	v62 =	vld [tilespmem:s29+$0xC200];
	_ =	sdelay $0x2  }
0x204: {  	v3 =	vmul.f32 $3.200000000e+01, v3;
	_ =	sdelay $0x1  }
0x205: {  	v3 =	vadd.f32 v62, v3;
	_ =	sdelay $0x1  }
0x206: {  	s30 =	sor.u32 $0x1C70, s30;
	[tilespmem:s29+$0x14200] =	vst v3  }
0x207: {  	v3 =	vld [tilespmem:s30+$0x4200];
	_ =	sdelay $0x1  }
0x208: {  	v63 =	vld [tilespmem:s30+$0xC200];
	_ =	sdelay $0x1  }
0x209: {  	p1 =	sne.s32 s28, $0x780  }
.Ltmp3:
0x20a: {  	v3 =	vmul.f32 $3.200000000e+01, v3;
	(pc) =	sbr.rel @p1 .LBB2_5-.Ltmp3, $4  }
0x20b: {  	_ = 	snop  }
0x20c: {  	v3 =	vadd.f32 v63, v3  }
0x20d: {  	s25 =	sadd.s32 $0x400, s25  }
0x20e: {  	s28 =	sadd.s32 $0x80, s28;
	s24 =	sadd.s32 $0x1, s24;
	s26 =	sadd.s32 $0x400, s26;
	[tilespmem:s30+$0x14200] =	vst v3  }
.Ltmp4:
0x20f: {  	(pc) =	sbr.rel @p0 .LBB2_8-.Ltmp4, $3  }
0x210: {  	_ =	sdelay $0x1  }
0x211: {  	s23 =	sadd.s32 $0x800, s23  }
0x212: {  	[hbm4b:s23+s4] =	stream.linear.scatter [tilespmem:s14], [sflag:$0x4], $0x4000, $0x38;
	[tilespmem:$0x18200] =	vst v63  }
0x213: {  	v3 =	vld [tilespmem:s22+$0x30];
	_ =	sdelay $0x4  }
0x214: {  	v4 =	vshll.u32 v3, $0x3  }
0x215: {  	v3 =	vand.u32 $0x7, v3;
	v4 =	vand.u32 $0xFFFFFFC0, v4  }
0x216: {  	v3 =	vor.u32 v3, v4  }
0x217: {  	v4 =	vperm.xlane v3, v0;
	_ =	sdelay $0x1  }
0x218: {  	v4 =	vadd.s32 v1, v4;
	_ =	sdelay $0x3  }
0x219: {  	s23 =	simm.s32 $0x4200  }
0x21a: {  	[tilespmem:s23], [sflag:$0x2] =	stream.indirect_vreg.gather [hbm4b:s1+s4], $0x80, v4, vm0, $0xb8;
	[tilespmem:$0x18200] =	vst v63  }
0x21b: {  	s29 =	simm.s32 $0x4A00;
	v3 =	vperm.xlane v3, v2  }
0x21c: {  	[tilespmem:s29], [sflag:$0x2] =	stream.indirect_vreg.gather [hbm4b:s7+s4], $0x80, v4, vm0, $0xb8;
	[tilespmem:$0x18200] =	vst v63  }
0x21d: {  	s30 =	simm.s32 $0x5200;
	v3 =	vadd.s32 v1, v3  }
0x21e: {  	[tilespmem:s30], [sflag:$0x2] =	stream.indirect_vreg.gather [hbm4b:s8+s4], $0x80, v4, vm0, $0xb8;
	[tilespmem:$0x18200] =	vst v63  }
0x21f: {  	s24 =	simm.s32 $0x5A00  }
0x220: {  	[tilespmem:s24], [sflag:$0x2] =	stream.indirect_vreg.gather [hbm4b:s9+s4], $0x80, v4, vm0, $0xb8;
	[tilespmem:$0x18200] =	vst v63  }
0x221: {  	s25 =	simm.s32 $0x6200  }
0x222: {  	[tilespmem:s25], [sflag:$0x2] =	stream.indirect_vreg.gather [hbm4b:s1+s4], $0x80, v3, vm0, $0xb8;
	[tilespmem:$0x18200] =	vst v63  }
0x223: {  	s26 =	simm.s32 $0x6A00  }
0x224: {  	[tilespmem:s26], [sflag:$0x2] =	stream.indirect_vreg.gather [hbm4b:s7+s4], $0x80, v3, vm0, $0xb8;
	[tilespmem:$0x18200] =	vst v63  }
0x225: {  	s28 =	simm.s32 $0x7200  }
0x226: {  	[tilespmem:s28], [sflag:$0x2] =	stream.indirect_vreg.gather [hbm4b:s8+s4], $0x80, v3, vm0, $0xb8;
	[tilespmem:$0x18200] =	vst v63  }
0x227: {  	s29 =	simm.s32 $0x7A00  }
0x228: {  	[tilespmem:s29], [sflag:$0x2] =	stream.indirect_vreg.gather [hbm4b:s9+s4], $0x80, v3, vm0, $0xb8;
	[tilespmem:$0x18200] =	vst v63  }
0x229: {  	v3 =	vld [tilespmem:s22+$0x130];
	_ =	sdelay $0x4  }
0x22a: {  	v63 =	vshll.u32 v3, $0x3  }
0x22b: {  	v3 =	vand.u32 $0x7, v3;
	v4 =	vand.u32 $0xFFFFFFC0, v63  }
0x22c: {  	v3 =	vor.u32 v3, v4  }
0x22d: {  	v4 =	vperm.xlane v3, v0;
	_ =	sdelay $0x1  }
0x22e: {  	v4 =	vadd.s32 v1, v4;
	_ =	sdelay $0x3  }
0x22f: {  	s30 =	simm.s32 $0xC200  }
0x230: {  	[tilespmem:s30], [sflag:$0x2] =	stream.indirect_vreg.gather [hbm4b:s3+s4], $0x80, v4, vm0, $0xb8;
	[tilespmem:$0x18200] =	vst v63  }
0x231: {  	v3 =	vperm.xlane v3, v2  }
0x232: {  	[tilespmem:s31], [sflag:$0x2] =	stream.indirect_vreg.gather [hbm4b:s10+s4], $0x80, v4, vm0, $0xb8;
	[tilespmem:$0x18200] =	vst v63  }
0x233: {  	v3 =	vadd.s32 v1, v3  }
0x234: {  	[tilespmem:s0], [sflag:$0x2] =	stream.indirect_vreg.gather [hbm4b:s11+s4], $0x80, v4, vm0, $0xb8;
	[tilespmem:$0x18200] =	vst v63  }
0x235: {  	_ = 	snop  }
0x236: {  	[tilespmem:s2], [sflag:$0x2] =	stream.indirect_vreg.gather [hbm4b:s12+s4], $0x80, v4, vm0, $0xb8;
	[tilespmem:$0x18200] =	vst v63  }
0x237: {  	_ = 	snop  }
0x238: {  	[tilespmem:s17], [sflag:$0x2] =	stream.indirect_vreg.gather [hbm4b:s3+s4], $0x80, v3, vm0, $0xb8;
	[tilespmem:$0x18200] =	vst v63  }
0x239: {  	_ = 	snop  }
0x23a: {  	[tilespmem:s20], [sflag:$0x2] =	stream.indirect_vreg.gather [hbm4b:s10+s4], $0x80, v3, vm0, $0xb8;
	[tilespmem:$0x18200] =	vst v63  }
.Ltmp5:
0x23b: {  	_ = 	snop;
	(pc) =	sbr.rel .LBB2_2-.Ltmp5, $4  }
0x23c: {  	_ = 	snop  }
0x23d: {  	[tilespmem:s15], [sflag:$0x2] =	stream.indirect_vreg.gather [hbm4b:s11+s4], $0x80, v3, vm0, $0xb8;
	[tilespmem:$0x18200] =	vst v63  }
0x23e: {  	s21 =	sadd.s32 $0x1, s21  }
0x23f: {  	[tilespmem:s5], [sflag:$0x2] =	stream.indirect_vreg.gather [hbm4b:s12+s4], $0x80, v3, vm0, $0xb8;
	[tilespmem:$0x18200] =	vst v63  }
.LBB2_9:
0x240: {  	_ =	sfence.sel $0x180000  }
0x241: {  	[bflag:$0x0] =	sbarrier.arrive $0xFFFF  }
0x242: {  	_ =	strace $0x90000047  }
0x243: {  	s0 =	stileid.u32;
	[bflag:$0x2] =	sbarrier.arrive $0xFFFF  }
0x244: {  	p0 =	sne.s32 s0, $0x0;
	s0 =	rddreg [dreg:$0x5]  }
0x245: {  	s0 =	sadd.s32 @!p0 $0x100000, s0  }
0x246: {  	[sflag:s0] =	ssyncadd.tile.s32 @!p0 $0x1;
	_ =	shalt  }
.Lfunc_end2:
_tile_overlayer_lowered:
.L_overlay_start_2:
0x247: {  	(tag) =	ssettag $0x2  }
0x248: {  	s0 =	rddreg [dreg:$0x0];
	s2 =	stileid.u32  }
0x249: {  	s1 =	rddreg [dreg:$0x1];
	p0 =	sne.s32 s2, $0x0  }
0x24a: {  	s3 =	rddreg [dreg:$0x2];
	[bflag:$0x3] =	sbarrier.arrive $0xFFFF;
	s2 =	simm.s32 @!p0 $0x1C05  }
0x24b: {  	[timem:s3], [sflag:s2] =	dma.local @!p0 [hbm:s0], s1  }
0x24c: {  	s0 =	simm.s32 @!p0 $0x5  }
0x24d: {  	_ =	swait.ge @!p0 [sflag:s0], s1  }
0x24e: {  	s1 =	ssub.s32 @!p0 $0x0, s1;
	[sflag:s0] =	ssyncset.done @!p0 $0x0  }
0x24f: {  	[sflag:s0] =	ssyncadd.s32 @!p0 s1  }
0x250: {  	[bflag:$0x3] =	sbarrier.arrive $0xFFFF  }
0x251: {  	_ =	shalt  }

</sc_bundles>
